<compile_context>
chip_gen: v7x
topology: tpu7x:2x2x1
jax: 0.10.2.dev20260603
libtpu: 0.0.44.dev20260713+nightly
codegen_flags: <defaults>
</compile_context>

<pallas_src>
import functools

import jax
import jax.numpy as jnp
from jax import lax
from jax.experimental import pallas as pl
from jax.experimental.pallas import tpu as pltpu
from jax.experimental.pallas import tpu_sc as plsc

N = 10000
NP = 10240
E = 320000
D = 128
NC = 2
NS = 16
NW = NC * NS
EPT = E // NW
K = 80
NBUF = 4
NCH = EPT // K
KD = 10000
STRIPE = NP // NS
ZROWS = 32

_mesh = plsc.VectorSubcoreMesh(core_axis_name="core", subcore_axis_name="subcore")


def _zero_rows(zb, width):
  @pl.loop(0, ZROWS)
  def _(i):
    @pl.loop(0, width // 16)
    def _(j):
      zb[i, pl.ds(j * 16, 16)] = jnp.zeros((16,), jnp.float32)


@functools.partial(
    pl.kernel,
    out_type=jax.ShapeDtypeStruct((NC, 2, NP), jnp.float32),
    mesh=_mesh,
    scratch_types=[
        pltpu.VMEM_SHARED((NP,), jnp.float32),
        pltpu.VMEM_SHARED((NP,), jnp.float32),
        pltpu.VMEM((KD,), jnp.float32),
        pltpu.VMEM((KD,), jnp.int32),
        pltpu.VMEM((STRIPE,), jnp.float32),
    ],
)
def _degrees(src_hbm, dst_hbm, out_hbm, deg_s, deg_d, ones_v, idx_v, zb):
  cid = lax.axis_index("core")
  sid = lax.axis_index("subcore")
  wid = cid * NS + sid

  @pl.loop(0, STRIPE // 16)
  def _(i):
    zb[pl.ds(i * 16, 16)] = jnp.zeros((16,), jnp.float32)

  @pl.loop(0, KD // 16)
  def _(i):
    ones_v[pl.ds(i * 16, 16)] = jnp.full((16,), 1.0, jnp.float32)

  sl = pl.ds(sid * STRIPE, STRIPE)
  pltpu.sync_copy(zb, deg_s.at[sl])
  pltpu.sync_copy(zb, deg_d.at[sl])

  plsc.subcore_barrier()

  @pl.loop(0, EPT // KD)
  def _(c):
    base = wid * EPT + c * KD
    pltpu.sync_copy(src_hbm.at[pl.ds(base, KD)], idx_v)
    pltpu.sync_copy(ones_v, deg_s.at[idx_v], add=True)
    pltpu.sync_copy(dst_hbm.at[pl.ds(base, KD)], idx_v)
    pltpu.sync_copy(ones_v, deg_d.at[idx_v], add=True)

  plsc.subcore_barrier()

  pltpu.sync_copy(deg_s.at[sl], out_hbm.at[cid, 0, sl])
  pltpu.sync_copy(deg_d.at[sl], out_hbm.at[cid, 1, sl])


@functools.partial(
    pl.kernel,
    out_type=jax.ShapeDtypeStruct((NC, NP, D), jnp.float32),
    mesh=_mesh,
    scratch_types=[
        pltpu.VMEM_SHARED((NP, D), jnp.float32),
        [pltpu.VMEM((K, D), jnp.float32)] * NBUF,
        [pltpu.VMEM((K,), jnp.int32)] * NBUF,
        [pltpu.VMEM((K,), jnp.int32)] * NBUF,
        pltpu.VMEM((ZROWS, D), jnp.float32),
        [pltpu.SemaphoreType.DMA] * NBUF,
        [pltpu.SemaphoreType.DMA] * NBUF,
    ],
)
def _propagate(xs_hbm, src_hbm, dst_hbm, out_hbm, acc, rows, sidx, didx, zb,
               gsem, ssem):
  cid = lax.axis_index("core")
  sid = lax.axis_index("subcore")
  wid = cid * NS + sid

  _zero_rows(zb, D)

  @pl.loop(0, STRIPE // ZROWS)
  def _(r):
    pltpu.sync_copy(zb, acc.at[pl.ds(sid * STRIPE + r * ZROWS, ZROWS)])

  plsc.subcore_barrier()

  def load_idx_and_gather(c, b):
    base = wid * EPT + c * K
    pltpu.sync_copy(src_hbm.at[pl.ds(base, K)], sidx[b])
    pltpu.sync_copy(dst_hbm.at[pl.ds(base, K)], didx[b])
    pltpu.async_copy(xs_hbm.at[sidx[b]], rows[b], gsem[b])

  def wait_gather(b):
    pltpu.make_async_copy(xs_hbm.at[pl.ds(0, K)], rows[b], gsem[b]).wait()

  def wait_scatter(b):
    pltpu.make_async_copy(rows[b], acc.at[pl.ds(0, K)], ssem[b]).wait()

  for b in range(NBUF):
    load_idx_and_gather(b, b)

  @pl.loop(0, (NCH - 1) // NBUF)
  def _(i):
    for b in range(NBUF):
      c = i * NBUF + b
      wait_gather(b)
      pltpu.async_copy(rows[b], acc.at[didx[b]], ssem[b], add=True)

      @pl.when(c + NBUF < NCH)
      def _():
        wait_scatter(b)
        load_idx_and_gather(c + NBUF, b)

  wait_gather(0)
  pltpu.async_copy(rows[0], acc.at[didx[0]], ssem[0], add=True)
  for b in range(NBUF):
    wait_scatter(b)

  plsc.subcore_barrier()

  sl = pl.ds(sid * STRIPE, STRIPE)
  pltpu.sync_copy(acc.at[sl], out_hbm.at[cid, sl])


def _norm_cols(degp, col):
  deg = degp[0, col] + degp[1, col]
  ns = jnp.where(deg > 0, lax.rsqrt(deg), 0.0)
  return ns[:, None]


def _prep_body(x_ref, degp_ref, xs_ref):
  ns = _norm_cols(degp_ref[...], 0)
  xs_ref[...] = x_ref[...] * ns[:N]


_prep = pl.pallas_call(
    _prep_body, out_shape=jax.ShapeDtypeStruct((N, D), jnp.float32))


def _mid_body(accp_ref, degp_ref, w_ref, b_ref, o_ref):
  degp = degp_ref[...]
  nd = _norm_cols(degp, 1)
  ns = _norm_cols(degp, 0)
  agg = (accp_ref[0, :N] + accp_ref[1, :N]) * nd[:N]
  h = jnp.dot(agg, w_ref[...], preferred_element_type=jnp.float32) + b_ref[...]
  h = jnp.maximum(h, 0.0)
  o_ref[...] = h * ns[:N]


_mid = pl.pallas_call(
    _mid_body, out_shape=jax.ShapeDtypeStruct((N, D), jnp.float32))


def _fin_body(accp_ref, degp_ref, w_ref, b_ref, o_ref):
  nd = _norm_cols(degp_ref[...], 1)
  agg = (accp_ref[0, :N] + accp_ref[1, :N]) * nd[:N]
  o_ref[...] = (
      jnp.dot(agg, w_ref[...], preferred_element_type=jnp.float32) + b_ref[...])


_fin = pl.pallas_call(
    _fin_body, out_shape=jax.ShapeDtypeStruct((N, D), jnp.float32))


@jax.jit
def kernel(x, edge_index, W1, b1, W2, b2):
  src = edge_index[0]
  dst = edge_index[1]
  degp = _degrees(src, dst)
  xs1 = _prep(x, degp)
  accp1 = _propagate(xs1, src, dst)
  xs2 = _mid(accp1, degp, W1, b1)
  accp2 = _propagate(xs2, src, dst)
  return _fin(accp2, degp, W2, b2)

# --- scband reference (transcript-rebuilt; emitter-appended) ---
"""Pipeline reference for scband-gcn-56616258895898 (READ-ONLY COPY).

The authoritative reference and input builder live on the scoring server;
editing this copy changes nothing except your own understanding.
"""

import jax, jax.numpy as jnp
import numpy as np

N = 10000
E = 320000
D_IN = 128
D_HID = 128
D_OUT = 128


def setup_inputs(seed: int = 0) -> dict:
    key = jax.random.key(seed)
    k1, k2, k3, k4, k5, k6 = jax.random.split(key, 6)
    x = jax.random.normal(k1, (N, D_IN), dtype=jnp.float32)
    edge_index = jax.random.randint(k2, (2, E), 0, N, dtype=jnp.int32)
    W1 = jax.random.normal(k3, (D_IN, D_HID), dtype=jnp.float32) * (1.0 / np.sqrt(D_IN))
    b1 = jnp.zeros((D_HID,), dtype=jnp.float32)
    W2 = jax.random.normal(k4, (D_HID, D_OUT), dtype=jnp.float32) * (1.0 / np.sqrt(D_HID))
    b2 = jnp.zeros((D_OUT,), dtype=jnp.float32)
    return {"x": x, "edge_index": edge_index, "W1": W1, "b1": b1, "W2": W2, "b2": b2}


def reference(x, edge_index, W1, b1, W2, b2):
    # GCN (DGL GraphConv, norm='both'): h' = D_dst^{-1/2} A D_src^{-1/2} h W + b
    src = edge_index[0]
    dst = edge_index[1]
    ones = jnp.ones((E,), dtype=x.dtype)
    out_deg = jax.ops.segment_sum(ones, src, num_segments=N)
    in_deg = jax.ops.segment_sum(ones, dst, num_segments=N)
    norm_src = jnp.where(out_deg > 0, out_deg, 1.0) ** -0.5
    norm_src = jnp.where(out_deg > 0, norm_src, 0.0)
    norm_dst = jnp.where(in_deg > 0, in_deg, 1.0) ** -0.5
    norm_dst = jnp.where(in_deg > 0, norm_dst, 0.0)

    def conv(h, W, b):
        h = h * norm_src[:, None]
        msg = h[src]  # gather over edges
        agg = jax.ops.segment_sum(msg, dst, num_segments=N)  # scatter-add
        agg = agg * norm_dst[:, None]
        return agg @ W + b

    # dropout = 0.0 / eval mode -> identity
    h = jax.nn.relu(conv(x, W1, b1))
    h = conv(h, W2, b2)  # final layer, no activation
    return h

if __name__ == "__main__":
    import jax
    _d = setup_inputs()
    print(jax.jit(kernel)(*tuple(_d.values())))

</pallas_src>

<mosaic_0001>
#map = affine_map<(d0, d1) -> (0)>
#map1 = affine_map<(d0, d1) -> (0, 0, 0)>
module attributes {stable_mosaic.version = 14 : i64} {
  func.func @_degrees(%arg0: i32, %arg1: i32, %arg2: memref<320000xi32, #tpu.memory_space<hbm>>, %arg3: memref<320000xi32, #tpu.memory_space<hbm>>, %arg4: memref<2x2x10240xf32, #tpu.memory_space<hbm>>, %arg5: memref<10240xf32, #tpu.memory_space<vmem_shared>>, %arg6: memref<10240xf32, #tpu.memory_space<vmem_shared>>, %arg7: memref<10000xf32, #tpu.memory_space<vmem>>, %arg8: memref<10000xi32, #tpu.memory_space<vmem>>, %arg9: memref<640xf32, #tpu.memory_space<vmem>>) attributes {dimension_semantics = [#tpu.dimension_semantics<core_parallel>, #tpu.dimension_semantics<subcore_parallel>], iteration_bounds = array<i64: 2, 16>, scalar_prefetch = 0 : i64, scratch_operands = 5 : i64, tpu.core_type = #tpu.core_type<sc_vector_subcore>, window_params = [{transform_indices = #map}, {transform_indices = #map}, {transform_indices = #map1}]} {
    %mul3A = arith.constant 16 : i32
    %mul3A_0 = arith.muli %arg0, %mul3A : i32
    %add3A = arith.addi %mul3A_0, %arg1 : i32
    %scan3A = arith.constant 0 : i32
    %scan3A_1 = arith.constant 40 : i32
    %scan3A_2 = arith.addi %scan3A, %scan3A_1 : i32
    %scan3A_3 = arith.constant 1 : i32
    scf.for %scan3A_25 = %scan3A to %scan3A_2 step %scan3A_3  : i32 {
      %mul3A_26 = arith.constant 1 : i32
      %mul3A_27 = arith.muli %scan3A_25, %mul3A_26 : i32
      %add3A_28 = arith.constant 0 : i32
      %add3A_29 = arith.addi %add3A_28, %mul3A_27 : i32
      %broadcast_in_dim3A = arith.constant 0.000000e+00 : f32
      %broadcast_in_dim3A_30 = vector.broadcast %broadcast_in_dim3A : f32 to vector<16xf32>
      %mul3A_31 = arith.constant 16 : i32
      %mul3A_32 = arith.muli %add3A_29, %mul3A_31 : i32
      %swap3A = arith.index_cast %mul3A_32 : i32 to index
      %swap3A_33 = tpu.vector_load %arg9[%swap3A] {strides = array<i32>} : memref<640xf32, #tpu.memory_space<vmem>>, vector<16xf32>,
      %swap3A_34 = vector.shape_cast %swap3A_33 : vector<16xf32> to vector<16xf32>
      %swap3A_35 = vector.shape_cast %broadcast_in_dim3A_30 : vector<16xf32> to vector<16xf32>
      tpu.vector_store %arg9[%swap3A], %swap3A_35 {strides = array<i32>} : memref<640xf32, #tpu.memory_space<vmem>>, vector<16xf32>,
    }
    %scan3A_4 = arith.constant 40 : i32
    %scan3A_5 = arith.constant 0 : i32
    %scan3A_6 = arith.constant 625 : i32
    %scan3A_7 = arith.addi %scan3A_5, %scan3A_6 : i32
    %scan3A_8 = arith.constant 1 : i32
    scf.for %scan3A_25 = %scan3A_5 to %scan3A_7 step %scan3A_8  : i32 {
      %mul3A_26 = arith.constant 1 : i32
      %mul3A_27 = arith.muli %scan3A_25, %mul3A_26 : i32
      %add3A_28 = arith.constant 0 : i32
      %add3A_29 = arith.addi %add3A_28, %mul3A_27 : i32
      %broadcast_in_dim3A = arith.constant 1.000000e+00 : f32
      %broadcast_in_dim3A_30 = vector.broadcast %broadcast_in_dim3A : f32 to vector<16xf32>
      %mul3A_31 = arith.constant 16 : i32
      %mul3A_32 = arith.muli %add3A_29, %mul3A_31 : i32
      %swap3A = arith.index_cast %mul3A_32 : i32 to index
      %swap3A_33 = tpu.vector_load %arg7[%swap3A] {strides = array<i32>} : memref<10000xf32, #tpu.memory_space<vmem>>, vector<16xf32>,
      %swap3A_34 = vector.shape_cast %swap3A_33 : vector<16xf32> to vector<16xf32>
      %swap3A_35 = vector.shape_cast %broadcast_in_dim3A_30 : vector<16xf32> to vector<16xf32>
      tpu.vector_store %arg7[%swap3A], %swap3A_35 {strides = array<i32>} : memref<10000xf32, #tpu.memory_space<vmem>>, vector<16xf32>,
    }
    %scan3A_9 = arith.constant 625 : i32
    %mul3A_10 = arith.constant 640 : i32
    %mul3A_11 = arith.muli %arg1, %mul3A_10 : i32
    "tpu.region"() ({
      %run_scoped3A_25 = tpu.sem_alloc : memref<!tpu.dma_semaphore, #tpu.memory_space<semaphore_mem>>
      %dma_start3A = tpu.memref_slice %arg5[%mul3A_11] : memref<10240xf32, #tpu.memory_space<vmem_shared>> -> memref<640xf32, #tpu.memory_space<vmem_shared>>
      %dma_start3A_26 = tpu.memref_slice %arg5[%mul3A_11] : memref<10240xf32, #tpu.memory_space<vmem_shared>> -> memref<640xf32, #tpu.memory_space<vmem_shared>>
      tpu.enqueue_dma source(%arg9 : memref<640xf32, #tpu.memory_space<vmem>>) target(%dma_start3A_26 : memref<640xf32, #tpu.memory_space<vmem_shared>>) target_semaphore(%run_scoped3A_25 : memref<!tpu.dma_semaphore, #tpu.memory_space<semaphore_mem>>)
      %dma_wait3A = tpu.memref_slice %arg5[%mul3A_11] : memref<10240xf32, #tpu.memory_space<vmem_shared>> -> memref<640xf32, #tpu.memory_space<vmem_shared>>
      %dma_wait3A_27 = tpu.memref_slice %arg5[%mul3A_11] : memref<10240xf32, #tpu.memory_space<vmem_shared>> -> memref<640xf32, #tpu.memory_space<vmem_shared>>
      tpu.wait_dma2 semaphore(%run_scoped3A_25 : memref<!tpu.dma_semaphore, #tpu.memory_space<semaphore_mem>>) src(%arg9 : memref<640xf32, #tpu.memory_space<vmem>>) dst(%dma_wait3A_27 : memref<640xf32, #tpu.memory_space<vmem_shared>>)
      tpu.yield
    }) : () -> ()
    "tpu.region"() ({
      %run_scoped3A_25 = tpu.sem_alloc : memref<!tpu.dma_semaphore, #tpu.memory_space<semaphore_mem>>
      %dma_start3A = tpu.memref_slice %arg6[%mul3A_11] : memref<10240xf32, #tpu.memory_space<vmem_shared>> -> memref<640xf32, #tpu.memory_space<vmem_shared>>
      %dma_start3A_26 = tpu.memref_slice %arg6[%mul3A_11] : memref<10240xf32, #tpu.memory_space<vmem_shared>> -> memref<640xf32, #tpu.memory_space<vmem_shared>>
      tpu.enqueue_dma source(%arg9 : memref<640xf32, #tpu.memory_space<vmem>>) target(%dma_start3A_26 : memref<640xf32, #tpu.memory_space<vmem_shared>>) target_semaphore(%run_scoped3A_25 : memref<!tpu.dma_semaphore, #tpu.memory_space<semaphore_mem>>)
      %dma_wait3A = tpu.memref_slice %arg6[%mul3A_11] : memref<10240xf32, #tpu.memory_space<vmem_shared>> -> memref<640xf32, #tpu.memory_space<vmem_shared>>
      %dma_wait3A_27 = tpu.memref_slice %arg6[%mul3A_11] : memref<10240xf32, #tpu.memory_space<vmem_shared>> -> memref<640xf32, #tpu.memory_space<vmem_shared>>
      tpu.wait_dma2 semaphore(%run_scoped3A_25 : memref<!tpu.dma_semaphore, #tpu.memory_space<semaphore_mem>>) src(%arg9 : memref<640xf32, #tpu.memory_space<vmem>>) dst(%dma_wait3A_27 : memref<640xf32, #tpu.memory_space<vmem_shared>>)
      tpu.yield
    }) : () -> ()
    %barrier3A = arith.constant 0 : index
    tpu.barrier barrier_id(%barrier3A)
    %scan3A_12 = arith.constant 0 : i32
    %mul3A_13 = arith.constant 1 : i32
    %mul3A_14 = arith.muli %scan3A_12, %mul3A_13 : i32
    %add3A_15 = arith.constant 0 : i32
    %add3A_16 = arith.addi %add3A_15, %mul3A_14 : i32
    %mul3A_17 = arith.constant 10000 : i32
    %mul3A_18 = arith.muli %add3A, %mul3A_17 : i32
    %mul3A_19 = arith.constant 10000 : i32
    %mul3A_20 = arith.muli %add3A_16, %mul3A_19 : i32
    %add3A_21 = arith.addi %mul3A_18, %mul3A_20 : i32
    "tpu.region"() ({
      %run_scoped3A_25 = tpu.sem_alloc : memref<!tpu.dma_semaphore, #tpu.memory_space<semaphore_mem>>
      %dma_start3A = tpu.memref_slice %arg2[%add3A_21] : memref<320000xi32, #tpu.memory_space<hbm>> -> memref<10000xi32, #tpu.memory_space<hbm>>
      %dma_start3A_26 = tpu.memref_slice %arg2[%add3A_21] : memref<320000xi32, #tpu.memory_space<hbm>> -> memref<10000xi32, #tpu.memory_space<hbm>>
      tpu.enqueue_dma source(%dma_start3A_26 : memref<10000xi32, #tpu.memory_space<hbm>>) target(%arg8 : memref<10000xi32, #tpu.memory_space<vmem>>) target_semaphore(%run_scoped3A_25 : memref<!tpu.dma_semaphore, #tpu.memory_space<semaphore_mem>>)
      %dma_wait3A = tpu.memref_slice %arg2[%add3A_21] : memref<320000xi32, #tpu.memory_space<hbm>> -> memref<10000xi32, #tpu.memory_space<hbm>>
      %dma_wait3A_27 = tpu.memref_slice %arg2[%add3A_21] : memref<320000xi32, #tpu.memory_space<hbm>> -> memref<10000xi32, #tpu.memory_space<hbm>>
      tpu.wait_dma2 semaphore(%run_scoped3A_25 : memref<!tpu.dma_semaphore, #tpu.memory_space<semaphore_mem>>) src(%dma_wait3A_27 : memref<10000xi32, #tpu.memory_space<hbm>>) dst(%arg8 : memref<10000xi32, #tpu.memory_space<vmem>>)
      tpu.yield
    }) : () -> ()
    "tpu.region"() ({
      %run_scoped3A_25 = tpu.sem_alloc : memref<!tpu.dma_semaphore, #tpu.memory_space<semaphore_mem>>
      %dma_start3A = arith.constant 0 : i32
      %dma_start3A_26 = tpu.memref_slice %arg5[%dma_start3A] : memref<10240xf32, #tpu.memory_space<vmem_shared>> -> memref<10240xf32, #tpu.memory_space<vmem_shared>>
      tpu.enqueue_indirect_dma source(%arg7 : memref<10000xf32, #tpu.memory_space<vmem>>) target(%dma_start3A_26 : memref<10240xf32, #tpu.memory_space<vmem_shared>>) offsets(%arg8 : memref<10000xi32, #tpu.memory_space<vmem>>) semaphore(%run_scoped3A_25 : memref<!tpu.dma_semaphore, #tpu.memory_space<semaphore_mem>>) {add = true}
      %dma_wait3A = arith.constant 0 : i32
      %dma_wait3A_27 = tpu.memref_slice %arg5[%dma_wait3A] : memref<10240xf32, #tpu.memory_space<vmem_shared>> -> memref<10240xf32, #tpu.memory_space<vmem_shared>>
      tpu.wait_indirect_dma semaphore(%run_scoped3A_25 : memref<!tpu.dma_semaphore, #tpu.memory_space<semaphore_mem>>) src(%arg7 : memref<10000xf32, #tpu.memory_space<vmem>>) dst(%dma_wait3A_27 : memref<10240xf32, #tpu.memory_space<vmem_shared>>)
      tpu.yield
    }) : () -> ()
    "tpu.region"() ({
      %run_scoped3A_25 = tpu.sem_alloc : memref<!tpu.dma_semaphore, #tpu.memory_space<semaphore_mem>>
      %dma_start3A = tpu.memref_slice %arg3[%add3A_21] : memref<320000xi32, #tpu.memory_space<hbm>> -> memref<10000xi32, #tpu.memory_space<hbm>>
      %dma_start3A_26 = tpu.memref_slice %arg3[%add3A_21] : memref<320000xi32, #tpu.memory_space<hbm>> -> memref<10000xi32, #tpu.memory_space<hbm>>
      tpu.enqueue_dma source(%dma_start3A_26 : memref<10000xi32, #tpu.memory_space<hbm>>) target(%arg8 : memref<10000xi32, #tpu.memory_space<vmem>>) target_semaphore(%run_scoped3A_25 : memref<!tpu.dma_semaphore, #tpu.memory_space<semaphore_mem>>)
      %dma_wait3A = tpu.memref_slice %arg3[%add3A_21] : memref<320000xi32, #tpu.memory_space<hbm>> -> memref<10000xi32, #tpu.memory_space<hbm>>
      %dma_wait3A_27 = tpu.memref_slice %arg3[%add3A_21] : memref<320000xi32, #tpu.memory_space<hbm>> -> memref<10000xi32, #tpu.memory_space<hbm>>
      tpu.wait_dma2 semaphore(%run_scoped3A_25 : memref<!tpu.dma_semaphore, #tpu.memory_space<semaphore_mem>>) src(%dma_wait3A_27 : memref<10000xi32, #tpu.memory_space<hbm>>) dst(%arg8 : memref<10000xi32, #tpu.memory_space<vmem>>)
      tpu.yield
    }) : () -> ()
    "tpu.region"() ({
      %run_scoped3A_25 = tpu.sem_alloc : memref<!tpu.dma_semaphore, #tpu.memory_space<semaphore_mem>>
      %dma_start3A = arith.constant 0 : i32
      %dma_start3A_26 = tpu.memref_slice %arg6[%dma_start3A] : memref<10240xf32, #tpu.memory_space<vmem_shared>> -> memref<10240xf32, #tpu.memory_space<vmem_shared>>
      tpu.enqueue_indirect_dma source(%arg7 : memref<10000xf32, #tpu.memory_space<vmem>>) target(%dma_start3A_26 : memref<10240xf32, #tpu.memory_space<vmem_shared>>) offsets(%arg8 : memref<10000xi32, #tpu.memory_space<vmem>>) semaphore(%run_scoped3A_25 : memref<!tpu.dma_semaphore, #tpu.memory_space<semaphore_mem>>) {add = true}
      %dma_wait3A = arith.constant 0 : i32
      %dma_wait3A_27 = tpu.memref_slice %arg6[%dma_wait3A] : memref<10240xf32, #tpu.memory_space<vmem_shared>> -> memref<10240xf32, #tpu.memory_space<vmem_shared>>
      tpu.wait_indirect_dma semaphore(%run_scoped3A_25 : memref<!tpu.dma_semaphore, #tpu.memory_space<semaphore_mem>>) src(%arg7 : memref<10000xf32, #tpu.memory_space<vmem>>) dst(%dma_wait3A_27 : memref<10240xf32, #tpu.memory_space<vmem_shared>>)
      tpu.yield
    }) : () -> ()
    %scan3A_22 = arith.constant 1 : i32
    %barrier3A_23 = arith.constant 0 : index
    tpu.barrier barrier_id(%barrier3A_23)
    %run_scoped3A = arith.constant 0 : i32
    "tpu.region"() ({
      %run_scoped3A_25 = tpu.sem_alloc : memref<!tpu.dma_semaphore, #tpu.memory_space<semaphore_mem>>
      %dma_start3A = tpu.memref_slice %arg4[%arg0, %run_scoped3A, %mul3A_11] : memref<2x2x10240xf32, #tpu.memory_space<hbm>> -> memref<1x1x640xf32, #tpu.memory_space<hbm>>
      %dma_start3A_26 = tpu.memref_squeeze %dma_start3A : memref<1x1x640xf32, #tpu.memory_space<hbm>> -> memref<640xf32, #tpu.memory_space<hbm>>
      %dma_start3A_27 = tpu.memref_slice %arg5[%mul3A_11] : memref<10240xf32, #tpu.memory_space<vmem_shared>> -> memref<640xf32, #tpu.memory_space<vmem_shared>>
      tpu.enqueue_dma source(%dma_start3A_27 : memref<640xf32, #tpu.memory_space<vmem_shared>>) target(%dma_start3A_26 : memref<640xf32, #tpu.memory_space<hbm>>) target_semaphore(%run_scoped3A_25 : memref<!tpu.dma_semaphore, #tpu.memory_space<semaphore_mem>>)
      %dma_wait3A = tpu.memref_slice %arg4[%arg0, %run_scoped3A, %mul3A_11] : memref<2x2x10240xf32, #tpu.memory_space<hbm>> -> memref<1x1x640xf32, #tpu.memory_space<hbm>>
      %dma_wait3A_28 = tpu.memref_squeeze %dma_wait3A : memref<1x1x640xf32, #tpu.memory_space<hbm>> -> memref<640xf32, #tpu.memory_space<hbm>>
      %dma_wait3A_29 = tpu.memref_slice %arg5[%mul3A_11] : memref<10240xf32, #tpu.memory_space<vmem_shared>> -> memref<640xf32, #tpu.memory_space<vmem_shared>>
      tpu.wait_dma2 semaphore(%run_scoped3A_25 : memref<!tpu.dma_semaphore, #tpu.memory_space<semaphore_mem>>) src(%dma_wait3A_29 : memref<640xf32, #tpu.memory_space<vmem_shared>>) dst(%dma_wait3A_28 : memref<640xf32, #tpu.memory_space<hbm>>)
      tpu.yield
    }) : () -> ()
    %run_scoped3A_24 = arith.constant 1 : i32
    "tpu.region"() ({
      %run_scoped3A_25 = tpu.sem_alloc : memref<!tpu.dma_semaphore, #tpu.memory_space<semaphore_mem>>
      %dma_start3A = tpu.memref_slice %arg4[%arg0, %run_scoped3A_24, %mul3A_11] : memref<2x2x10240xf32, #tpu.memory_space<hbm>> -> memref<1x1x640xf32, #tpu.memory_space<hbm>>
      %dma_start3A_26 = tpu.memref_squeeze %dma_start3A : memref<1x1x640xf32, #tpu.memory_space<hbm>> -> memref<640xf32, #tpu.memory_space<hbm>>
      %dma_start3A_27 = tpu.memref_slice %arg6[%mul3A_11] : memref<10240xf32, #tpu.memory_space<vmem_shared>> -> memref<640xf32, #tpu.memory_space<vmem_shared>>
      tpu.enqueue_dma source(%dma_start3A_27 : memref<640xf32, #tpu.memory_space<vmem_shared>>) target(%dma_start3A_26 : memref<640xf32, #tpu.memory_space<hbm>>) target_semaphore(%run_scoped3A_25 : memref<!tpu.dma_semaphore, #tpu.memory_space<semaphore_mem>>)
      %dma_wait3A = tpu.memref_slice %arg4[%arg0, %run_scoped3A_24, %mul3A_11] : memref<2x2x10240xf32, #tpu.memory_space<hbm>> -> memref<1x1x640xf32, #tpu.memory_space<hbm>>
      %dma_wait3A_28 = tpu.memref_squeeze %dma_wait3A : memref<1x1x640xf32, #tpu.memory_space<hbm>> -> memref<640xf32, #tpu.memory_space<hbm>>
      %dma_wait3A_29 = tpu.memref_slice %arg6[%mul3A_11] : memref<10240xf32, #tpu.memory_space<vmem_shared>> -> memref<640xf32, #tpu.memory_space<vmem_shared>>
      tpu.wait_dma2 semaphore(%run_scoped3A_25 : memref<!tpu.dma_semaphore, #tpu.memory_space<semaphore_mem>>) src(%dma_wait3A_29 : memref<640xf32, #tpu.memory_space<vmem_shared>>) dst(%dma_wait3A_28 : memref<640xf32, #tpu.memory_space<hbm>>)
      tpu.yield
    }) : () -> ()
    return
  }
}

#map = affine_map<(d0, d1) -> (0, 0)>
#map1 = affine_map<(d0, d1) -> (0)>
#map2 = affine_map<(d0, d1) -> (0, 0, 0)>
module attributes {stable_mosaic.version = 14 : i64} {
  func.func @_propagate(%arg0: i32, %arg1: i32, %arg2: memref<10000x128xf32, #tpu.memory_space<hbm>>, %arg3: memref<320000xi32, #tpu.memory_space<hbm>>, %arg4: memref<320000xi32, #tpu.memory_space<hbm>>, %arg5: memref<2x10240x128xf32, #tpu.memory_space<hbm>>, %arg6: memref<10240x128xf32, #tpu.memory_space<vmem_shared>>, %arg7: memref<80x128xf32, #tpu.memory_space<vmem>>, %arg8: memref<80x128xf32, #tpu.memory_space<vmem>>, %arg9: memref<80x128xf32, #tpu.memory_space<vmem>>, %arg10: memref<80x128xf32, #tpu.memory_space<vmem>>, %arg11: memref<80xi32, #tpu.memory_space<vmem>>, %arg12: memref<80xi32, #tpu.memory_space<vmem>>, %arg13: memref<80xi32, #tpu.memory_space<vmem>>, %arg14: memref<80xi32, #tpu.memory_space<vmem>>, %arg15: memref<80xi32, #tpu.memory_space<vmem>>, %arg16: memref<80xi32, #tpu.memory_space<vmem>>, %arg17: memref<80xi32, #tpu.memory_space<vmem>>, %arg18: memref<80xi32, #tpu.memory_space<vmem>>, %arg19: memref<32x128xf32, #tpu.memory_space<vmem>>, %arg20: memref<!tpu.dma_semaphore, #tpu.memory_space<semaphore_mem>>, %arg21: memref<!tpu.dma_semaphore, #tpu.memory_space<semaphore_mem>>, %arg22: memref<!tpu.dma_semaphore, #tpu.memory_space<semaphore_mem>>, %arg23: memref<!tpu.dma_semaphore, #tpu.memory_space<semaphore_mem>>, %arg24: memref<!tpu.dma_semaphore, #tpu.memory_space<semaphore_mem>>, %arg25: memref<!tpu.dma_semaphore, #tpu.memory_space<semaphore_mem>>, %arg26: memref<!tpu.dma_semaphore, #tpu.memory_space<semaphore_mem>>, %arg27: memref<!tpu.dma_semaphore, #tpu.memory_space<semaphore_mem>>) attributes {dimension_semantics = [#tpu.dimension_semantics<core_parallel>, #tpu.dimension_semantics<subcore_parallel>], iteration_bounds = array<i64: 2, 16>, scalar_prefetch = 0 : i64, scratch_operands = 22 : i64, tpu.core_type = #tpu.core_type<sc_vector_subcore>, window_params = [{transform_indices = #map}, {transform_indices = #map1}, {transform_indices = #map1}, {transform_indices = #map2}]} {
    %mul3A = arith.constant 16 : i32
    %mul3A_0 = arith.muli %arg0, %mul3A : i32
    %add3A = arith.addi %mul3A_0, %arg1 : i32
    %scan3A = arith.constant 0 : i32
    %scan3A_1 = arith.constant 32 : i32
    %scan3A_2 = arith.addi %scan3A, %scan3A_1 : i32
    %scan3A_3 = arith.constant 1 : i32
    scf.for %scan3A_77 = %scan3A to %scan3A_2 step %scan3A_3  : i32 {
      %mul3A_78 = arith.constant 1 : i32
      %mul3A_79 = arith.muli %scan3A_77, %mul3A_78 : i32
      %add3A_80 = arith.constant 0 : i32
      %add3A_81 = arith.addi %add3A_80, %mul3A_79 : i32
      %scan3A_82 = arith.constant 0 : i32
      %scan3A_83 = arith.constant 8 : i32
      %scan3A_84 = arith.addi %scan3A_82, %scan3A_83 : i32
      %scan3A_85 = arith.constant 1 : i32
      scf.for %scan3A_87 = %scan3A_82 to %scan3A_84 step %scan3A_85  : i32 {
        %mul3A_88 = arith.constant 1 : i32
        %mul3A_89 = arith.muli %scan3A_87, %mul3A_88 : i32
        %add3A_90 = arith.constant 0 : i32
        %add3A_91 = arith.addi %add3A_90, %mul3A_89 : i32
        %broadcast_in_dim3A = arith.constant 0.000000e+00 : f32
        %broadcast_in_dim3A_92 = vector.broadcast %broadcast_in_dim3A : f32 to vector<16xf32>
        %mul3A_93 = arith.constant 16 : i32
        %mul3A_94 = arith.muli %add3A_91, %mul3A_93 : i32
        %swap3A = arith.index_cast %add3A_81 : i32 to index
        %swap3A_95 = arith.index_cast %mul3A_94 : i32 to index
        %swap3A_96 = tpu.vector_load %arg19[%swap3A, %swap3A_95] {strides = array<i32>} : memref<32x128xf32, #tpu.memory_space<vmem>>, vector<1x16xf32>,
        %swap3A_97 = vector.shape_cast %swap3A_96 : vector<1x16xf32> to vector<16xf32>
        %swap3A_98 = vector.shape_cast %broadcast_in_dim3A_92 : vector<16xf32> to vector<1x16xf32>
        tpu.vector_store %arg19[%swap3A, %swap3A_95], %swap3A_98 {strides = array<i32>} : memref<32x128xf32, #tpu.memory_space<vmem>>, vector<1x16xf32>,
      }
      %scan3A_86 = arith.constant 8 : i32
    }
    %scan3A_4 = arith.constant 32 : i32
    %scan3A_5 = arith.constant 0 : i32
    %scan3A_6 = arith.constant 20 : i32
    %scan3A_7 = arith.addi %scan3A_5, %scan3A_6 : i32
    %scan3A_8 = arith.constant 1 : i32
    scf.for %scan3A_77 = %scan3A_5 to %scan3A_7 step %scan3A_8  : i32 {
      %mul3A_78 = arith.constant 1 : i32
      %mul3A_79 = arith.muli %scan3A_77, %mul3A_78 : i32
      %add3A_80 = arith.constant 0 : i32
      %add3A_81 = arith.addi %add3A_80, %mul3A_79 : i32
      %mul3A_82 = arith.constant 640 : i32
      %mul3A_83 = arith.muli %arg1, %mul3A_82 : i32
      %mul3A_84 = arith.constant 32 : i32
      %mul3A_85 = arith.muli %add3A_81, %mul3A_84 : i32
      %add3A_86 = arith.addi %mul3A_83, %mul3A_85 : i32
      "tpu.region"() ({
        %run_scoped3A = tpu.sem_alloc : memref<!tpu.dma_semaphore, #tpu.memory_space<semaphore_mem>>
        %dma_start3A_87 = arith.constant 0 : i32
        %dma_start3A_88 = tpu.memref_slice %arg6[%add3A_86, %dma_start3A_87] : memref<10240x128xf32, #tpu.memory_space<vmem_shared>> -> memref<32x128xf32, #tpu.memory_space<vmem_shared>>
        %dma_start3A_89 = arith.constant 0 : i32
        %dma_start3A_90 = tpu.memref_slice %arg6[%add3A_86, %dma_start3A_89] : memref<10240x128xf32, #tpu.memory_space<vmem_shared>> -> memref<32x128xf32, #tpu.memory_space<vmem_shared>>
        tpu.enqueue_dma source(%arg19 : memref<32x128xf32, #tpu.memory_space<vmem>>) target(%dma_start3A_90 : memref<32x128xf32, #tpu.memory_space<vmem_shared>>) target_semaphore(%run_scoped3A : memref<!tpu.dma_semaphore, #tpu.memory_space<semaphore_mem>>)
        %dma_wait3A_91 = arith.constant 0 : i32
        %dma_wait3A_92 = tpu.memref_slice %arg6[%add3A_86, %dma_wait3A_91] : memref<10240x128xf32, #tpu.memory_space<vmem_shared>> -> memref<32x128xf32, #tpu.memory_space<vmem_shared>>
        %dma_wait3A_93 = arith.constant 0 : i32
        %dma_wait3A_94 = tpu.memref_slice %arg6[%add3A_86, %dma_wait3A_93] : memref<10240x128xf32, #tpu.memory_space<vmem_shared>> -> memref<32x128xf32, #tpu.memory_space<vmem_shared>>
        tpu.wait_dma2 semaphore(%run_scoped3A : memref<!tpu.dma_semaphore, #tpu.memory_space<semaphore_mem>>) src(%arg19 : memref<32x128xf32, #tpu.memory_space<vmem>>) dst(%dma_wait3A_94 : memref<32x128xf32, #tpu.memory_space<vmem_shared>>)
        tpu.yield
      }) : () -> ()
    }
    %scan3A_9 = arith.constant 20 : i32
    %barrier3A = arith.constant 0 : index
    tpu.barrier barrier_id(%barrier3A)
    %mul3A_10 = arith.constant 10000 : i32
    %mul3A_11 = arith.muli %add3A, %mul3A_10 : i32
    %add3A_12 = arith.constant 0 : i32
    %add3A_13 = arith.addi %mul3A_11, %add3A_12 : i32
    "tpu.region"() ({
      %run_scoped3A = tpu.sem_alloc : memref<!tpu.dma_semaphore, #tpu.memory_space<semaphore_mem>>
      %dma_start3A_77 = tpu.memref_slice %arg3[%add3A_13] : memref<320000xi32, #tpu.memory_space<hbm>> -> memref<80xi32, #tpu.memory_space<hbm>>
      %dma_start3A_78 = tpu.memref_slice %arg3[%add3A_13] : memref<320000xi32, #tpu.memory_space<hbm>> -> memref<80xi32, #tpu.memory_space<hbm>>
      tpu.enqueue_dma source(%dma_start3A_78 : memref<80xi32, #tpu.memory_space<hbm>>) target(%arg11 : memref<80xi32, #tpu.memory_space<vmem>>) target_semaphore(%run_scoped3A : memref<!tpu.dma_semaphore, #tpu.memory_space<semaphore_mem>>)
      %dma_wait3A_79 = tpu.memref_slice %arg3[%add3A_13] : memref<320000xi32, #tpu.memory_space<hbm>> -> memref<80xi32, #tpu.memory_space<hbm>>
      %dma_wait3A_80 = tpu.memref_slice %arg3[%add3A_13] : memref<320000xi32, #tpu.memory_space<hbm>> -> memref<80xi32, #tpu.memory_space<hbm>>
      tpu.wait_dma2 semaphore(%run_scoped3A : memref<!tpu.dma_semaphore, #tpu.memory_space<semaphore_mem>>) src(%dma_wait3A_80 : memref<80xi32, #tpu.memory_space<hbm>>) dst(%arg11 : memref<80xi32, #tpu.memory_space<vmem>>)
      tpu.yield
    }) : () -> ()
    "tpu.region"() ({
      %run_scoped3A = tpu.sem_alloc : memref<!tpu.dma_semaphore, #tpu.memory_space<semaphore_mem>>
      %dma_start3A_77 = tpu.memref_slice %arg4[%add3A_13] : memref<320000xi32, #tpu.memory_space<hbm>> -> memref<80xi32, #tpu.memory_space<hbm>>
      %dma_start3A_78 = tpu.memref_slice %arg4[%add3A_13] : memref<320000xi32, #tpu.memory_space<hbm>> -> memref<80xi32, #tpu.memory_space<hbm>>
      tpu.enqueue_dma source(%dma_start3A_78 : memref<80xi32, #tpu.memory_space<hbm>>) target(%arg15 : memref<80xi32, #tpu.memory_space<vmem>>) target_semaphore(%run_scoped3A : memref<!tpu.dma_semaphore, #tpu.memory_space<semaphore_mem>>)
      %dma_wait3A_79 = tpu.memref_slice %arg4[%add3A_13] : memref<320000xi32, #tpu.memory_space<hbm>> -> memref<80xi32, #tpu.memory_space<hbm>>
      %dma_wait3A_80 = tpu.memref_slice %arg4[%add3A_13] : memref<320000xi32, #tpu.memory_space<hbm>> -> memref<80xi32, #tpu.memory_space<hbm>>
      tpu.wait_dma2 semaphore(%run_scoped3A : memref<!tpu.dma_semaphore, #tpu.memory_space<semaphore_mem>>) src(%dma_wait3A_80 : memref<80xi32, #tpu.memory_space<hbm>>) dst(%arg15 : memref<80xi32, #tpu.memory_space<vmem>>)
      tpu.yield
    }) : () -> ()
    %dma_start3A = arith.constant 0 : i32
    %dma_start3A_14 = arith.constant 0 : i32
    %dma_start3A_15 = tpu.memref_slice %arg2[%dma_start3A, %dma_start3A_14] : memref<10000x128xf32, #tpu.memory_space<hbm>> -> memref<10000x128xf32, #tpu.memory_space<hbm>>
    tpu.enqueue_indirect_dma source(%dma_start3A_15 : memref<10000x128xf32, #tpu.memory_space<hbm>>) target(%arg7 : memref<80x128xf32, #tpu.memory_space<vmem>>) offsets(%arg11 : memref<80xi32, #tpu.memory_space<vmem>>) semaphore(%arg20 : memref<!tpu.dma_semaphore, #tpu.memory_space<semaphore_mem>>)
    %mul3A_16 = arith.constant 10000 : i32
    %mul3A_17 = arith.muli %add3A, %mul3A_16 : i32
    %add3A_18 = arith.constant 80 : i32
    %add3A_19 = arith.addi %mul3A_17, %add3A_18 : i32
    "tpu.region"() ({
      %run_scoped3A = tpu.sem_alloc : memref<!tpu.dma_semaphore, #tpu.memory_space<semaphore_mem>>
      %dma_start3A_77 = tpu.memref_slice %arg3[%add3A_19] : memref<320000xi32, #tpu.memory_space<hbm>> -> memref<80xi32, #tpu.memory_space<hbm>>
      %dma_start3A_78 = tpu.memref_slice %arg3[%add3A_19] : memref<320000xi32, #tpu.memory_space<hbm>> -> memref<80xi32, #tpu.memory_space<hbm>>
      tpu.enqueue_dma source(%dma_start3A_78 : memref<80xi32, #tpu.memory_space<hbm>>) target(%arg12 : memref<80xi32, #tpu.memory_space<vmem>>) target_semaphore(%run_scoped3A : memref<!tpu.dma_semaphore, #tpu.memory_space<semaphore_mem>>)
      %dma_wait3A_79 = tpu.memref_slice %arg3[%add3A_19] : memref<320000xi32, #tpu.memory_space<hbm>> -> memref<80xi32, #tpu.memory_space<hbm>>
      %dma_wait3A_80 = tpu.memref_slice %arg3[%add3A_19] : memref<320000xi32, #tpu.memory_space<hbm>> -> memref<80xi32, #tpu.memory_space<hbm>>
      tpu.wait_dma2 semaphore(%run_scoped3A : memref<!tpu.dma_semaphore, #tpu.memory_space<semaphore_mem>>) src(%dma_wait3A_80 : memref<80xi32, #tpu.memory_space<hbm>>) dst(%arg12 : memref<80xi32, #tpu.memory_space<vmem>>)
      tpu.yield
    }) : () -> ()
    "tpu.region"() ({
      %run_scoped3A = tpu.sem_alloc : memref<!tpu.dma_semaphore, #tpu.memory_space<semaphore_mem>>
      %dma_start3A_77 = tpu.memref_slice %arg4[%add3A_19] : memref<320000xi32, #tpu.memory_space<hbm>> -> memref<80xi32, #tpu.memory_space<hbm>>
      %dma_start3A_78 = tpu.memref_slice %arg4[%add3A_19] : memref<320000xi32, #tpu.memory_space<hbm>> -> memref<80xi32, #tpu.memory_space<hbm>>
      tpu.enqueue_dma source(%dma_start3A_78 : memref<80xi32, #tpu.memory_space<hbm>>) target(%arg16 : memref<80xi32, #tpu.memory_space<vmem>>) target_semaphore(%run_scoped3A : memref<!tpu.dma_semaphore, #tpu.memory_space<semaphore_mem>>)
      %dma_wait3A_79 = tpu.memref_slice %arg4[%add3A_19] : memref<320000xi32, #tpu.memory_space<hbm>> -> memref<80xi32, #tpu.memory_space<hbm>>
      %dma_wait3A_80 = tpu.memref_slice %arg4[%add3A_19] : memref<320000xi32, #tpu.memory_space<hbm>> -> memref<80xi32, #tpu.memory_space<hbm>>
      tpu.wait_dma2 semaphore(%run_scoped3A : memref<!tpu.dma_semaphore, #tpu.memory_space<semaphore_mem>>) src(%dma_wait3A_80 : memref<80xi32, #tpu.memory_space<hbm>>) dst(%arg16 : memref<80xi32, #tpu.memory_space<vmem>>)
      tpu.yield
    }) : () -> ()
    %dma_start3A_20 = arith.constant 0 : i32
    %dma_start3A_21 = arith.constant 0 : i32
    %dma_start3A_22 = tpu.memref_slice %arg2[%dma_start3A_20, %dma_start3A_21] : memref<10000x128xf32, #tpu.memory_space<hbm>> -> memref<10000x128xf32, #tpu.memory_space<hbm>>
    tpu.enqueue_indirect_dma source(%dma_start3A_22 : memref<10000x128xf32, #tpu.memory_space<hbm>>) target(%arg8 : memref<80x128xf32, #tpu.memory_space<vmem>>) offsets(%arg12 : memref<80xi32, #tpu.memory_space<vmem>>) semaphore(%arg21 : memref<!tpu.dma_semaphore, #tpu.memory_space<semaphore_mem>>)
    %mul3A_23 = arith.constant 10000 : i32
    %mul3A_24 = arith.muli %add3A, %mul3A_23 : i32
    %add3A_25 = arith.constant 160 : i32
    %add3A_26 = arith.addi %mul3A_24, %add3A_25 : i32
    "tpu.region"() ({
      %run_scoped3A = tpu.sem_alloc : memref<!tpu.dma_semaphore, #tpu.memory_space<semaphore_mem>>
      %dma_start3A_77 = tpu.memref_slice %arg3[%add3A_26] : memref<320000xi32, #tpu.memory_space<hbm>> -> memref<80xi32, #tpu.memory_space<hbm>>
      %dma_start3A_78 = tpu.memref_slice %arg3[%add3A_26] : memref<320000xi32, #tpu.memory_space<hbm>> -> memref<80xi32, #tpu.memory_space<hbm>>
      tpu.enqueue_dma source(%dma_start3A_78 : memref<80xi32, #tpu.memory_space<hbm>>) target(%arg13 : memref<80xi32, #tpu.memory_space<vmem>>) target_semaphore(%run_scoped3A : memref<!tpu.dma_semaphore, #tpu.memory_space<semaphore_mem>>)
      %dma_wait3A_79 = tpu.memref_slice %arg3[%add3A_26] : memref<320000xi32, #tpu.memory_space<hbm>> -> memref<80xi32, #tpu.memory_space<hbm>>
      %dma_wait3A_80 = tpu.memref_slice %arg3[%add3A_26] : memref<320000xi32, #tpu.memory_space<hbm>> -> memref<80xi32, #tpu.memory_space<hbm>>
      tpu.wait_dma2 semaphore(%run_scoped3A : memref<!tpu.dma_semaphore, #tpu.memory_space<semaphore_mem>>) src(%dma_wait3A_80 : memref<80xi32, #tpu.memory_space<hbm>>) dst(%arg13 : memref<80xi32, #tpu.memory_space<vmem>>)
      tpu.yield
    }) : () -> ()
    "tpu.region"() ({
      %run_scoped3A = tpu.sem_alloc : memref<!tpu.dma_semaphore, #tpu.memory_space<semaphore_mem>>
      %dma_start3A_77 = tpu.memref_slice %arg4[%add3A_26] : memref<320000xi32, #tpu.memory_space<hbm>> -> memref<80xi32, #tpu.memory_space<hbm>>
      %dma_start3A_78 = tpu.memref_slice %arg4[%add3A_26] : memref<320000xi32, #tpu.memory_space<hbm>> -> memref<80xi32, #tpu.memory_space<hbm>>
      tpu.enqueue_dma source(%dma_start3A_78 : memref<80xi32, #tpu.memory_space<hbm>>) target(%arg17 : memref<80xi32, #tpu.memory_space<vmem>>) target_semaphore(%run_scoped3A : memref<!tpu.dma_semaphore, #tpu.memory_space<semaphore_mem>>)
      %dma_wait3A_79 = tpu.memref_slice %arg4[%add3A_26] : memref<320000xi32, #tpu.memory_space<hbm>> -> memref<80xi32, #tpu.memory_space<hbm>>
      %dma_wait3A_80 = tpu.memref_slice %arg4[%add3A_26] : memref<320000xi32, #tpu.memory_space<hbm>> -> memref<80xi32, #tpu.memory_space<hbm>>
      tpu.wait_dma2 semaphore(%run_scoped3A : memref<!tpu.dma_semaphore, #tpu.memory_space<semaphore_mem>>) src(%dma_wait3A_80 : memref<80xi32, #tpu.memory_space<hbm>>) dst(%arg17 : memref<80xi32, #tpu.memory_space<vmem>>)
      tpu.yield
    }) : () -> ()
    %dma_start3A_27 = arith.constant 0 : i32
    %dma_start3A_28 = arith.constant 0 : i32
    %dma_start3A_29 = tpu.memref_slice %arg2[%dma_start3A_27, %dma_start3A_28] : memref<10000x128xf32, #tpu.memory_space<hbm>> -> memref<10000x128xf32, #tpu.memory_space<hbm>>
    tpu.enqueue_indirect_dma source(%dma_start3A_29 : memref<10000x128xf32, #tpu.memory_space<hbm>>) target(%arg9 : memref<80x128xf32, #tpu.memory_space<vmem>>) offsets(%arg13 : memref<80xi32, #tpu.memory_space<vmem>>) semaphore(%arg22 : memref<!tpu.dma_semaphore, #tpu.memory_space<semaphore_mem>>)
    %mul3A_30 = arith.constant 10000 : i32
    %mul3A_31 = arith.muli %add3A, %mul3A_30 : i32
    %add3A_32 = arith.constant 240 : i32
    %add3A_33 = arith.addi %mul3A_31, %add3A_32 : i32
    "tpu.region"() ({
      %run_scoped3A = tpu.sem_alloc : memref<!tpu.dma_semaphore, #tpu.memory_space<semaphore_mem>>
      %dma_start3A_77 = tpu.memref_slice %arg3[%add3A_33] : memref<320000xi32, #tpu.memory_space<hbm>> -> memref<80xi32, #tpu.memory_space<hbm>>
      %dma_start3A_78 = tpu.memref_slice %arg3[%add3A_33] : memref<320000xi32, #tpu.memory_space<hbm>> -> memref<80xi32, #tpu.memory_space<hbm>>
      tpu.enqueue_dma source(%dma_start3A_78 : memref<80xi32, #tpu.memory_space<hbm>>) target(%arg14 : memref<80xi32, #tpu.memory_space<vmem>>) target_semaphore(%run_scoped3A : memref<!tpu.dma_semaphore, #tpu.memory_space<semaphore_mem>>)
      %dma_wait3A_79 = tpu.memref_slice %arg3[%add3A_33] : memref<320000xi32, #tpu.memory_space<hbm>> -> memref<80xi32, #tpu.memory_space<hbm>>
      %dma_wait3A_80 = tpu.memref_slice %arg3[%add3A_33] : memref<320000xi32, #tpu.memory_space<hbm>> -> memref<80xi32, #tpu.memory_space<hbm>>
      tpu.wait_dma2 semaphore(%run_scoped3A : memref<!tpu.dma_semaphore, #tpu.memory_space<semaphore_mem>>) src(%dma_wait3A_80 : memref<80xi32, #tpu.memory_space<hbm>>) dst(%arg14 : memref<80xi32, #tpu.memory_space<vmem>>)
      tpu.yield
    }) : () -> ()
    "tpu.region"() ({
      %run_scoped3A = tpu.sem_alloc : memref<!tpu.dma_semaphore, #tpu.memory_space<semaphore_mem>>
      %dma_start3A_77 = tpu.memref_slice %arg4[%add3A_33] : memref<320000xi32, #tpu.memory_space<hbm>> -> memref<80xi32, #tpu.memory_space<hbm>>
      %dma_start3A_78 = tpu.memref_slice %arg4[%add3A_33] : memref<320000xi32, #tpu.memory_space<hbm>> -> memref<80xi32, #tpu.memory_space<hbm>>
      tpu.enqueue_dma source(%dma_start3A_78 : memref<80xi32, #tpu.memory_space<hbm>>) target(%arg18 : memref<80xi32, #tpu.memory_space<vmem>>) target_semaphore(%run_scoped3A : memref<!tpu.dma_semaphore, #tpu.memory_space<semaphore_mem>>)
      %dma_wait3A_79 = tpu.memref_slice %arg4[%add3A_33] : memref<320000xi32, #tpu.memory_space<hbm>> -> memref<80xi32, #tpu.memory_space<hbm>>
      %dma_wait3A_80 = tpu.memref_slice %arg4[%add3A_33] : memref<320000xi32, #tpu.memory_space<hbm>> -> memref<80xi32, #tpu.memory_space<hbm>>
      tpu.wait_dma2 semaphore(%run_scoped3A : memref<!tpu.dma_semaphore, #tpu.memory_space<semaphore_mem>>) src(%dma_wait3A_80 : memref<80xi32, #tpu.memory_space<hbm>>) dst(%arg18 : memref<80xi32, #tpu.memory_space<vmem>>)
      tpu.yield
    }) : () -> ()
    %dma_start3A_34 = arith.constant 0 : i32
    %dma_start3A_35 = arith.constant 0 : i32
    %dma_start3A_36 = tpu.memref_slice %arg2[%dma_start3A_34, %dma_start3A_35] : memref<10000x128xf32, #tpu.memory_space<hbm>> -> memref<10000x128xf32, #tpu.memory_space<hbm>>
    tpu.enqueue_indirect_dma source(%dma_start3A_36 : memref<10000x128xf32, #tpu.memory_space<hbm>>) target(%arg10 : memref<80x128xf32, #tpu.memory_space<vmem>>) offsets(%arg14 : memref<80xi32, #tpu.memory_space<vmem>>) semaphore(%arg23 : memref<!tpu.dma_semaphore, #tpu.memory_space<semaphore_mem>>)
    %scan3A_37 = arith.constant 0 : i32
    %scan3A_38 = arith.constant 31 : i32
    %scan3A_39 = arith.addi %scan3A_37, %scan3A_38 : i32
    %scan3A_40 = arith.constant 1 : i32
    scf.for %scan3A_77 = %scan3A_37 to %scan3A_39 step %scan3A_40  : i32 {
      %mul3A_78 = arith.constant 1 : i32
      %mul3A_79 = arith.muli %scan3A_77, %mul3A_78 : i32
      %add3A_80 = arith.constant 0 : i32
      %add3A_81 = arith.addi %add3A_80, %mul3A_79 : i32
      %mul3A_82 = arith.constant 4 : i32
      %mul3A_83 = arith.muli %add3A_81, %mul3A_82 : i32
      %add3A_84 = arith.constant 0 : i32
      %add3A_85 = arith.addi %mul3A_83, %add3A_84 : i32
      %dma_wait3A_86 = arith.constant 0 : i32
      %dma_wait3A_87 = arith.constant 0 : i32
      %dma_wait3A_88 = tpu.memref_slice %arg2[%dma_wait3A_86, %dma_wait3A_87] : memref<10000x128xf32, #tpu.memory_space<hbm>> -> memref<80x128xf32, #tpu.memory_space<hbm>>
      %dma_wait3A_89 = arith.constant 0 : i32
      %dma_wait3A_90 = arith.constant 0 : i32
      %dma_wait3A_91 = tpu.memref_slice %arg2[%dma_wait3A_89, %dma_wait3A_90] : memref<10000x128xf32, #tpu.memory_space<hbm>> -> memref<80x128xf32, #tpu.memory_space<hbm>>
      tpu.wait_dma2 semaphore(%arg20 : memref<!tpu.dma_semaphore, #tpu.memory_space<semaphore_mem>>) src(%dma_wait3A_91 : memref<80x128xf32, #tpu.memory_space<hbm>>) dst(%arg7 : memref<80x128xf32, #tpu.memory_space<vmem>>)
      %dma_start3A_92 = arith.constant 0 : i32
      %dma_start3A_93 = arith.constant 0 : i32
      %dma_start3A_94 = tpu.memref_slice %arg6[%dma_start3A_92, %dma_start3A_93] : memref<10240x128xf32, #tpu.memory_space<vmem_shared>> -> memref<10240x128xf32, #tpu.memory_space<vmem_shared>>
      tpu.enqueue_indirect_dma source(%arg7 : memref<80x128xf32, #tpu.memory_space<vmem>>) target(%dma_start3A_94 : memref<10240x128xf32, #tpu.memory_space<vmem_shared>>) offsets(%arg15 : memref<80xi32, #tpu.memory_space<vmem>>) semaphore(%arg24 : memref<!tpu.dma_semaphore, #tpu.memory_space<semaphore_mem>>) {add = true}
      %add3A_95 = arith.constant 4 : i32
      %add3A_96 = arith.addi %add3A_85, %add3A_95 : i32
      %lt3A = arith.constant 125 : i32
      %lt3A_97 = arith.cmpi slt, %add3A_96, %lt3A : i32
      %convert_element_type3A = arith.extui %lt3A_97 : i1 to i32
      %cond3A = arith.constant 0 : i32
      %cond3A_98 = arith.cmpi ne, %convert_element_type3A, %cond3A : i32
      scf.if %cond3A_98 {
        %dma_wait3A_159 = arith.constant 0 : i32
        %dma_wait3A_160 = arith.constant 0 : i32
        %dma_wait3A_161 = tpu.memref_slice %arg6[%dma_wait3A_159, %dma_wait3A_160] : memref<10240x128xf32, #tpu.memory_space<vmem_shared>> -> memref<80x128xf32, #tpu.memory_space<vmem_shared>>
        %dma_wait3A_162 = arith.constant 0 : i32
        %dma_wait3A_163 = arith.constant 0 : i32
        %dma_wait3A_164 = tpu.memref_slice %arg6[%dma_wait3A_162, %dma_wait3A_163] : memref<10240x128xf32, #tpu.memory_space<vmem_shared>> -> memref<80x128xf32, #tpu.memory_space<vmem_shared>>
        tpu.wait_dma2 semaphore(%arg24 : memref<!tpu.dma_semaphore, #tpu.memory_space<semaphore_mem>>) src(%arg7 : memref<80x128xf32, #tpu.memory_space<vmem>>) dst(%dma_wait3A_164 : memref<80x128xf32, #tpu.memory_space<vmem_shared>>)
        %add3A_165 = arith.constant 4 : i32
        %add3A_166 = arith.addi %add3A_85, %add3A_165 : i32
        %mul3A_167 = arith.constant 10000 : i32
        %mul3A_168 = arith.muli %add3A, %mul3A_167 : i32
        %mul3A_169 = arith.constant 80 : i32
        %mul3A_170 = arith.muli %add3A_166, %mul3A_169 : i32
        %add3A_171 = arith.addi %mul3A_168, %mul3A_170 : i32
        "tpu.region"() ({
          %run_scoped3A = tpu.sem_alloc : memref<!tpu.dma_semaphore, #tpu.memory_space<semaphore_mem>>
          %dma_start3A_175 = tpu.memref_slice %arg3[%add3A_171] : memref<320000xi32, #tpu.memory_space<hbm>> -> memref<80xi32, #tpu.memory_space<hbm>>
          %dma_start3A_176 = tpu.memref_slice %arg3[%add3A_171] : memref<320000xi32, #tpu.memory_space<hbm>> -> memref<80xi32, #tpu.memory_space<hbm>>
          tpu.enqueue_dma source(%dma_start3A_176 : memref<80xi32, #tpu.memory_space<hbm>>) target(%arg11 : memref<80xi32, #tpu.memory_space<vmem>>) target_semaphore(%run_scoped3A : memref<!tpu.dma_semaphore, #tpu.memory_space<semaphore_mem>>)
          %dma_wait3A_177 = tpu.memref_slice %arg3[%add3A_171] : memref<320000xi32, #tpu.memory_space<hbm>> -> memref<80xi32, #tpu.memory_space<hbm>>
          %dma_wait3A_178 = tpu.memref_slice %arg3[%add3A_171] : memref<320000xi32, #tpu.memory_space<hbm>> -> memref<80xi32, #tpu.memory_space<hbm>>
          tpu.wait_dma2 semaphore(%run_scoped3A : memref<!tpu.dma_semaphore, #tpu.memory_space<semaphore_mem>>) src(%dma_wait3A_178 : memref<80xi32, #tpu.memory_space<hbm>>) dst(%arg11 : memref<80xi32, #tpu.memory_space<vmem>>)
          tpu.yield
        }) : () -> ()
        "tpu.region"() ({
          %run_scoped3A = tpu.sem_alloc : memref<!tpu.dma_semaphore, #tpu.memory_space<semaphore_mem>>
          %dma_start3A_175 = tpu.memref_slice %arg4[%add3A_171] : memref<320000xi32, #tpu.memory_space<hbm>> -> memref<80xi32, #tpu.memory_space<hbm>>
          %dma_start3A_176 = tpu.memref_slice %arg4[%add3A_171] : memref<320000xi32, #tpu.memory_space<hbm>> -> memref<80xi32, #tpu.memory_space<hbm>>
          tpu.enqueue_dma source(%dma_start3A_176 : memref<80xi32, #tpu.memory_space<hbm>>) target(%arg15 : memref<80xi32, #tpu.memory_space<vmem>>) target_semaphore(%run_scoped3A : memref<!tpu.dma_semaphore, #tpu.memory_space<semaphore_mem>>)
          %dma_wait3A_177 = tpu.memref_slice %arg4[%add3A_171] : memref<320000xi32, #tpu.memory_space<hbm>> -> memref<80xi32, #tpu.memory_space<hbm>>
          %dma_wait3A_178 = tpu.memref_slice %arg4[%add3A_171] : memref<320000xi32, #tpu.memory_space<hbm>> -> memref<80xi32, #tpu.memory_space<hbm>>
          tpu.wait_dma2 semaphore(%run_scoped3A : memref<!tpu.dma_semaphore, #tpu.memory_space<semaphore_mem>>) src(%dma_wait3A_178 : memref<80xi32, #tpu.memory_space<hbm>>) dst(%arg15 : memref<80xi32, #tpu.memory_space<vmem>>)
          tpu.yield
        }) : () -> ()
        %dma_start3A_172 = arith.constant 0 : i32
        %dma_start3A_173 = arith.constant 0 : i32
        %dma_start3A_174 = tpu.memref_slice %arg2[%dma_start3A_172, %dma_start3A_173] : memref<10000x128xf32, #tpu.memory_space<hbm>> -> memref<10000x128xf32, #tpu.memory_space<hbm>>
        tpu.enqueue_indirect_dma source(%dma_start3A_174 : memref<10000x128xf32, #tpu.memory_space<hbm>>) target(%arg7 : memref<80x128xf32, #tpu.memory_space<vmem>>) offsets(%arg11 : memref<80xi32, #tpu.memory_space<vmem>>) semaphore(%arg20 : memref<!tpu.dma_semaphore, #tpu.memory_space<semaphore_mem>>)
      } else {
      }
      %mul3A_99 = arith.constant 4 : i32
      %mul3A_100 = arith.muli %add3A_81, %mul3A_99 : i32
      %add3A_101 = arith.constant 1 : i32
      %add3A_102 = arith.addi %mul3A_100, %add3A_101 : i32
      %dma_wait3A_103 = arith.constant 0 : i32
      %dma_wait3A_104 = arith.constant 0 : i32
      %dma_wait3A_105 = tpu.memref_slice %arg2[%dma_wait3A_103, %dma_wait3A_104] : memref<10000x128xf32, #tpu.memory_space<hbm>> -> memref<80x128xf32, #tpu.memory_space<hbm>>
      %dma_wait3A_106 = arith.constant 0 : i32
      %dma_wait3A_107 = arith.constant 0 : i32
      %dma_wait3A_108 = tpu.memref_slice %arg2[%dma_wait3A_106, %dma_wait3A_107] : memref<10000x128xf32, #tpu.memory_space<hbm>> -> memref<80x128xf32, #tpu.memory_space<hbm>>
      tpu.wait_dma2 semaphore(%arg21 : memref<!tpu.dma_semaphore, #tpu.memory_space<semaphore_mem>>) src(%dma_wait3A_108 : memref<80x128xf32, #tpu.memory_space<hbm>>) dst(%arg8 : memref<80x128xf32, #tpu.memory_space<vmem>>)
      %dma_start3A_109 = arith.constant 0 : i32
      %dma_start3A_110 = arith.constant 0 : i32
      %dma_start3A_111 = tpu.memref_slice %arg6[%dma_start3A_109, %dma_start3A_110] : memref<10240x128xf32, #tpu.memory_space<vmem_shared>> -> memref<10240x128xf32, #tpu.memory_space<vmem_shared>>
      tpu.enqueue_indirect_dma source(%arg8 : memref<80x128xf32, #tpu.memory_space<vmem>>) target(%dma_start3A_111 : memref<10240x128xf32, #tpu.memory_space<vmem_shared>>) offsets(%arg16 : memref<80xi32, #tpu.memory_space<vmem>>) semaphore(%arg25 : memref<!tpu.dma_semaphore, #tpu.memory_space<semaphore_mem>>) {add = true}
      %add3A_112 = arith.constant 4 : i32
      %add3A_113 = arith.addi %add3A_102, %add3A_112 : i32
      %lt3A_114 = arith.constant 125 : i32
      %lt3A_115 = arith.cmpi slt, %add3A_113, %lt3A_114 : i32
      %convert_element_type3A_116 = arith.extui %lt3A_115 : i1 to i32
      %cond3A_117 = arith.constant 0 : i32
      %cond3A_118 = arith.cmpi ne, %convert_element_type3A_116, %cond3A_117 : i32
      scf.if %cond3A_118 {
        %dma_wait3A_159 = arith.constant 0 : i32
        %dma_wait3A_160 = arith.constant 0 : i32
        %dma_wait3A_161 = tpu.memref_slice %arg6[%dma_wait3A_159, %dma_wait3A_160] : memref<10240x128xf32, #tpu.memory_space<vmem_shared>> -> memref<80x128xf32, #tpu.memory_space<vmem_shared>>
        %dma_wait3A_162 = arith.constant 0 : i32
        %dma_wait3A_163 = arith.constant 0 : i32
        %dma_wait3A_164 = tpu.memref_slice %arg6[%dma_wait3A_162, %dma_wait3A_163] : memref<10240x128xf32, #tpu.memory_space<vmem_shared>> -> memref<80x128xf32, #tpu.memory_space<vmem_shared>>
        tpu.wait_dma2 semaphore(%arg25 : memref<!tpu.dma_semaphore, #tpu.memory_space<semaphore_mem>>) src(%arg8 : memref<80x128xf32, #tpu.memory_space<vmem>>) dst(%dma_wait3A_164 : memref<80x128xf32, #tpu.memory_space<vmem_shared>>)
        %add3A_165 = arith.constant 4 : i32
        %add3A_166 = arith.addi %add3A_102, %add3A_165 : i32
        %mul3A_167 = arith.constant 10000 : i32
        %mul3A_168 = arith.muli %add3A, %mul3A_167 : i32
        %mul3A_169 = arith.constant 80 : i32
        %mul3A_170 = arith.muli %add3A_166, %mul3A_169 : i32
        %add3A_171 = arith.addi %mul3A_168, %mul3A_170 : i32
        "tpu.region"() ({
          %run_scoped3A = tpu.sem_alloc : memref<!tpu.dma_semaphore, #tpu.memory_space<semaphore_mem>>
          %dma_start3A_175 = tpu.memref_slice %arg3[%add3A_171] : memref<320000xi32, #tpu.memory_space<hbm>> -> memref<80xi32, #tpu.memory_space<hbm>>
          %dma_start3A_176 = tpu.memref_slice %arg3[%add3A_171] : memref<320000xi32, #tpu.memory_space<hbm>> -> memref<80xi32, #tpu.memory_space<hbm>>
          tpu.enqueue_dma source(%dma_start3A_176 : memref<80xi32, #tpu.memory_space<hbm>>) target(%arg12 : memref<80xi32, #tpu.memory_space<vmem>>) target_semaphore(%run_scoped3A : memref<!tpu.dma_semaphore, #tpu.memory_space<semaphore_mem>>)
          %dma_wait3A_177 = tpu.memref_slice %arg3[%add3A_171] : memref<320000xi32, #tpu.memory_space<hbm>> -> memref<80xi32, #tpu.memory_space<hbm>>
          %dma_wait3A_178 = tpu.memref_slice %arg3[%add3A_171] : memref<320000xi32, #tpu.memory_space<hbm>> -> memref<80xi32, #tpu.memory_space<hbm>>
          tpu.wait_dma2 semaphore(%run_scoped3A : memref<!tpu.dma_semaphore, #tpu.memory_space<semaphore_mem>>) src(%dma_wait3A_178 : memref<80xi32, #tpu.memory_space<hbm>>) dst(%arg12 : memref<80xi32, #tpu.memory_space<vmem>>)
          tpu.yield
        }) : () -> ()
        "tpu.region"() ({
          %run_scoped3A = tpu.sem_alloc : memref<!tpu.dma_semaphore, #tpu.memory_space<semaphore_mem>>
          %dma_start3A_175 = tpu.memref_slice %arg4[%add3A_171] : memref<320000xi32, #tpu.memory_space<hbm>> -> memref<80xi32, #tpu.memory_space<hbm>>
          %dma_start3A_176 = tpu.memref_slice %arg4[%add3A_171] : memref<320000xi32, #tpu.memory_space<hbm>> -> memref<80xi32, #tpu.memory_space<hbm>>
          tpu.enqueue_dma source(%dma_start3A_176 : memref<80xi32, #tpu.memory_space<hbm>>) target(%arg16 : memref<80xi32, #tpu.memory_space<vmem>>) target_semaphore(%run_scoped3A : memref<!tpu.dma_semaphore, #tpu.memory_space<semaphore_mem>>)
          %dma_wait3A_177 = tpu.memref_slice %arg4[%add3A_171] : memref<320000xi32, #tpu.memory_space<hbm>> -> memref<80xi32, #tpu.memory_space<hbm>>
          %dma_wait3A_178 = tpu.memref_slice %arg4[%add3A_171] : memref<320000xi32, #tpu.memory_space<hbm>> -> memref<80xi32, #tpu.memory_space<hbm>>
          tpu.wait_dma2 semaphore(%run_scoped3A : memref<!tpu.dma_semaphore, #tpu.memory_space<semaphore_mem>>) src(%dma_wait3A_178 : memref<80xi32, #tpu.memory_space<hbm>>) dst(%arg16 : memref<80xi32, #tpu.memory_space<vmem>>)
          tpu.yield
        }) : () -> ()
        %dma_start3A_172 = arith.constant 0 : i32
        %dma_start3A_173 = arith.constant 0 : i32
        %dma_start3A_174 = tpu.memref_slice %arg2[%dma_start3A_172, %dma_start3A_173] : memref<10000x128xf32, #tpu.memory_space<hbm>> -> memref<10000x128xf32, #tpu.memory_space<hbm>>
        tpu.enqueue_indirect_dma source(%dma_start3A_174 : memref<10000x128xf32, #tpu.memory_space<hbm>>) target(%arg8 : memref<80x128xf32, #tpu.memory_space<vmem>>) offsets(%arg12 : memref<80xi32, #tpu.memory_space<vmem>>) semaphore(%arg21 : memref<!tpu.dma_semaphore, #tpu.memory_space<semaphore_mem>>)
      } else {
      }
      %mul3A_119 = arith.constant 4 : i32
      %mul3A_120 = arith.muli %add3A_81, %mul3A_119 : i32
      %add3A_121 = arith.constant 2 : i32
      %add3A_122 = arith.addi %mul3A_120, %add3A_121 : i32
      %dma_wait3A_123 = arith.constant 0 : i32
      %dma_wait3A_124 = arith.constant 0 : i32
      %dma_wait3A_125 = tpu.memref_slice %arg2[%dma_wait3A_123, %dma_wait3A_124] : memref<10000x128xf32, #tpu.memory_space<hbm>> -> memref<80x128xf32, #tpu.memory_space<hbm>>
      %dma_wait3A_126 = arith.constant 0 : i32
      %dma_wait3A_127 = arith.constant 0 : i32
      %dma_wait3A_128 = tpu.memref_slice %arg2[%dma_wait3A_126, %dma_wait3A_127] : memref<10000x128xf32, #tpu.memory_space<hbm>> -> memref<80x128xf32, #tpu.memory_space<hbm>>
      tpu.wait_dma2 semaphore(%arg22 : memref<!tpu.dma_semaphore, #tpu.memory_space<semaphore_mem>>) src(%dma_wait3A_128 : memref<80x128xf32, #tpu.memory_space<hbm>>) dst(%arg9 : memref<80x128xf32, #tpu.memory_space<vmem>>)
      %dma_start3A_129 = arith.constant 0 : i32
      %dma_start3A_130 = arith.constant 0 : i32
      %dma_start3A_131 = tpu.memref_slice %arg6[%dma_start3A_129, %dma_start3A_130] : memref<10240x128xf32, #tpu.memory_space<vmem_shared>> -> memref<10240x128xf32, #tpu.memory_space<vmem_shared>>
      tpu.enqueue_indirect_dma source(%arg9 : memref<80x128xf32, #tpu.memory_space<vmem>>) target(%dma_start3A_131 : memref<10240x128xf32, #tpu.memory_space<vmem_shared>>) offsets(%arg17 : memref<80xi32, #tpu.memory_space<vmem>>) semaphore(%arg26 : memref<!tpu.dma_semaphore, #tpu.memory_space<semaphore_mem>>) {add = true}
      %add3A_132 = arith.constant 4 : i32
      %add3A_133 = arith.addi %add3A_122, %add3A_132 : i32
      %lt3A_134 = arith.constant 125 : i32
      %lt3A_135 = arith.cmpi slt, %add3A_133, %lt3A_134 : i32
      %convert_element_type3A_136 = arith.extui %lt3A_135 : i1 to i32
      %cond3A_137 = arith.constant 0 : i32
      %cond3A_138 = arith.cmpi ne, %convert_element_type3A_136, %cond3A_137 : i32
      scf.if %cond3A_138 {
        %dma_wait3A_159 = arith.constant 0 : i32
        %dma_wait3A_160 = arith.constant 0 : i32
        %dma_wait3A_161 = tpu.memref_slice %arg6[%dma_wait3A_159, %dma_wait3A_160] : memref<10240x128xf32, #tpu.memory_space<vmem_shared>> -> memref<80x128xf32, #tpu.memory_space<vmem_shared>>
        %dma_wait3A_162 = arith.constant 0 : i32
        %dma_wait3A_163 = arith.constant 0 : i32
        %dma_wait3A_164 = tpu.memref_slice %arg6[%dma_wait3A_162, %dma_wait3A_163] : memref<10240x128xf32, #tpu.memory_space<vmem_shared>> -> memref<80x128xf32, #tpu.memory_space<vmem_shared>>
        tpu.wait_dma2 semaphore(%arg26 : memref<!tpu.dma_semaphore, #tpu.memory_space<semaphore_mem>>) src(%arg9 : memref<80x128xf32, #tpu.memory_space<vmem>>) dst(%dma_wait3A_164 : memref<80x128xf32, #tpu.memory_space<vmem_shared>>)
        %add3A_165 = arith.constant 4 : i32
        %add3A_166 = arith.addi %add3A_122, %add3A_165 : i32
        %mul3A_167 = arith.constant 10000 : i32
        %mul3A_168 = arith.muli %add3A, %mul3A_167 : i32
        %mul3A_169 = arith.constant 80 : i32
        %mul3A_170 = arith.muli %add3A_166, %mul3A_169 : i32
        %add3A_171 = arith.addi %mul3A_168, %mul3A_170 : i32
        "tpu.region"() ({
          %run_scoped3A = tpu.sem_alloc : memref<!tpu.dma_semaphore, #tpu.memory_space<semaphore_mem>>
          %dma_start3A_175 = tpu.memref_slice %arg3[%add3A_171] : memref<320000xi32, #tpu.memory_space<hbm>> -> memref<80xi32, #tpu.memory_space<hbm>>
          %dma_start3A_176 = tpu.memref_slice %arg3[%add3A_171] : memref<320000xi32, #tpu.memory_space<hbm>> -> memref<80xi32, #tpu.memory_space<hbm>>
          tpu.enqueue_dma source(%dma_start3A_176 : memref<80xi32, #tpu.memory_space<hbm>>) target(%arg13 : memref<80xi32, #tpu.memory_space<vmem>>) target_semaphore(%run_scoped3A : memref<!tpu.dma_semaphore, #tpu.memory_space<semaphore_mem>>)
          %dma_wait3A_177 = tpu.memref_slice %arg3[%add3A_171] : memref<320000xi32, #tpu.memory_space<hbm>> -> memref<80xi32, #tpu.memory_space<hbm>>
          %dma_wait3A_178 = tpu.memref_slice %arg3[%add3A_171] : memref<320000xi32, #tpu.memory_space<hbm>> -> memref<80xi32, #tpu.memory_space<hbm>>
          tpu.wait_dma2 semaphore(%run_scoped3A : memref<!tpu.dma_semaphore, #tpu.memory_space<semaphore_mem>>) src(%dma_wait3A_178 : memref<80xi32, #tpu.memory_space<hbm>>) dst(%arg13 : memref<80xi32, #tpu.memory_space<vmem>>)
          tpu.yield
        }) : () -> ()
        "tpu.region"() ({
          %run_scoped3A = tpu.sem_alloc : memref<!tpu.dma_semaphore, #tpu.memory_space<semaphore_mem>>
          %dma_start3A_175 = tpu.memref_slice %arg4[%add3A_171] : memref<320000xi32, #tpu.memory_space<hbm>> -> memref<80xi32, #tpu.memory_space<hbm>>
          %dma_start3A_176 = tpu.memref_slice %arg4[%add3A_171] : memref<320000xi32, #tpu.memory_space<hbm>> -> memref<80xi32, #tpu.memory_space<hbm>>
          tpu.enqueue_dma source(%dma_start3A_176 : memref<80xi32, #tpu.memory_space<hbm>>) target(%arg17 : memref<80xi32, #tpu.memory_space<vmem>>) target_semaphore(%run_scoped3A : memref<!tpu.dma_semaphore, #tpu.memory_space<semaphore_mem>>)
          %dma_wait3A_177 = tpu.memref_slice %arg4[%add3A_171] : memref<320000xi32, #tpu.memory_space<hbm>> -> memref<80xi32, #tpu.memory_space<hbm>>
          %dma_wait3A_178 = tpu.memref_slice %arg4[%add3A_171] : memref<320000xi32, #tpu.memory_space<hbm>> -> memref<80xi32, #tpu.memory_space<hbm>>
          tpu.wait_dma2 semaphore(%run_scoped3A : memref<!tpu.dma_semaphore, #tpu.memory_space<semaphore_mem>>) src(%dma_wait3A_178 : memref<80xi32, #tpu.memory_space<hbm>>) dst(%arg17 : memref<80xi32, #tpu.memory_space<vmem>>)
          tpu.yield
        }) : () -> ()
        %dma_start3A_172 = arith.constant 0 : i32
        %dma_start3A_173 = arith.constant 0 : i32
        %dma_start3A_174 = tpu.memref_slice %arg2[%dma_start3A_172, %dma_start3A_173] : memref<10000x128xf32, #tpu.memory_space<hbm>> -> memref<10000x128xf32, #tpu.memory_space<hbm>>
        tpu.enqueue_indirect_dma source(%dma_start3A_174 : memref<10000x128xf32, #tpu.memory_space<hbm>>) target(%arg9 : memref<80x128xf32, #tpu.memory_space<vmem>>) offsets(%arg13 : memref<80xi32, #tpu.memory_space<vmem>>) semaphore(%arg22 : memref<!tpu.dma_semaphore, #tpu.memory_space<semaphore_mem>>)
      } else {
      }
      %mul3A_139 = arith.constant 4 : i32
      %mul3A_140 = arith.muli %add3A_81, %mul3A_139 : i32
      %add3A_141 = arith.constant 3 : i32
      %add3A_142 = arith.addi %mul3A_140, %add3A_141 : i32
      %dma_wait3A_143 = arith.constant 0 : i32
      %dma_wait3A_144 = arith.constant 0 : i32
      %dma_wait3A_145 = tpu.memref_slice %arg2[%dma_wait3A_143, %dma_wait3A_144] : memref<10000x128xf32, #tpu.memory_space<hbm>> -> memref<80x128xf32, #tpu.memory_space<hbm>>
      %dma_wait3A_146 = arith.constant 0 : i32
      %dma_wait3A_147 = arith.constant 0 : i32
      %dma_wait3A_148 = tpu.memref_slice %arg2[%dma_wait3A_146, %dma_wait3A_147] : memref<10000x128xf32, #tpu.memory_space<hbm>> -> memref<80x128xf32, #tpu.memory_space<hbm>>
      tpu.wait_dma2 semaphore(%arg23 : memref<!tpu.dma_semaphore, #tpu.memory_space<semaphore_mem>>) src(%dma_wait3A_148 : memref<80x128xf32, #tpu.memory_space<hbm>>) dst(%arg10 : memref<80x128xf32, #tpu.memory_space<vmem>>)
      %dma_start3A_149 = arith.constant 0 : i32
      %dma_start3A_150 = arith.constant 0 : i32
      %dma_start3A_151 = tpu.memref_slice %arg6[%dma_start3A_149, %dma_start3A_150] : memref<10240x128xf32, #tpu.memory_space<vmem_shared>> -> memref<10240x128xf32, #tpu.memory_space<vmem_shared>>
      tpu.enqueue_indirect_dma source(%arg10 : memref<80x128xf32, #tpu.memory_space<vmem>>) target(%dma_start3A_151 : memref<10240x128xf32, #tpu.memory_space<vmem_shared>>) offsets(%arg18 : memref<80xi32, #tpu.memory_space<vmem>>) semaphore(%arg27 : memref<!tpu.dma_semaphore, #tpu.memory_space<semaphore_mem>>) {add = true}
      %add3A_152 = arith.constant 4 : i32
      %add3A_153 = arith.addi %add3A_142, %add3A_152 : i32
      %lt3A_154 = arith.constant 125 : i32
      %lt3A_155 = arith.cmpi slt, %add3A_153, %lt3A_154 : i32
      %convert_element_type3A_156 = arith.extui %lt3A_155 : i1 to i32
      %cond3A_157 = arith.constant 0 : i32
      %cond3A_158 = arith.cmpi ne, %convert_element_type3A_156, %cond3A_157 : i32
      scf.if %cond3A_158 {
        %dma_wait3A_159 = arith.constant 0 : i32
        %dma_wait3A_160 = arith.constant 0 : i32
        %dma_wait3A_161 = tpu.memref_slice %arg6[%dma_wait3A_159, %dma_wait3A_160] : memref<10240x128xf32, #tpu.memory_space<vmem_shared>> -> memref<80x128xf32, #tpu.memory_space<vmem_shared>>
        %dma_wait3A_162 = arith.constant 0 : i32
        %dma_wait3A_163 = arith.constant 0 : i32
        %dma_wait3A_164 = tpu.memref_slice %arg6[%dma_wait3A_162, %dma_wait3A_163] : memref<10240x128xf32, #tpu.memory_space<vmem_shared>> -> memref<80x128xf32, #tpu.memory_space<vmem_shared>>
        tpu.wait_dma2 semaphore(%arg27 : memref<!tpu.dma_semaphore, #tpu.memory_space<semaphore_mem>>) src(%arg10 : memref<80x128xf32, #tpu.memory_space<vmem>>) dst(%dma_wait3A_164 : memref<80x128xf32, #tpu.memory_space<vmem_shared>>)
        %add3A_165 = arith.constant 4 : i32
        %add3A_166 = arith.addi %add3A_142, %add3A_165 : i32
        %mul3A_167 = arith.constant 10000 : i32
        %mul3A_168 = arith.muli %add3A, %mul3A_167 : i32
        %mul3A_169 = arith.constant 80 : i32
        %mul3A_170 = arith.muli %add3A_166, %mul3A_169 : i32
        %add3A_171 = arith.addi %mul3A_168, %mul3A_170 : i32
        "tpu.region"() ({
          %run_scoped3A = tpu.sem_alloc : memref<!tpu.dma_semaphore, #tpu.memory_space<semaphore_mem>>
          %dma_start3A_175 = tpu.memref_slice %arg3[%add3A_171] : memref<320000xi32, #tpu.memory_space<hbm>> -> memref<80xi32, #tpu.memory_space<hbm>>
          %dma_start3A_176 = tpu.memref_slice %arg3[%add3A_171] : memref<320000xi32, #tpu.memory_space<hbm>> -> memref<80xi32, #tpu.memory_space<hbm>>
          tpu.enqueue_dma source(%dma_start3A_176 : memref<80xi32, #tpu.memory_space<hbm>>) target(%arg14 : memref<80xi32, #tpu.memory_space<vmem>>) target_semaphore(%run_scoped3A : memref<!tpu.dma_semaphore, #tpu.memory_space<semaphore_mem>>)
          %dma_wait3A_177 = tpu.memref_slice %arg3[%add3A_171] : memref<320000xi32, #tpu.memory_space<hbm>> -> memref<80xi32, #tpu.memory_space<hbm>>
          %dma_wait3A_178 = tpu.memref_slice %arg3[%add3A_171] : memref<320000xi32, #tpu.memory_space<hbm>> -> memref<80xi32, #tpu.memory_space<hbm>>
          tpu.wait_dma2 semaphore(%run_scoped3A : memref<!tpu.dma_semaphore, #tpu.memory_space<semaphore_mem>>) src(%dma_wait3A_178 : memref<80xi32, #tpu.memory_space<hbm>>) dst(%arg14 : memref<80xi32, #tpu.memory_space<vmem>>)
          tpu.yield
        }) : () -> ()
        "tpu.region"() ({
          %run_scoped3A = tpu.sem_alloc : memref<!tpu.dma_semaphore, #tpu.memory_space<semaphore_mem>>
          %dma_start3A_175 = tpu.memref_slice %arg4[%add3A_171] : memref<320000xi32, #tpu.memory_space<hbm>> -> memref<80xi32, #tpu.memory_space<hbm>>
          %dma_start3A_176 = tpu.memref_slice %arg4[%add3A_171] : memref<320000xi32, #tpu.memory_space<hbm>> -> memref<80xi32, #tpu.memory_space<hbm>>
          tpu.enqueue_dma source(%dma_start3A_176 : memref<80xi32, #tpu.memory_space<hbm>>) target(%arg18 : memref<80xi32, #tpu.memory_space<vmem>>) target_semaphore(%run_scoped3A : memref<!tpu.dma_semaphore, #tpu.memory_space<semaphore_mem>>)
          %dma_wait3A_177 = tpu.memref_slice %arg4[%add3A_171] : memref<320000xi32, #tpu.memory_space<hbm>> -> memref<80xi32, #tpu.memory_space<hbm>>
          %dma_wait3A_178 = tpu.memref_slice %arg4[%add3A_171] : memref<320000xi32, #tpu.memory_space<hbm>> -> memref<80xi32, #tpu.memory_space<hbm>>
          tpu.wait_dma2 semaphore(%run_scoped3A : memref<!tpu.dma_semaphore, #tpu.memory_space<semaphore_mem>>) src(%dma_wait3A_178 : memref<80xi32, #tpu.memory_space<hbm>>) dst(%arg18 : memref<80xi32, #tpu.memory_space<vmem>>)
          tpu.yield
        }) : () -> ()
        %dma_start3A_172 = arith.constant 0 : i32
        %dma_start3A_173 = arith.constant 0 : i32
        %dma_start3A_174 = tpu.memref_slice %arg2[%dma_start3A_172, %dma_start3A_173] : memref<10000x128xf32, #tpu.memory_space<hbm>> -> memref<10000x128xf32, #tpu.memory_space<hbm>>
        tpu.enqueue_indirect_dma source(%dma_start3A_174 : memref<10000x128xf32, #tpu.memory_space<hbm>>) target(%arg10 : memref<80x128xf32, #tpu.memory_space<vmem>>) offsets(%arg14 : memref<80xi32, #tpu.memory_space<vmem>>) semaphore(%arg23 : memref<!tpu.dma_semaphore, #tpu.memory_space<semaphore_mem>>)
      } else {
      }
    }
    %scan3A_41 = arith.constant 31 : i32
    %dma_wait3A = arith.constant 0 : i32
    %dma_wait3A_42 = arith.constant 0 : i32
    %dma_wait3A_43 = tpu.memref_slice %arg2[%dma_wait3A, %dma_wait3A_42] : memref<10000x128xf32, #tpu.memory_space<hbm>> -> memref<80x128xf32, #tpu.memory_space<hbm>>
    %dma_wait3A_44 = arith.constant 0 : i32
    %dma_wait3A_45 = arith.constant 0 : i32
    %dma_wait3A_46 = tpu.memref_slice %arg2[%dma_wait3A_44, %dma_wait3A_45] : memref<10000x128xf32, #tpu.memory_space<hbm>> -> memref<80x128xf32, #tpu.memory_space<hbm>>
    tpu.wait_dma2 semaphore(%arg20 : memref<!tpu.dma_semaphore, #tpu.memory_space<semaphore_mem>>) src(%dma_wait3A_46 : memref<80x128xf32, #tpu.memory_space<hbm>>) dst(%arg7 : memref<80x128xf32, #tpu.memory_space<vmem>>)
    %dma_start3A_47 = arith.constant 0 : i32
    %dma_start3A_48 = arith.constant 0 : i32
    %dma_start3A_49 = tpu.memref_slice %arg6[%dma_start3A_47, %dma_start3A_48] : memref<10240x128xf32, #tpu.memory_space<vmem_shared>> -> memref<10240x128xf32, #tpu.memory_space<vmem_shared>>
    tpu.enqueue_indirect_dma source(%arg7 : memref<80x128xf32, #tpu.memory_space<vmem>>) target(%dma_start3A_49 : memref<10240x128xf32, #tpu.memory_space<vmem_shared>>) offsets(%arg15 : memref<80xi32, #tpu.memory_space<vmem>>) semaphore(%arg24 : memref<!tpu.dma_semaphore, #tpu.memory_space<semaphore_mem>>) {add = true}
    %dma_wait3A_50 = arith.constant 0 : i32
    %dma_wait3A_51 = arith.constant 0 : i32
    %dma_wait3A_52 = tpu.memref_slice %arg6[%dma_wait3A_50, %dma_wait3A_51] : memref<10240x128xf32, #tpu.memory_space<vmem_shared>> -> memref<80x128xf32, #tpu.memory_space<vmem_shared>>
    %dma_wait3A_53 = arith.constant 0 : i32
    %dma_wait3A_54 = arith.constant 0 : i32
    %dma_wait3A_55 = tpu.memref_slice %arg6[%dma_wait3A_53, %dma_wait3A_54] : memref<10240x128xf32, #tpu.memory_space<vmem_shared>> -> memref<80x128xf32, #tpu.memory_space<vmem_shared>>
    tpu.wait_dma2 semaphore(%arg24 : memref<!tpu.dma_semaphore, #tpu.memory_space<semaphore_mem>>) src(%arg7 : memref<80x128xf32, #tpu.memory_space<vmem>>) dst(%dma_wait3A_55 : memref<80x128xf32, #tpu.memory_space<vmem_shared>>)
    %dma_wait3A_56 = arith.constant 0 : i32
    %dma_wait3A_57 = arith.constant 0 : i32
    %dma_wait3A_58 = tpu.memref_slice %arg6[%dma_wait3A_56, %dma_wait3A_57] : memref<10240x128xf32, #tpu.memory_space<vmem_shared>> -> memref<80x128xf32, #tpu.memory_space<vmem_shared>>
    %dma_wait3A_59 = arith.constant 0 : i32
    %dma_wait3A_60 = arith.constant 0 : i32
    %dma_wait3A_61 = tpu.memref_slice %arg6[%dma_wait3A_59, %dma_wait3A_60] : memref<10240x128xf32, #tpu.memory_space<vmem_shared>> -> memref<80x128xf32, #tpu.memory_space<vmem_shared>>
    tpu.wait_dma2 semaphore(%arg25 : memref<!tpu.dma_semaphore, #tpu.memory_space<semaphore_mem>>) src(%arg8 : memref<80x128xf32, #tpu.memory_space<vmem>>) dst(%dma_wait3A_61 : memref<80x128xf32, #tpu.memory_space<vmem_shared>>)
    %dma_wait3A_62 = arith.constant 0 : i32
    %dma_wait3A_63 = arith.constant 0 : i32
    %dma_wait3A_64 = tpu.memref_slice %arg6[%dma_wait3A_62, %dma_wait3A_63] : memref<10240x128xf32, #tpu.memory_space<vmem_shared>> -> memref<80x128xf32, #tpu.memory_space<vmem_shared>>
    %dma_wait3A_65 = arith.constant 0 : i32
    %dma_wait3A_66 = arith.constant 0 : i32
    %dma_wait3A_67 = tpu.memref_slice %arg6[%dma_wait3A_65, %dma_wait3A_66] : memref<10240x128xf32, #tpu.memory_space<vmem_shared>> -> memref<80x128xf32, #tpu.memory_space<vmem_shared>>
    tpu.wait_dma2 semaphore(%arg26 : memref<!tpu.dma_semaphore, #tpu.memory_space<semaphore_mem>>) src(%arg9 : memref<80x128xf32, #tpu.memory_space<vmem>>) dst(%dma_wait3A_67 : memref<80x128xf32, #tpu.memory_space<vmem_shared>>)
    %dma_wait3A_68 = arith.constant 0 : i32
    %dma_wait3A_69 = arith.constant 0 : i32
    %dma_wait3A_70 = tpu.memref_slice %arg6[%dma_wait3A_68, %dma_wait3A_69] : memref<10240x128xf32, #tpu.memory_space<vmem_shared>> -> memref<80x128xf32, #tpu.memory_space<vmem_shared>>
    %dma_wait3A_71 = arith.constant 0 : i32
    %dma_wait3A_72 = arith.constant 0 : i32
    %dma_wait3A_73 = tpu.memref_slice %arg6[%dma_wait3A_71, %dma_wait3A_72] : memref<10240x128xf32, #tpu.memory_space<vmem_shared>> -> memref<80x128xf32, #tpu.memory_space<vmem_shared>>
    tpu.wait_dma2 semaphore(%arg27 : memref<!tpu.dma_semaphore, #tpu.memory_space<semaphore_mem>>) src(%arg10 : memref<80x128xf32, #tpu.memory_space<vmem>>) dst(%dma_wait3A_73 : memref<80x128xf32, #tpu.memory_space<vmem_shared>>)
    %barrier3A_74 = arith.constant 0 : index
    tpu.barrier barrier_id(%barrier3A_74)
    %mul3A_75 = arith.constant 640 : i32
    %mul3A_76 = arith.muli %arg1, %mul3A_75 : i32
    "tpu.region"() ({
      %run_scoped3A = tpu.sem_alloc : memref<!tpu.dma_semaphore, #tpu.memory_space<semaphore_mem>>
      %dma_start3A_77 = arith.constant 0 : i32
      %dma_start3A_78 = tpu.memref_slice %arg5[%arg0, %mul3A_76, %dma_start3A_77] : memref<2x10240x128xf32, #tpu.memory_space<hbm>> -> memref<1x640x128xf32, #tpu.memory_space<hbm>>
      %dma_start3A_79 = tpu.memref_squeeze %dma_start3A_78 : memref<1x640x128xf32, #tpu.memory_space<hbm>> -> memref<640x128xf32, #tpu.memory_space<hbm>>
      %dma_start3A_80 = arith.constant 0 : i32
      %dma_start3A_81 = tpu.memref_slice %arg6[%mul3A_76, %dma_start3A_80] : memref<10240x128xf32, #tpu.memory_space<vmem_shared>> -> memref<640x128xf32, #tpu.memory_space<vmem_shared>>
      tpu.enqueue_dma source(%dma_start3A_81 : memref<640x128xf32, #tpu.memory_space<vmem_shared>>) target(%dma_start3A_79 : memref<640x128xf32, #tpu.memory_space<hbm>>) target_semaphore(%run_scoped3A : memref<!tpu.dma_semaphore, #tpu.memory_space<semaphore_mem>>)
      %dma_wait3A_82 = arith.constant 0 : i32
      %dma_wait3A_83 = tpu.memref_slice %arg5[%arg0, %mul3A_76, %dma_wait3A_82] : memref<2x10240x128xf32, #tpu.memory_space<hbm>> -> memref<1x640x128xf32, #tpu.memory_space<hbm>>
      %dma_wait3A_84 = tpu.memref_squeeze %dma_wait3A_83 : memref<1x640x128xf32, #tpu.memory_space<hbm>> -> memref<640x128xf32, #tpu.memory_space<hbm>>
      %dma_wait3A_85 = arith.constant 0 : i32
      %dma_wait3A_86 = tpu.memref_slice %arg6[%mul3A_76, %dma_wait3A_85] : memref<10240x128xf32, #tpu.memory_space<vmem_shared>> -> memref<640x128xf32, #tpu.memory_space<vmem_shared>>
      tpu.wait_dma2 semaphore(%run_scoped3A : memref<!tpu.dma_semaphore, #tpu.memory_space<semaphore_mem>>) src(%dma_wait3A_86 : memref<640x128xf32, #tpu.memory_space<vmem_shared>>) dst(%dma_wait3A_84 : memref<640x128xf32, #tpu.memory_space<hbm>>)
      tpu.yield
    }) : () -> ()
    return
  }
}

#map = affine_map<(d0, d1) -> (0, 0)>
#map1 = affine_map<(d0, d1) -> (0)>
#map2 = affine_map<(d0, d1) -> (0, 0, 0)>
module attributes {stable_mosaic.version = 14 : i64} {
  func.func @_propagate(%arg0: i32, %arg1: i32, %arg2: memref<10000x128xf32, #tpu.memory_space<hbm>>, %arg3: memref<320000xi32, #tpu.memory_space<hbm>>, %arg4: memref<320000xi32, #tpu.memory_space<hbm>>, %arg5: memref<2x10240x128xf32, #tpu.memory_space<hbm>>, %arg6: memref<10240x128xf32, #tpu.memory_space<vmem_shared>>, %arg7: memref<80x128xf32, #tpu.memory_space<vmem>>, %arg8: memref<80x128xf32, #tpu.memory_space<vmem>>, %arg9: memref<80x128xf32, #tpu.memory_space<vmem>>, %arg10: memref<80x128xf32, #tpu.memory_space<vmem>>, %arg11: memref<80xi32, #tpu.memory_space<vmem>>, %arg12: memref<80xi32, #tpu.memory_space<vmem>>, %arg13: memref<80xi32, #tpu.memory_space<vmem>>, %arg14: memref<80xi32, #tpu.memory_space<vmem>>, %arg15: memref<80xi32, #tpu.memory_space<vmem>>, %arg16: memref<80xi32, #tpu.memory_space<vmem>>, %arg17: memref<80xi32, #tpu.memory_space<vmem>>, %arg18: memref<80xi32, #tpu.memory_space<vmem>>, %arg19: memref<32x128xf32, #tpu.memory_space<vmem>>, %arg20: memref<!tpu.dma_semaphore, #tpu.memory_space<semaphore_mem>>, %arg21: memref<!tpu.dma_semaphore, #tpu.memory_space<semaphore_mem>>, %arg22: memref<!tpu.dma_semaphore, #tpu.memory_space<semaphore_mem>>, %arg23: memref<!tpu.dma_semaphore, #tpu.memory_space<semaphore_mem>>, %arg24: memref<!tpu.dma_semaphore, #tpu.memory_space<semaphore_mem>>, %arg25: memref<!tpu.dma_semaphore, #tpu.memory_space<semaphore_mem>>, %arg26: memref<!tpu.dma_semaphore, #tpu.memory_space<semaphore_mem>>, %arg27: memref<!tpu.dma_semaphore, #tpu.memory_space<semaphore_mem>>) attributes {dimension_semantics = [#tpu.dimension_semantics<core_parallel>, #tpu.dimension_semantics<subcore_parallel>], iteration_bounds = array<i64: 2, 16>, scalar_prefetch = 0 : i64, scratch_operands = 22 : i64, tpu.core_type = #tpu.core_type<sc_vector_subcore>, window_params = [{transform_indices = #map}, {transform_indices = #map1}, {transform_indices = #map1}, {transform_indices = #map2}]} {
    %mul3A = arith.constant 16 : i32
    %mul3A_0 = arith.muli %arg0, %mul3A : i32
    %add3A = arith.addi %mul3A_0, %arg1 : i32
    %scan3A = arith.constant 0 : i32
    %scan3A_1 = arith.constant 32 : i32
    %scan3A_2 = arith.addi %scan3A, %scan3A_1 : i32
    %scan3A_3 = arith.constant 1 : i32
    scf.for %scan3A_77 = %scan3A to %scan3A_2 step %scan3A_3  : i32 {
      %mul3A_78 = arith.constant 1 : i32
      %mul3A_79 = arith.muli %scan3A_77, %mul3A_78 : i32
      %add3A_80 = arith.constant 0 : i32
      %add3A_81 = arith.addi %add3A_80, %mul3A_79 : i32
      %scan3A_82 = arith.constant 0 : i32
      %scan3A_83 = arith.constant 8 : i32
      %scan3A_84 = arith.addi %scan3A_82, %scan3A_83 : i32
      %scan3A_85 = arith.constant 1 : i32
      scf.for %scan3A_87 = %scan3A_82 to %scan3A_84 step %scan3A_85  : i32 {
        %mul3A_88 = arith.constant 1 : i32
        %mul3A_89 = arith.muli %scan3A_87, %mul3A_88 : i32
        %add3A_90 = arith.constant 0 : i32
        %add3A_91 = arith.addi %add3A_90, %mul3A_89 : i32
        %broadcast_in_dim3A = arith.constant 0.000000e+00 : f32
        %broadcast_in_dim3A_92 = vector.broadcast %broadcast_in_dim3A : f32 to vector<16xf32>
        %mul3A_93 = arith.constant 16 : i32
        %mul3A_94 = arith.muli %add3A_91, %mul3A_93 : i32
        %swap3A = arith.index_cast %add3A_81 : i32 to index
        %swap3A_95 = arith.index_cast %mul3A_94 : i32 to index
        %swap3A_96 = tpu.vector_load %arg19[%swap3A, %swap3A_95] {strides = array<i32>} : memref<32x128xf32, #tpu.memory_space<vmem>>, vector<1x16xf32>,
        %swap3A_97 = vector.shape_cast %swap3A_96 : vector<1x16xf32> to vector<16xf32>
        %swap3A_98 = vector.shape_cast %broadcast_in_dim3A_92 : vector<16xf32> to vector<1x16xf32>
        tpu.vector_store %arg19[%swap3A, %swap3A_95], %swap3A_98 {strides = array<i32>} : memref<32x128xf32, #tpu.memory_space<vmem>>, vector<1x16xf32>,
      }
      %scan3A_86 = arith.constant 8 : i32
    }
    %scan3A_4 = arith.constant 32 : i32
    %scan3A_5 = arith.constant 0 : i32
    %scan3A_6 = arith.constant 20 : i32
    %scan3A_7 = arith.addi %scan3A_5, %scan3A_6 : i32
    %scan3A_8 = arith.constant 1 : i32
    scf.for %scan3A_77 = %scan3A_5 to %scan3A_7 step %scan3A_8  : i32 {
      %mul3A_78 = arith.constant 1 : i32
      %mul3A_79 = arith.muli %scan3A_77, %mul3A_78 : i32
      %add3A_80 = arith.constant 0 : i32
      %add3A_81 = arith.addi %add3A_80, %mul3A_79 : i32
      %mul3A_82 = arith.constant 640 : i32
      %mul3A_83 = arith.muli %arg1, %mul3A_82 : i32
      %mul3A_84 = arith.constant 32 : i32
      %mul3A_85 = arith.muli %add3A_81, %mul3A_84 : i32
      %add3A_86 = arith.addi %mul3A_83, %mul3A_85 : i32
      "tpu.region"() ({
        %run_scoped3A = tpu.sem_alloc : memref<!tpu.dma_semaphore, #tpu.memory_space<semaphore_mem>>
        %dma_start3A_87 = arith.constant 0 : i32
        %dma_start3A_88 = tpu.memref_slice %arg6[%add3A_86, %dma_start3A_87] : memref<10240x128xf32, #tpu.memory_space<vmem_shared>> -> memref<32x128xf32, #tpu.memory_space<vmem_shared>>
        %dma_start3A_89 = arith.constant 0 : i32
        %dma_start3A_90 = tpu.memref_slice %arg6[%add3A_86, %dma_start3A_89] : memref<10240x128xf32, #tpu.memory_space<vmem_shared>> -> memref<32x128xf32, #tpu.memory_space<vmem_shared>>
        tpu.enqueue_dma source(%arg19 : memref<32x128xf32, #tpu.memory_space<vmem>>) target(%dma_start3A_90 : memref<32x128xf32, #tpu.memory_space<vmem_shared>>) target_semaphore(%run_scoped3A : memref<!tpu.dma_semaphore, #tpu.memory_space<semaphore_mem>>)
        %dma_wait3A_91 = arith.constant 0 : i32
        %dma_wait3A_92 = tpu.memref_slice %arg6[%add3A_86, %dma_wait3A_91] : memref<10240x128xf32, #tpu.memory_space<vmem_shared>> -> memref<32x128xf32, #tpu.memory_space<vmem_shared>>
        %dma_wait3A_93 = arith.constant 0 : i32
        %dma_wait3A_94 = tpu.memref_slice %arg6[%add3A_86, %dma_wait3A_93] : memref<10240x128xf32, #tpu.memory_space<vmem_shared>> -> memref<32x128xf32, #tpu.memory_space<vmem_shared>>
        tpu.wait_dma2 semaphore(%run_scoped3A : memref<!tpu.dma_semaphore, #tpu.memory_space<semaphore_mem>>) src(%arg19 : memref<32x128xf32, #tpu.memory_space<vmem>>) dst(%dma_wait3A_94 : memref<32x128xf32, #tpu.memory_space<vmem_shared>>)
        tpu.yield
      }) : () -> ()
    }
    %scan3A_9 = arith.constant 20 : i32
    %barrier3A = arith.constant 0 : index
    tpu.barrier barrier_id(%barrier3A)
    %mul3A_10 = arith.constant 10000 : i32
    %mul3A_11 = arith.muli %add3A, %mul3A_10 : i32
    %add3A_12 = arith.constant 0 : i32
    %add3A_13 = arith.addi %mul3A_11, %add3A_12 : i32
    "tpu.region"() ({
      %run_scoped3A = tpu.sem_alloc : memref<!tpu.dma_semaphore, #tpu.memory_space<semaphore_mem>>
      %dma_start3A_77 = tpu.memref_slice %arg3[%add3A_13] : memref<320000xi32, #tpu.memory_space<hbm>> -> memref<80xi32, #tpu.memory_space<hbm>>
      %dma_start3A_78 = tpu.memref_slice %arg3[%add3A_13] : memref<320000xi32, #tpu.memory_space<hbm>> -> memref<80xi32, #tpu.memory_space<hbm>>
      tpu.enqueue_dma source(%dma_start3A_78 : memref<80xi32, #tpu.memory_space<hbm>>) target(%arg11 : memref<80xi32, #tpu.memory_space<vmem>>) target_semaphore(%run_scoped3A : memref<!tpu.dma_semaphore, #tpu.memory_space<semaphore_mem>>)
      %dma_wait3A_79 = tpu.memref_slice %arg3[%add3A_13] : memref<320000xi32, #tpu.memory_space<hbm>> -> memref<80xi32, #tpu.memory_space<hbm>>
      %dma_wait3A_80 = tpu.memref_slice %arg3[%add3A_13] : memref<320000xi32, #tpu.memory_space<hbm>> -> memref<80xi32, #tpu.memory_space<hbm>>
      tpu.wait_dma2 semaphore(%run_scoped3A : memref<!tpu.dma_semaphore, #tpu.memory_space<semaphore_mem>>) src(%dma_wait3A_80 : memref<80xi32, #tpu.memory_space<hbm>>) dst(%arg11 : memref<80xi32, #tpu.memory_space<vmem>>)
      tpu.yield
    }) : () -> ()
    "tpu.region"() ({
      %run_scoped3A = tpu.sem_alloc : memref<!tpu.dma_semaphore, #tpu.memory_space<semaphore_mem>>
      %dma_start3A_77 = tpu.memref_slice %arg4[%add3A_13] : memref<320000xi32, #tpu.memory_space<hbm>> -> memref<80xi32, #tpu.memory_space<hbm>>
      %dma_start3A_78 = tpu.memref_slice %arg4[%add3A_13] : memref<320000xi32, #tpu.memory_space<hbm>> -> memref<80xi32, #tpu.memory_space<hbm>>
      tpu.enqueue_dma source(%dma_start3A_78 : memref<80xi32, #tpu.memory_space<hbm>>) target(%arg15 : memref<80xi32, #tpu.memory_space<vmem>>) target_semaphore(%run_scoped3A : memref<!tpu.dma_semaphore, #tpu.memory_space<semaphore_mem>>)
      %dma_wait3A_79 = tpu.memref_slice %arg4[%add3A_13] : memref<320000xi32, #tpu.memory_space<hbm>> -> memref<80xi32, #tpu.memory_space<hbm>>
      %dma_wait3A_80 = tpu.memref_slice %arg4[%add3A_13] : memref<320000xi32, #tpu.memory_space<hbm>> -> memref<80xi32, #tpu.memory_space<hbm>>
      tpu.wait_dma2 semaphore(%run_scoped3A : memref<!tpu.dma_semaphore, #tpu.memory_space<semaphore_mem>>) src(%dma_wait3A_80 : memref<80xi32, #tpu.memory_space<hbm>>) dst(%arg15 : memref<80xi32, #tpu.memory_space<vmem>>)
      tpu.yield
    }) : () -> ()
    %dma_start3A = arith.constant 0 : i32
    %dma_start3A_14 = arith.constant 0 : i32
    %dma_start3A_15 = tpu.memref_slice %arg2[%dma_start3A, %dma_start3A_14] : memref<10000x128xf32, #tpu.memory_space<hbm>> -> memref<10000x128xf32, #tpu.memory_space<hbm>>
    tpu.enqueue_indirect_dma source(%dma_start3A_15 : memref<10000x128xf32, #tpu.memory_space<hbm>>) target(%arg7 : memref<80x128xf32, #tpu.memory_space<vmem>>) offsets(%arg11 : memref<80xi32, #tpu.memory_space<vmem>>) semaphore(%arg20 : memref<!tpu.dma_semaphore, #tpu.memory_space<semaphore_mem>>)
    %mul3A_16 = arith.constant 10000 : i32
    %mul3A_17 = arith.muli %add3A, %mul3A_16 : i32
    %add3A_18 = arith.constant 80 : i32
    %add3A_19 = arith.addi %mul3A_17, %add3A_18 : i32
    "tpu.region"() ({
      %run_scoped3A = tpu.sem_alloc : memref<!tpu.dma_semaphore, #tpu.memory_space<semaphore_mem>>
      %dma_start3A_77 = tpu.memref_slice %arg3[%add3A_19] : memref<320000xi32, #tpu.memory_space<hbm>> -> memref<80xi32, #tpu.memory_space<hbm>>
      %dma_start3A_78 = tpu.memref_slice %arg3[%add3A_19] : memref<320000xi32, #tpu.memory_space<hbm>> -> memref<80xi32, #tpu.memory_space<hbm>>
      tpu.enqueue_dma source(%dma_start3A_78 : memref<80xi32, #tpu.memory_space<hbm>>) target(%arg12 : memref<80xi32, #tpu.memory_space<vmem>>) target_semaphore(%run_scoped3A : memref<!tpu.dma_semaphore, #tpu.memory_space<semaphore_mem>>)
      %dma_wait3A_79 = tpu.memref_slice %arg3[%add3A_19] : memref<320000xi32, #tpu.memory_space<hbm>> -> memref<80xi32, #tpu.memory_space<hbm>>
      %dma_wait3A_80 = tpu.memref_slice %arg3[%add3A_19] : memref<320000xi32, #tpu.memory_space<hbm>> -> memref<80xi32, #tpu.memory_space<hbm>>
      tpu.wait_dma2 semaphore(%run_scoped3A : memref<!tpu.dma_semaphore, #tpu.memory_space<semaphore_mem>>) src(%dma_wait3A_80 : memref<80xi32, #tpu.memory_space<hbm>>) dst(%arg12 : memref<80xi32, #tpu.memory_space<vmem>>)
      tpu.yield
    }) : () -> ()
    "tpu.region"() ({
      %run_scoped3A = tpu.sem_alloc : memref<!tpu.dma_semaphore, #tpu.memory_space<semaphore_mem>>
      %dma_start3A_77 = tpu.memref_slice %arg4[%add3A_19] : memref<320000xi32, #tpu.memory_space<hbm>> -> memref<80xi32, #tpu.memory_space<hbm>>
      %dma_start3A_78 = tpu.memref_slice %arg4[%add3A_19] : memref<320000xi32, #tpu.memory_space<hbm>> -> memref<80xi32, #tpu.memory_space<hbm>>
      tpu.enqueue_dma source(%dma_start3A_78 : memref<80xi32, #tpu.memory_space<hbm>>) target(%arg16 : memref<80xi32, #tpu.memory_space<vmem>>) target_semaphore(%run_scoped3A : memref<!tpu.dma_semaphore, #tpu.memory_space<semaphore_mem>>)
      %dma_wait3A_79 = tpu.memref_slice %arg4[%add3A_19] : memref<320000xi32, #tpu.memory_space<hbm>> -> memref<80xi32, #tpu.memory_space<hbm>>
      %dma_wait3A_80 = tpu.memref_slice %arg4[%add3A_19] : memref<320000xi32, #tpu.memory_space<hbm>> -> memref<80xi32, #tpu.memory_space<hbm>>
      tpu.wait_dma2 semaphore(%run_scoped3A : memref<!tpu.dma_semaphore, #tpu.memory_space<semaphore_mem>>) src(%dma_wait3A_80 : memref<80xi32, #tpu.memory_space<hbm>>) dst(%arg16 : memref<80xi32, #tpu.memory_space<vmem>>)
      tpu.yield
    }) : () -> ()
    %dma_start3A_20 = arith.constant 0 : i32
    %dma_start3A_21 = arith.constant 0 : i32
    %dma_start3A_22 = tpu.memref_slice %arg2[%dma_start3A_20, %dma_start3A_21] : memref<10000x128xf32, #tpu.memory_space<hbm>> -> memref<10000x128xf32, #tpu.memory_space<hbm>>
    tpu.enqueue_indirect_dma source(%dma_start3A_22 : memref<10000x128xf32, #tpu.memory_space<hbm>>) target(%arg8 : memref<80x128xf32, #tpu.memory_space<vmem>>) offsets(%arg12 : memref<80xi32, #tpu.memory_space<vmem>>) semaphore(%arg21 : memref<!tpu.dma_semaphore, #tpu.memory_space<semaphore_mem>>)
    %mul3A_23 = arith.constant 10000 : i32
    %mul3A_24 = arith.muli %add3A, %mul3A_23 : i32
    %add3A_25 = arith.constant 160 : i32
    %add3A_26 = arith.addi %mul3A_24, %add3A_25 : i32
    "tpu.region"() ({
      %run_scoped3A = tpu.sem_alloc : memref<!tpu.dma_semaphore, #tpu.memory_space<semaphore_mem>>
      %dma_start3A_77 = tpu.memref_slice %arg3[%add3A_26] : memref<320000xi32, #tpu.memory_space<hbm>> -> memref<80xi32, #tpu.memory_space<hbm>>
      %dma_start3A_78 = tpu.memref_slice %arg3[%add3A_26] : memref<320000xi32, #tpu.memory_space<hbm>> -> memref<80xi32, #tpu.memory_space<hbm>>
      tpu.enqueue_dma source(%dma_start3A_78 : memref<80xi32, #tpu.memory_space<hbm>>) target(%arg13 : memref<80xi32, #tpu.memory_space<vmem>>) target_semaphore(%run_scoped3A : memref<!tpu.dma_semaphore, #tpu.memory_space<semaphore_mem>>)
      %dma_wait3A_79 = tpu.memref_slice %arg3[%add3A_26] : memref<320000xi32, #tpu.memory_space<hbm>> -> memref<80xi32, #tpu.memory_space<hbm>>
      %dma_wait3A_80 = tpu.memref_slice %arg3[%add3A_26] : memref<320000xi32, #tpu.memory_space<hbm>> -> memref<80xi32, #tpu.memory_space<hbm>>
      tpu.wait_dma2 semaphore(%run_scoped3A : memref<!tpu.dma_semaphore, #tpu.memory_space<semaphore_mem>>) src(%dma_wait3A_80 : memref<80xi32, #tpu.memory_space<hbm>>) dst(%arg13 : memref<80xi32, #tpu.memory_space<vmem>>)
      tpu.yield
    }) : () -> ()
    "tpu.region"() ({
      %run_scoped3A = tpu.sem_alloc : memref<!tpu.dma_semaphore, #tpu.memory_space<semaphore_mem>>
      %dma_start3A_77 = tpu.memref_slice %arg4[%add3A_26] : memref<320000xi32, #tpu.memory_space<hbm>> -> memref<80xi32, #tpu.memory_space<hbm>>
      %dma_start3A_78 = tpu.memref_slice %arg4[%add3A_26] : memref<320000xi32, #tpu.memory_space<hbm>> -> memref<80xi32, #tpu.memory_space<hbm>>
      tpu.enqueue_dma source(%dma_start3A_78 : memref<80xi32, #tpu.memory_space<hbm>>) target(%arg17 : memref<80xi32, #tpu.memory_space<vmem>>) target_semaphore(%run_scoped3A : memref<!tpu.dma_semaphore, #tpu.memory_space<semaphore_mem>>)
      %dma_wait3A_79 = tpu.memref_slice %arg4[%add3A_26] : memref<320000xi32, #tpu.memory_space<hbm>> -> memref<80xi32, #tpu.memory_space<hbm>>
      %dma_wait3A_80 = tpu.memref_slice %arg4[%add3A_26] : memref<320000xi32, #tpu.memory_space<hbm>> -> memref<80xi32, #tpu.memory_space<hbm>>
      tpu.wait_dma2 semaphore(%run_scoped3A : memref<!tpu.dma_semaphore, #tpu.memory_space<semaphore_mem>>) src(%dma_wait3A_80 : memref<80xi32, #tpu.memory_space<hbm>>) dst(%arg17 : memref<80xi32, #tpu.memory_space<vmem>>)
      tpu.yield
    }) : () -> ()
    %dma_start3A_27 = arith.constant 0 : i32
    %dma_start3A_28 = arith.constant 0 : i32
    %dma_start3A_29 = tpu.memref_slice %arg2[%dma_start3A_27, %dma_start3A_28] : memref<10000x128xf32, #tpu.memory_space<hbm>> -> memref<10000x128xf32, #tpu.memory_space<hbm>>
    tpu.enqueue_indirect_dma source(%dma_start3A_29 : memref<10000x128xf32, #tpu.memory_space<hbm>>) target(%arg9 : memref<80x128xf32, #tpu.memory_space<vmem>>) offsets(%arg13 : memref<80xi32, #tpu.memory_space<vmem>>) semaphore(%arg22 : memref<!tpu.dma_semaphore, #tpu.memory_space<semaphore_mem>>)
    %mul3A_30 = arith.constant 10000 : i32
    %mul3A_31 = arith.muli %add3A, %mul3A_30 : i32
    %add3A_32 = arith.constant 240 : i32
    %add3A_33 = arith.addi %mul3A_31, %add3A_32 : i32
    "tpu.region"() ({
      %run_scoped3A = tpu.sem_alloc : memref<!tpu.dma_semaphore, #tpu.memory_space<semaphore_mem>>
      %dma_start3A_77 = tpu.memref_slice %arg3[%add3A_33] : memref<320000xi32, #tpu.memory_space<hbm>> -> memref<80xi32, #tpu.memory_space<hbm>>
      %dma_start3A_78 = tpu.memref_slice %arg3[%add3A_33] : memref<320000xi32, #tpu.memory_space<hbm>> -> memref<80xi32, #tpu.memory_space<hbm>>
      tpu.enqueue_dma source(%dma_start3A_78 : memref<80xi32, #tpu.memory_space<hbm>>) target(%arg14 : memref<80xi32, #tpu.memory_space<vmem>>) target_semaphore(%run_scoped3A : memref<!tpu.dma_semaphore, #tpu.memory_space<semaphore_mem>>)
      %dma_wait3A_79 = tpu.memref_slice %arg3[%add3A_33] : memref<320000xi32, #tpu.memory_space<hbm>> -> memref<80xi32, #tpu.memory_space<hbm>>
      %dma_wait3A_80 = tpu.memref_slice %arg3[%add3A_33] : memref<320000xi32, #tpu.memory_space<hbm>> -> memref<80xi32, #tpu.memory_space<hbm>>
      tpu.wait_dma2 semaphore(%run_scoped3A : memref<!tpu.dma_semaphore, #tpu.memory_space<semaphore_mem>>) src(%dma_wait3A_80 : memref<80xi32, #tpu.memory_space<hbm>>) dst(%arg14 : memref<80xi32, #tpu.memory_space<vmem>>)
      tpu.yield
    }) : () -> ()
    "tpu.region"() ({
      %run_scoped3A = tpu.sem_alloc : memref<!tpu.dma_semaphore, #tpu.memory_space<semaphore_mem>>
      %dma_start3A_77 = tpu.memref_slice %arg4[%add3A_33] : memref<320000xi32, #tpu.memory_space<hbm>> -> memref<80xi32, #tpu.memory_space<hbm>>
      %dma_start3A_78 = tpu.memref_slice %arg4[%add3A_33] : memref<320000xi32, #tpu.memory_space<hbm>> -> memref<80xi32, #tpu.memory_space<hbm>>
      tpu.enqueue_dma source(%dma_start3A_78 : memref<80xi32, #tpu.memory_space<hbm>>) target(%arg18 : memref<80xi32, #tpu.memory_space<vmem>>) target_semaphore(%run_scoped3A : memref<!tpu.dma_semaphore, #tpu.memory_space<semaphore_mem>>)
      %dma_wait3A_79 = tpu.memref_slice %arg4[%add3A_33] : memref<320000xi32, #tpu.memory_space<hbm>> -> memref<80xi32, #tpu.memory_space<hbm>>
      %dma_wait3A_80 = tpu.memref_slice %arg4[%add3A_33] : memref<320000xi32, #tpu.memory_space<hbm>> -> memref<80xi32, #tpu.memory_space<hbm>>
      tpu.wait_dma2 semaphore(%run_scoped3A : memref<!tpu.dma_semaphore, #tpu.memory_space<semaphore_mem>>) src(%dma_wait3A_80 : memref<80xi32, #tpu.memory_space<hbm>>) dst(%arg18 : memref<80xi32, #tpu.memory_space<vmem>>)
      tpu.yield
    }) : () -> ()
    %dma_start3A_34 = arith.constant 0 : i32
    %dma_start3A_35 = arith.constant 0 : i32
    %dma_start3A_36 = tpu.memref_slice %arg2[%dma_start3A_34, %dma_start3A_35] : memref<10000x128xf32, #tpu.memory_space<hbm>> -> memref<10000x128xf32, #tpu.memory_space<hbm>>
    tpu.enqueue_indirect_dma source(%dma_start3A_36 : memref<10000x128xf32, #tpu.memory_space<hbm>>) target(%arg10 : memref<80x128xf32, #tpu.memory_space<vmem>>) offsets(%arg14 : memref<80xi32, #tpu.memory_space<vmem>>) semaphore(%arg23 : memref<!tpu.dma_semaphore, #tpu.memory_space<semaphore_mem>>)
    %scan3A_37 = arith.constant 0 : i32
    %scan3A_38 = arith.constant 31 : i32
    %scan3A_39 = arith.addi %scan3A_37, %scan3A_38 : i32
    %scan3A_40 = arith.constant 1 : i32
    scf.for %scan3A_77 = %scan3A_37 to %scan3A_39 step %scan3A_40  : i32 {
      %mul3A_78 = arith.constant 1 : i32
      %mul3A_79 = arith.muli %scan3A_77, %mul3A_78 : i32
      %add3A_80 = arith.constant 0 : i32
      %add3A_81 = arith.addi %add3A_80, %mul3A_79 : i32
      %mul3A_82 = arith.constant 4 : i32
      %mul3A_83 = arith.muli %add3A_81, %mul3A_82 : i32
      %add3A_84 = arith.constant 0 : i32
      %add3A_85 = arith.addi %mul3A_83, %add3A_84 : i32
      %dma_wait3A_86 = arith.constant 0 : i32
      %dma_wait3A_87 = arith.constant 0 : i32
      %dma_wait3A_88 = tpu.memref_slice %arg2[%dma_wait3A_86, %dma_wait3A_87] : memref<10000x128xf32, #tpu.memory_space<hbm>> -> memref<80x128xf32, #tpu.memory_space<hbm>>
      %dma_wait3A_89 = arith.constant 0 : i32
      %dma_wait3A_90 = arith.constant 0 : i32
      %dma_wait3A_91 = tpu.memref_slice %arg2[%dma_wait3A_89, %dma_wait3A_90] : memref<10000x128xf32, #tpu.memory_space<hbm>> -> memref<80x128xf32, #tpu.memory_space<hbm>>
      tpu.wait_dma2 semaphore(%arg20 : memref<!tpu.dma_semaphore, #tpu.memory_space<semaphore_mem>>) src(%dma_wait3A_91 : memref<80x128xf32, #tpu.memory_space<hbm>>) dst(%arg7 : memref<80x128xf32, #tpu.memory_space<vmem>>)
      %dma_start3A_92 = arith.constant 0 : i32
      %dma_start3A_93 = arith.constant 0 : i32
      %dma_start3A_94 = tpu.memref_slice %arg6[%dma_start3A_92, %dma_start3A_93] : memref<10240x128xf32, #tpu.memory_space<vmem_shared>> -> memref<10240x128xf32, #tpu.memory_space<vmem_shared>>
      tpu.enqueue_indirect_dma source(%arg7 : memref<80x128xf32, #tpu.memory_space<vmem>>) target(%dma_start3A_94 : memref<10240x128xf32, #tpu.memory_space<vmem_shared>>) offsets(%arg15 : memref<80xi32, #tpu.memory_space<vmem>>) semaphore(%arg24 : memref<!tpu.dma_semaphore, #tpu.memory_space<semaphore_mem>>) {add = true}
      %add3A_95 = arith.constant 4 : i32
      %add3A_96 = arith.addi %add3A_85, %add3A_95 : i32
      %lt3A = arith.constant 125 : i32
      %lt3A_97 = arith.cmpi slt, %add3A_96, %lt3A : i32
      %convert_element_type3A = arith.extui %lt3A_97 : i1 to i32
      %cond3A = arith.constant 0 : i32
      %cond3A_98 = arith.cmpi ne, %convert_element_type3A, %cond3A : i32
      scf.if %cond3A_98 {
        %dma_wait3A_159 = arith.constant 0 : i32
        %dma_wait3A_160 = arith.constant 0 : i32
        %dma_wait3A_161 = tpu.memref_slice %arg6[%dma_wait3A_159, %dma_wait3A_160] : memref<10240x128xf32, #tpu.memory_space<vmem_shared>> -> memref<80x128xf32, #tpu.memory_space<vmem_shared>>
        %dma_wait3A_162 = arith.constant 0 : i32
        %dma_wait3A_163 = arith.constant 0 : i32
        %dma_wait3A_164 = tpu.memref_slice %arg6[%dma_wait3A_162, %dma_wait3A_163] : memref<10240x128xf32, #tpu.memory_space<vmem_shared>> -> memref<80x128xf32, #tpu.memory_space<vmem_shared>>
        tpu.wait_dma2 semaphore(%arg24 : memref<!tpu.dma_semaphore, #tpu.memory_space<semaphore_mem>>) src(%arg7 : memref<80x128xf32, #tpu.memory_space<vmem>>) dst(%dma_wait3A_164 : memref<80x128xf32, #tpu.memory_space<vmem_shared>>)
        %add3A_165 = arith.constant 4 : i32
        %add3A_166 = arith.addi %add3A_85, %add3A_165 : i32
        %mul3A_167 = arith.constant 10000 : i32
        %mul3A_168 = arith.muli %add3A, %mul3A_167 : i32
        %mul3A_169 = arith.constant 80 : i32
        %mul3A_170 = arith.muli %add3A_166, %mul3A_169 : i32
        %add3A_171 = arith.addi %mul3A_168, %mul3A_170 : i32
        "tpu.region"() ({
          %run_scoped3A = tpu.sem_alloc : memref<!tpu.dma_semaphore, #tpu.memory_space<semaphore_mem>>
          %dma_start3A_175 = tpu.memref_slice %arg3[%add3A_171] : memref<320000xi32, #tpu.memory_space<hbm>> -> memref<80xi32, #tpu.memory_space<hbm>>
          %dma_start3A_176 = tpu.memref_slice %arg3[%add3A_171] : memref<320000xi32, #tpu.memory_space<hbm>> -> memref<80xi32, #tpu.memory_space<hbm>>
          tpu.enqueue_dma source(%dma_start3A_176 : memref<80xi32, #tpu.memory_space<hbm>>) target(%arg11 : memref<80xi32, #tpu.memory_space<vmem>>) target_semaphore(%run_scoped3A : memref<!tpu.dma_semaphore, #tpu.memory_space<semaphore_mem>>)
          %dma_wait3A_177 = tpu.memref_slice %arg3[%add3A_171] : memref<320000xi32, #tpu.memory_space<hbm>> -> memref<80xi32, #tpu.memory_space<hbm>>
          %dma_wait3A_178 = tpu.memref_slice %arg3[%add3A_171] : memref<320000xi32, #tpu.memory_space<hbm>> -> memref<80xi32, #tpu.memory_space<hbm>>
          tpu.wait_dma2 semaphore(%run_scoped3A : memref<!tpu.dma_semaphore, #tpu.memory_space<semaphore_mem>>) src(%dma_wait3A_178 : memref<80xi32, #tpu.memory_space<hbm>>) dst(%arg11 : memref<80xi32, #tpu.memory_space<vmem>>)
          tpu.yield
        }) : () -> ()
        "tpu.region"() ({
          %run_scoped3A = tpu.sem_alloc : memref<!tpu.dma_semaphore, #tpu.memory_space<semaphore_mem>>
          %dma_start3A_175 = tpu.memref_slice %arg4[%add3A_171] : memref<320000xi32, #tpu.memory_space<hbm>> -> memref<80xi32, #tpu.memory_space<hbm>>
          %dma_start3A_176 = tpu.memref_slice %arg4[%add3A_171] : memref<320000xi32, #tpu.memory_space<hbm>> -> memref<80xi32, #tpu.memory_space<hbm>>
          tpu.enqueue_dma source(%dma_start3A_176 : memref<80xi32, #tpu.memory_space<hbm>>) target(%arg15 : memref<80xi32, #tpu.memory_space<vmem>>) target_semaphore(%run_scoped3A : memref<!tpu.dma_semaphore, #tpu.memory_space<semaphore_mem>>)
          %dma_wait3A_177 = tpu.memref_slice %arg4[%add3A_171] : memref<320000xi32, #tpu.memory_space<hbm>> -> memref<80xi32, #tpu.memory_space<hbm>>
          %dma_wait3A_178 = tpu.memref_slice %arg4[%add3A_171] : memref<320000xi32, #tpu.memory_space<hbm>> -> memref<80xi32, #tpu.memory_space<hbm>>
          tpu.wait_dma2 semaphore(%run_scoped3A : memref<!tpu.dma_semaphore, #tpu.memory_space<semaphore_mem>>) src(%dma_wait3A_178 : memref<80xi32, #tpu.memory_space<hbm>>) dst(%arg15 : memref<80xi32, #tpu.memory_space<vmem>>)
          tpu.yield
        }) : () -> ()
        %dma_start3A_172 = arith.constant 0 : i32
        %dma_start3A_173 = arith.constant 0 : i32
        %dma_start3A_174 = tpu.memref_slice %arg2[%dma_start3A_172, %dma_start3A_173] : memref<10000x128xf32, #tpu.memory_space<hbm>> -> memref<10000x128xf32, #tpu.memory_space<hbm>>
        tpu.enqueue_indirect_dma source(%dma_start3A_174 : memref<10000x128xf32, #tpu.memory_space<hbm>>) target(%arg7 : memref<80x128xf32, #tpu.memory_space<vmem>>) offsets(%arg11 : memref<80xi32, #tpu.memory_space<vmem>>) semaphore(%arg20 : memref<!tpu.dma_semaphore, #tpu.memory_space<semaphore_mem>>)
      } else {
      }
      %mul3A_99 = arith.constant 4 : i32
      %mul3A_100 = arith.muli %add3A_81, %mul3A_99 : i32
      %add3A_101 = arith.constant 1 : i32
      %add3A_102 = arith.addi %mul3A_100, %add3A_101 : i32
      %dma_wait3A_103 = arith.constant 0 : i32
      %dma_wait3A_104 = arith.constant 0 : i32
      %dma_wait3A_105 = tpu.memref_slice %arg2[%dma_wait3A_103, %dma_wait3A_104] : memref<10000x128xf32, #tpu.memory_space<hbm>> -> memref<80x128xf32, #tpu.memory_space<hbm>>
      %dma_wait3A_106 = arith.constant 0 : i32
      %dma_wait3A_107 = arith.constant 0 : i32
      %dma_wait3A_108 = tpu.memref_slice %arg2[%dma_wait3A_106, %dma_wait3A_107] : memref<10000x128xf32, #tpu.memory_space<hbm>> -> memref<80x128xf32, #tpu.memory_space<hbm>>
      tpu.wait_dma2 semaphore(%arg21 : memref<!tpu.dma_semaphore, #tpu.memory_space<semaphore_mem>>) src(%dma_wait3A_108 : memref<80x128xf32, #tpu.memory_space<hbm>>) dst(%arg8 : memref<80x128xf32, #tpu.memory_space<vmem>>)
      %dma_start3A_109 = arith.constant 0 : i32
      %dma_start3A_110 = arith.constant 0 : i32
      %dma_start3A_111 = tpu.memref_slice %arg6[%dma_start3A_109, %dma_start3A_110] : memref<10240x128xf32, #tpu.memory_space<vmem_shared>> -> memref<10240x128xf32, #tpu.memory_space<vmem_shared>>
      tpu.enqueue_indirect_dma source(%arg8 : memref<80x128xf32, #tpu.memory_space<vmem>>) target(%dma_start3A_111 : memref<10240x128xf32, #tpu.memory_space<vmem_shared>>) offsets(%arg16 : memref<80xi32, #tpu.memory_space<vmem>>) semaphore(%arg25 : memref<!tpu.dma_semaphore, #tpu.memory_space<semaphore_mem>>) {add = true}
      %add3A_112 = arith.constant 4 : i32
      %add3A_113 = arith.addi %add3A_102, %add3A_112 : i32
      %lt3A_114 = arith.constant 125 : i32
      %lt3A_115 = arith.cmpi slt, %add3A_113, %lt3A_114 : i32
      %convert_element_type3A_116 = arith.extui %lt3A_115 : i1 to i32
      %cond3A_117 = arith.constant 0 : i32
      %cond3A_118 = arith.cmpi ne, %convert_element_type3A_116, %cond3A_117 : i32
      scf.if %cond3A_118 {
        %dma_wait3A_159 = arith.constant 0 : i32
        %dma_wait3A_160 = arith.constant 0 : i32
        %dma_wait3A_161 = tpu.memref_slice %arg6[%dma_wait3A_159, %dma_wait3A_160] : memref<10240x128xf32, #tpu.memory_space<vmem_shared>> -> memref<80x128xf32, #tpu.memory_space<vmem_shared>>
        %dma_wait3A_162 = arith.constant 0 : i32
        %dma_wait3A_163 = arith.constant 0 : i32
        %dma_wait3A_164 = tpu.memref_slice %arg6[%dma_wait3A_162, %dma_wait3A_163] : memref<10240x128xf32, #tpu.memory_space<vmem_shared>> -> memref<80x128xf32, #tpu.memory_space<vmem_shared>>
        tpu.wait_dma2 semaphore(%arg25 : memref<!tpu.dma_semaphore, #tpu.memory_space<semaphore_mem>>) src(%arg8 : memref<80x128xf32, #tpu.memory_space<vmem>>) dst(%dma_wait3A_164 : memref<80x128xf32, #tpu.memory_space<vmem_shared>>)
        %add3A_165 = arith.constant 4 : i32
        %add3A_166 = arith.addi %add3A_102, %add3A_165 : i32
        %mul3A_167 = arith.constant 10000 : i32
        %mul3A_168 = arith.muli %add3A, %mul3A_167 : i32
        %mul3A_169 = arith.constant 80 : i32
        %mul3A_170 = arith.muli %add3A_166, %mul3A_169 : i32
        %add3A_171 = arith.addi %mul3A_168, %mul3A_170 : i32
        "tpu.region"() ({
          %run_scoped3A = tpu.sem_alloc : memref<!tpu.dma_semaphore, #tpu.memory_space<semaphore_mem>>
          %dma_start3A_175 = tpu.memref_slice %arg3[%add3A_171] : memref<320000xi32, #tpu.memory_space<hbm>> -> memref<80xi32, #tpu.memory_space<hbm>>
          %dma_start3A_176 = tpu.memref_slice %arg3[%add3A_171] : memref<320000xi32, #tpu.memory_space<hbm>> -> memref<80xi32, #tpu.memory_space<hbm>>
          tpu.enqueue_dma source(%dma_start3A_176 : memref<80xi32, #tpu.memory_space<hbm>>) target(%arg12 : memref<80xi32, #tpu.memory_space<vmem>>) target_semaphore(%run_scoped3A : memref<!tpu.dma_semaphore, #tpu.memory_space<semaphore_mem>>)
          %dma_wait3A_177 = tpu.memref_slice %arg3[%add3A_171] : memref<320000xi32, #tpu.memory_space<hbm>> -> memref<80xi32, #tpu.memory_space<hbm>>
          %dma_wait3A_178 = tpu.memref_slice %arg3[%add3A_171] : memref<320000xi32, #tpu.memory_space<hbm>> -> memref<80xi32, #tpu.memory_space<hbm>>
          tpu.wait_dma2 semaphore(%run_scoped3A : memref<!tpu.dma_semaphore, #tpu.memory_space<semaphore_mem>>) src(%dma_wait3A_178 : memref<80xi32, #tpu.memory_space<hbm>>) dst(%arg12 : memref<80xi32, #tpu.memory_space<vmem>>)
          tpu.yield
        }) : () -> ()
        "tpu.region"() ({
          %run_scoped3A = tpu.sem_alloc : memref<!tpu.dma_semaphore, #tpu.memory_space<semaphore_mem>>
          %dma_start3A_175 = tpu.memref_slice %arg4[%add3A_171] : memref<320000xi32, #tpu.memory_space<hbm>> -> memref<80xi32, #tpu.memory_space<hbm>>
          %dma_start3A_176 = tpu.memref_slice %arg4[%add3A_171] : memref<320000xi32, #tpu.memory_space<hbm>> -> memref<80xi32, #tpu.memory_space<hbm>>
          tpu.enqueue_dma source(%dma_start3A_176 : memref<80xi32, #tpu.memory_space<hbm>>) target(%arg16 : memref<80xi32, #tpu.memory_space<vmem>>) target_semaphore(%run_scoped3A : memref<!tpu.dma_semaphore, #tpu.memory_space<semaphore_mem>>)
          %dma_wait3A_177 = tpu.memref_slice %arg4[%add3A_171] : memref<320000xi32, #tpu.memory_space<hbm>> -> memref<80xi32, #tpu.memory_space<hbm>>
          %dma_wait3A_178 = tpu.memref_slice %arg4[%add3A_171] : memref<320000xi32, #tpu.memory_space<hbm>> -> memref<80xi32, #tpu.memory_space<hbm>>
          tpu.wait_dma2 semaphore(%run_scoped3A : memref<!tpu.dma_semaphore, #tpu.memory_space<semaphore_mem>>) src(%dma_wait3A_178 : memref<80xi32, #tpu.memory_space<hbm>>) dst(%arg16 : memref<80xi32, #tpu.memory_space<vmem>>)
          tpu.yield
        }) : () -> ()
        %dma_start3A_172 = arith.constant 0 : i32
        %dma_start3A_173 = arith.constant 0 : i32
        %dma_start3A_174 = tpu.memref_slice %arg2[%dma_start3A_172, %dma_start3A_173] : memref<10000x128xf32, #tpu.memory_space<hbm>> -> memref<10000x128xf32, #tpu.memory_space<hbm>>
        tpu.enqueue_indirect_dma source(%dma_start3A_174 : memref<10000x128xf32, #tpu.memory_space<hbm>>) target(%arg8 : memref<80x128xf32, #tpu.memory_space<vmem>>) offsets(%arg12 : memref<80xi32, #tpu.memory_space<vmem>>) semaphore(%arg21 : memref<!tpu.dma_semaphore, #tpu.memory_space<semaphore_mem>>)
      } else {
      }
      %mul3A_119 = arith.constant 4 : i32
      %mul3A_120 = arith.muli %add3A_81, %mul3A_119 : i32
      %add3A_121 = arith.constant 2 : i32
      %add3A_122 = arith.addi %mul3A_120, %add3A_121 : i32
      %dma_wait3A_123 = arith.constant 0 : i32
      %dma_wait3A_124 = arith.constant 0 : i32
      %dma_wait3A_125 = tpu.memref_slice %arg2[%dma_wait3A_123, %dma_wait3A_124] : memref<10000x128xf32, #tpu.memory_space<hbm>> -> memref<80x128xf32, #tpu.memory_space<hbm>>
      %dma_wait3A_126 = arith.constant 0 : i32
      %dma_wait3A_127 = arith.constant 0 : i32
      %dma_wait3A_128 = tpu.memref_slice %arg2[%dma_wait3A_126, %dma_wait3A_127] : memref<10000x128xf32, #tpu.memory_space<hbm>> -> memref<80x128xf32, #tpu.memory_space<hbm>>
      tpu.wait_dma2 semaphore(%arg22 : memref<!tpu.dma_semaphore, #tpu.memory_space<semaphore_mem>>) src(%dma_wait3A_128 : memref<80x128xf32, #tpu.memory_space<hbm>>) dst(%arg9 : memref<80x128xf32, #tpu.memory_space<vmem>>)
      %dma_start3A_129 = arith.constant 0 : i32
      %dma_start3A_130 = arith.constant 0 : i32
      %dma_start3A_131 = tpu.memref_slice %arg6[%dma_start3A_129, %dma_start3A_130] : memref<10240x128xf32, #tpu.memory_space<vmem_shared>> -> memref<10240x128xf32, #tpu.memory_space<vmem_shared>>
      tpu.enqueue_indirect_dma source(%arg9 : memref<80x128xf32, #tpu.memory_space<vmem>>) target(%dma_start3A_131 : memref<10240x128xf32, #tpu.memory_space<vmem_shared>>) offsets(%arg17 : memref<80xi32, #tpu.memory_space<vmem>>) semaphore(%arg26 : memref<!tpu.dma_semaphore, #tpu.memory_space<semaphore_mem>>) {add = true}
      %add3A_132 = arith.constant 4 : i32
      %add3A_133 = arith.addi %add3A_122, %add3A_132 : i32
      %lt3A_134 = arith.constant 125 : i32
      %lt3A_135 = arith.cmpi slt, %add3A_133, %lt3A_134 : i32
      %convert_element_type3A_136 = arith.extui %lt3A_135 : i1 to i32
      %cond3A_137 = arith.constant 0 : i32
      %cond3A_138 = arith.cmpi ne, %convert_element_type3A_136, %cond3A_137 : i32
      scf.if %cond3A_138 {
        %dma_wait3A_159 = arith.constant 0 : i32
        %dma_wait3A_160 = arith.constant 0 : i32
        %dma_wait3A_161 = tpu.memref_slice %arg6[%dma_wait3A_159, %dma_wait3A_160] : memref<10240x128xf32, #tpu.memory_space<vmem_shared>> -> memref<80x128xf32, #tpu.memory_space<vmem_shared>>
        %dma_wait3A_162 = arith.constant 0 : i32
        %dma_wait3A_163 = arith.constant 0 : i32
        %dma_wait3A_164 = tpu.memref_slice %arg6[%dma_wait3A_162, %dma_wait3A_163] : memref<10240x128xf32, #tpu.memory_space<vmem_shared>> -> memref<80x128xf32, #tpu.memory_space<vmem_shared>>
        tpu.wait_dma2 semaphore(%arg26 : memref<!tpu.dma_semaphore, #tpu.memory_space<semaphore_mem>>) src(%arg9 : memref<80x128xf32, #tpu.memory_space<vmem>>) dst(%dma_wait3A_164 : memref<80x128xf32, #tpu.memory_space<vmem_shared>>)
        %add3A_165 = arith.constant 4 : i32
        %add3A_166 = arith.addi %add3A_122, %add3A_165 : i32
        %mul3A_167 = arith.constant 10000 : i32
        %mul3A_168 = arith.muli %add3A, %mul3A_167 : i32
        %mul3A_169 = arith.constant 80 : i32
        %mul3A_170 = arith.muli %add3A_166, %mul3A_169 : i32
        %add3A_171 = arith.addi %mul3A_168, %mul3A_170 : i32
        "tpu.region"() ({
          %run_scoped3A = tpu.sem_alloc : memref<!tpu.dma_semaphore, #tpu.memory_space<semaphore_mem>>
          %dma_start3A_175 = tpu.memref_slice %arg3[%add3A_171] : memref<320000xi32, #tpu.memory_space<hbm>> -> memref<80xi32, #tpu.memory_space<hbm>>
          %dma_start3A_176 = tpu.memref_slice %arg3[%add3A_171] : memref<320000xi32, #tpu.memory_space<hbm>> -> memref<80xi32, #tpu.memory_space<hbm>>
          tpu.enqueue_dma source(%dma_start3A_176 : memref<80xi32, #tpu.memory_space<hbm>>) target(%arg13 : memref<80xi32, #tpu.memory_space<vmem>>) target_semaphore(%run_scoped3A : memref<!tpu.dma_semaphore, #tpu.memory_space<semaphore_mem>>)
          %dma_wait3A_177 = tpu.memref_slice %arg3[%add3A_171] : memref<320000xi32, #tpu.memory_space<hbm>> -> memref<80xi32, #tpu.memory_space<hbm>>
          %dma_wait3A_178 = tpu.memref_slice %arg3[%add3A_171] : memref<320000xi32, #tpu.memory_space<hbm>> -> memref<80xi32, #tpu.memory_space<hbm>>
          tpu.wait_dma2 semaphore(%run_scoped3A : memref<!tpu.dma_semaphore, #tpu.memory_space<semaphore_mem>>) src(%dma_wait3A_178 : memref<80xi32, #tpu.memory_space<hbm>>) dst(%arg13 : memref<80xi32, #tpu.memory_space<vmem>>)
          tpu.yield
        }) : () -> ()
        "tpu.region"() ({
          %run_scoped3A = tpu.sem_alloc : memref<!tpu.dma_semaphore, #tpu.memory_space<semaphore_mem>>
          %dma_start3A_175 = tpu.memref_slice %arg4[%add3A_171] : memref<320000xi32, #tpu.memory_space<hbm>> -> memref<80xi32, #tpu.memory_space<hbm>>
          %dma_start3A_176 = tpu.memref_slice %arg4[%add3A_171] : memref<320000xi32, #tpu.memory_space<hbm>> -> memref<80xi32, #tpu.memory_space<hbm>>
          tpu.enqueue_dma source(%dma_start3A_176 : memref<80xi32, #tpu.memory_space<hbm>>) target(%arg17 : memref<80xi32, #tpu.memory_space<vmem>>) target_semaphore(%run_scoped3A : memref<!tpu.dma_semaphore, #tpu.memory_space<semaphore_mem>>)
          %dma_wait3A_177 = tpu.memref_slice %arg4[%add3A_171] : memref<320000xi32, #tpu.memory_space<hbm>> -> memref<80xi32, #tpu.memory_space<hbm>>
          %dma_wait3A_178 = tpu.memref_slice %arg4[%add3A_171] : memref<320000xi32, #tpu.memory_space<hbm>> -> memref<80xi32, #tpu.memory_space<hbm>>
          tpu.wait_dma2 semaphore(%run_scoped3A : memref<!tpu.dma_semaphore, #tpu.memory_space<semaphore_mem>>) src(%dma_wait3A_178 : memref<80xi32, #tpu.memory_space<hbm>>) dst(%arg17 : memref<80xi32, #tpu.memory_space<vmem>>)
          tpu.yield
        }) : () -> ()
        %dma_start3A_172 = arith.constant 0 : i32
        %dma_start3A_173 = arith.constant 0 : i32
        %dma_start3A_174 = tpu.memref_slice %arg2[%dma_start3A_172, %dma_start3A_173] : memref<10000x128xf32, #tpu.memory_space<hbm>> -> memref<10000x128xf32, #tpu.memory_space<hbm>>
        tpu.enqueue_indirect_dma source(%dma_start3A_174 : memref<10000x128xf32, #tpu.memory_space<hbm>>) target(%arg9 : memref<80x128xf32, #tpu.memory_space<vmem>>) offsets(%arg13 : memref<80xi32, #tpu.memory_space<vmem>>) semaphore(%arg22 : memref<!tpu.dma_semaphore, #tpu.memory_space<semaphore_mem>>)
      } else {
      }
      %mul3A_139 = arith.constant 4 : i32
      %mul3A_140 = arith.muli %add3A_81, %mul3A_139 : i32
      %add3A_141 = arith.constant 3 : i32
      %add3A_142 = arith.addi %mul3A_140, %add3A_141 : i32
      %dma_wait3A_143 = arith.constant 0 : i32
      %dma_wait3A_144 = arith.constant 0 : i32
      %dma_wait3A_145 = tpu.memref_slice %arg2[%dma_wait3A_143, %dma_wait3A_144] : memref<10000x128xf32, #tpu.memory_space<hbm>> -> memref<80x128xf32, #tpu.memory_space<hbm>>
      %dma_wait3A_146 = arith.constant 0 : i32
      %dma_wait3A_147 = arith.constant 0 : i32
      %dma_wait3A_148 = tpu.memref_slice %arg2[%dma_wait3A_146, %dma_wait3A_147] : memref<10000x128xf32, #tpu.memory_space<hbm>> -> memref<80x128xf32, #tpu.memory_space<hbm>>
      tpu.wait_dma2 semaphore(%arg23 : memref<!tpu.dma_semaphore, #tpu.memory_space<semaphore_mem>>) src(%dma_wait3A_148 : memref<80x128xf32, #tpu.memory_space<hbm>>) dst(%arg10 : memref<80x128xf32, #tpu.memory_space<vmem>>)
      %dma_start3A_149 = arith.constant 0 : i32
      %dma_start3A_150 = arith.constant 0 : i32
      %dma_start3A_151 = tpu.memref_slice %arg6[%dma_start3A_149, %dma_start3A_150] : memref<10240x128xf32, #tpu.memory_space<vmem_shared>> -> memref<10240x128xf32, #tpu.memory_space<vmem_shared>>
      tpu.enqueue_indirect_dma source(%arg10 : memref<80x128xf32, #tpu.memory_space<vmem>>) target(%dma_start3A_151 : memref<10240x128xf32, #tpu.memory_space<vmem_shared>>) offsets(%arg18 : memref<80xi32, #tpu.memory_space<vmem>>) semaphore(%arg27 : memref<!tpu.dma_semaphore, #tpu.memory_space<semaphore_mem>>) {add = true}
      %add3A_152 = arith.constant 4 : i32
      %add3A_153 = arith.addi %add3A_142, %add3A_152 : i32
      %lt3A_154 = arith.constant 125 : i32
      %lt3A_155 = arith.cmpi slt, %add3A_153, %lt3A_154 : i32
      %convert_element_type3A_156 = arith.extui %lt3A_155 : i1 to i32
      %cond3A_157 = arith.constant 0 : i32
      %cond3A_158 = arith.cmpi ne, %convert_element_type3A_156, %cond3A_157 : i32
      scf.if %cond3A_158 {
        %dma_wait3A_159 = arith.constant 0 : i32
        %dma_wait3A_160 = arith.constant 0 : i32
        %dma_wait3A_161 = tpu.memref_slice %arg6[%dma_wait3A_159, %dma_wait3A_160] : memref<10240x128xf32, #tpu.memory_space<vmem_shared>> -> memref<80x128xf32, #tpu.memory_space<vmem_shared>>
        %dma_wait3A_162 = arith.constant 0 : i32
        %dma_wait3A_163 = arith.constant 0 : i32
        %dma_wait3A_164 = tpu.memref_slice %arg6[%dma_wait3A_162, %dma_wait3A_163] : memref<10240x128xf32, #tpu.memory_space<vmem_shared>> -> memref<80x128xf32, #tpu.memory_space<vmem_shared>>
        tpu.wait_dma2 semaphore(%arg27 : memref<!tpu.dma_semaphore, #tpu.memory_space<semaphore_mem>>) src(%arg10 : memref<80x128xf32, #tpu.memory_space<vmem>>) dst(%dma_wait3A_164 : memref<80x128xf32, #tpu.memory_space<vmem_shared>>)
        %add3A_165 = arith.constant 4 : i32
        %add3A_166 = arith.addi %add3A_142, %add3A_165 : i32
        %mul3A_167 = arith.constant 10000 : i32
        %mul3A_168 = arith.muli %add3A, %mul3A_167 : i32
        %mul3A_169 = arith.constant 80 : i32
        %mul3A_170 = arith.muli %add3A_166, %mul3A_169 : i32
        %add3A_171 = arith.addi %mul3A_168, %mul3A_170 : i32
        "tpu.region"() ({
          %run_scoped3A = tpu.sem_alloc : memref<!tpu.dma_semaphore, #tpu.memory_space<semaphore_mem>>
          %dma_start3A_175 = tpu.memref_slice %arg3[%add3A_171] : memref<320000xi32, #tpu.memory_space<hbm>> -> memref<80xi32, #tpu.memory_space<hbm>>
          %dma_start3A_176 = tpu.memref_slice %arg3[%add3A_171] : memref<320000xi32, #tpu.memory_space<hbm>> -> memref<80xi32, #tpu.memory_space<hbm>>
          tpu.enqueue_dma source(%dma_start3A_176 : memref<80xi32, #tpu.memory_space<hbm>>) target(%arg14 : memref<80xi32, #tpu.memory_space<vmem>>) target_semaphore(%run_scoped3A : memref<!tpu.dma_semaphore, #tpu.memory_space<semaphore_mem>>)
          %dma_wait3A_177 = tpu.memref_slice %arg3[%add3A_171] : memref<320000xi32, #tpu.memory_space<hbm>> -> memref<80xi32, #tpu.memory_space<hbm>>
          %dma_wait3A_178 = tpu.memref_slice %arg3[%add3A_171] : memref<320000xi32, #tpu.memory_space<hbm>> -> memref<80xi32, #tpu.memory_space<hbm>>
          tpu.wait_dma2 semaphore(%run_scoped3A : memref<!tpu.dma_semaphore, #tpu.memory_space<semaphore_mem>>) src(%dma_wait3A_178 : memref<80xi32, #tpu.memory_space<hbm>>) dst(%arg14 : memref<80xi32, #tpu.memory_space<vmem>>)
          tpu.yield
        }) : () -> ()
        "tpu.region"() ({
          %run_scoped3A = tpu.sem_alloc : memref<!tpu.dma_semaphore, #tpu.memory_space<semaphore_mem>>
          %dma_start3A_175 = tpu.memref_slice %arg4[%add3A_171] : memref<320000xi32, #tpu.memory_space<hbm>> -> memref<80xi32, #tpu.memory_space<hbm>>
          %dma_start3A_176 = tpu.memref_slice %arg4[%add3A_171] : memref<320000xi32, #tpu.memory_space<hbm>> -> memref<80xi32, #tpu.memory_space<hbm>>
          tpu.enqueue_dma source(%dma_start3A_176 : memref<80xi32, #tpu.memory_space<hbm>>) target(%arg18 : memref<80xi32, #tpu.memory_space<vmem>>) target_semaphore(%run_scoped3A : memref<!tpu.dma_semaphore, #tpu.memory_space<semaphore_mem>>)
          %dma_wait3A_177 = tpu.memref_slice %arg4[%add3A_171] : memref<320000xi32, #tpu.memory_space<hbm>> -> memref<80xi32, #tpu.memory_space<hbm>>
          %dma_wait3A_178 = tpu.memref_slice %arg4[%add3A_171] : memref<320000xi32, #tpu.memory_space<hbm>> -> memref<80xi32, #tpu.memory_space<hbm>>
          tpu.wait_dma2 semaphore(%run_scoped3A : memref<!tpu.dma_semaphore, #tpu.memory_space<semaphore_mem>>) src(%dma_wait3A_178 : memref<80xi32, #tpu.memory_space<hbm>>) dst(%arg18 : memref<80xi32, #tpu.memory_space<vmem>>)
          tpu.yield
        }) : () -> ()
        %dma_start3A_172 = arith.constant 0 : i32
        %dma_start3A_173 = arith.constant 0 : i32
        %dma_start3A_174 = tpu.memref_slice %arg2[%dma_start3A_172, %dma_start3A_173] : memref<10000x128xf32, #tpu.memory_space<hbm>> -> memref<10000x128xf32, #tpu.memory_space<hbm>>
        tpu.enqueue_indirect_dma source(%dma_start3A_174 : memref<10000x128xf32, #tpu.memory_space<hbm>>) target(%arg10 : memref<80x128xf32, #tpu.memory_space<vmem>>) offsets(%arg14 : memref<80xi32, #tpu.memory_space<vmem>>) semaphore(%arg23 : memref<!tpu.dma_semaphore, #tpu.memory_space<semaphore_mem>>)
      } else {
      }
    }
    %scan3A_41 = arith.constant 31 : i32
    %dma_wait3A = arith.constant 0 : i32
    %dma_wait3A_42 = arith.constant 0 : i32
    %dma_wait3A_43 = tpu.memref_slice %arg2[%dma_wait3A, %dma_wait3A_42] : memref<10000x128xf32, #tpu.memory_space<hbm>> -> memref<80x128xf32, #tpu.memory_space<hbm>>
    %dma_wait3A_44 = arith.constant 0 : i32
    %dma_wait3A_45 = arith.constant 0 : i32
    %dma_wait3A_46 = tpu.memref_slice %arg2[%dma_wait3A_44, %dma_wait3A_45] : memref<10000x128xf32, #tpu.memory_space<hbm>> -> memref<80x128xf32, #tpu.memory_space<hbm>>
    tpu.wait_dma2 semaphore(%arg20 : memref<!tpu.dma_semaphore, #tpu.memory_space<semaphore_mem>>) src(%dma_wait3A_46 : memref<80x128xf32, #tpu.memory_space<hbm>>) dst(%arg7 : memref<80x128xf32, #tpu.memory_space<vmem>>)
    %dma_start3A_47 = arith.constant 0 : i32
    %dma_start3A_48 = arith.constant 0 : i32
    %dma_start3A_49 = tpu.memref_slice %arg6[%dma_start3A_47, %dma_start3A_48] : memref<10240x128xf32, #tpu.memory_space<vmem_shared>> -> memref<10240x128xf32, #tpu.memory_space<vmem_shared>>
    tpu.enqueue_indirect_dma source(%arg7 : memref<80x128xf32, #tpu.memory_space<vmem>>) target(%dma_start3A_49 : memref<10240x128xf32, #tpu.memory_space<vmem_shared>>) offsets(%arg15 : memref<80xi32, #tpu.memory_space<vmem>>) semaphore(%arg24 : memref<!tpu.dma_semaphore, #tpu.memory_space<semaphore_mem>>) {add = true}
    %dma_wait3A_50 = arith.constant 0 : i32
    %dma_wait3A_51 = arith.constant 0 : i32
    %dma_wait3A_52 = tpu.memref_slice %arg6[%dma_wait3A_50, %dma_wait3A_51] : memref<10240x128xf32, #tpu.memory_space<vmem_shared>> -> memref<80x128xf32, #tpu.memory_space<vmem_shared>>
    %dma_wait3A_53 = arith.constant 0 : i32
    %dma_wait3A_54 = arith.constant 0 : i32
    %dma_wait3A_55 = tpu.memref_slice %arg6[%dma_wait3A_53, %dma_wait3A_54] : memref<10240x128xf32, #tpu.memory_space<vmem_shared>> -> memref<80x128xf32, #tpu.memory_space<vmem_shared>>
    tpu.wait_dma2 semaphore(%arg24 : memref<!tpu.dma_semaphore, #tpu.memory_space<semaphore_mem>>) src(%arg7 : memref<80x128xf32, #tpu.memory_space<vmem>>) dst(%dma_wait3A_55 : memref<80x128xf32, #tpu.memory_space<vmem_shared>>)
    %dma_wait3A_56 = arith.constant 0 : i32
    %dma_wait3A_57 = arith.constant 0 : i32
    %dma_wait3A_58 = tpu.memref_slice %arg6[%dma_wait3A_56, %dma_wait3A_57] : memref<10240x128xf32, #tpu.memory_space<vmem_shared>> -> memref<80x128xf32, #tpu.memory_space<vmem_shared>>
    %dma_wait3A_59 = arith.constant 0 : i32
    %dma_wait3A_60 = arith.constant 0 : i32
    %dma_wait3A_61 = tpu.memref_slice %arg6[%dma_wait3A_59, %dma_wait3A_60] : memref<10240x128xf32, #tpu.memory_space<vmem_shared>> -> memref<80x128xf32, #tpu.memory_space<vmem_shared>>
    tpu.wait_dma2 semaphore(%arg25 : memref<!tpu.dma_semaphore, #tpu.memory_space<semaphore_mem>>) src(%arg8 : memref<80x128xf32, #tpu.memory_space<vmem>>) dst(%dma_wait3A_61 : memref<80x128xf32, #tpu.memory_space<vmem_shared>>)
    %dma_wait3A_62 = arith.constant 0 : i32
    %dma_wait3A_63 = arith.constant 0 : i32
    %dma_wait3A_64 = tpu.memref_slice %arg6[%dma_wait3A_62, %dma_wait3A_63] : memref<10240x128xf32, #tpu.memory_space<vmem_shared>> -> memref<80x128xf32, #tpu.memory_space<vmem_shared>>
    %dma_wait3A_65 = arith.constant 0 : i32
    %dma_wait3A_66 = arith.constant 0 : i32
    %dma_wait3A_67 = tpu.memref_slice %arg6[%dma_wait3A_65, %dma_wait3A_66] : memref<10240x128xf32, #tpu.memory_space<vmem_shared>> -> memref<80x128xf32, #tpu.memory_space<vmem_shared>>
    tpu.wait_dma2 semaphore(%arg26 : memref<!tpu.dma_semaphore, #tpu.memory_space<semaphore_mem>>) src(%arg9 : memref<80x128xf32, #tpu.memory_space<vmem>>) dst(%dma_wait3A_67 : memref<80x128xf32, #tpu.memory_space<vmem_shared>>)
    %dma_wait3A_68 = arith.constant 0 : i32
    %dma_wait3A_69 = arith.constant 0 : i32
    %dma_wait3A_70 = tpu.memref_slice %arg6[%dma_wait3A_68, %dma_wait3A_69] : memref<10240x128xf32, #tpu.memory_space<vmem_shared>> -> memref<80x128xf32, #tpu.memory_space<vmem_shared>>
    %dma_wait3A_71 = arith.constant 0 : i32
    %dma_wait3A_72 = arith.constant 0 : i32
    %dma_wait3A_73 = tpu.memref_slice %arg6[%dma_wait3A_71, %dma_wait3A_72] : memref<10240x128xf32, #tpu.memory_space<vmem_shared>> -> memref<80x128xf32, #tpu.memory_space<vmem_shared>>
    tpu.wait_dma2 semaphore(%arg27 : memref<!tpu.dma_semaphore, #tpu.memory_space<semaphore_mem>>) src(%arg10 : memref<80x128xf32, #tpu.memory_space<vmem>>) dst(%dma_wait3A_73 : memref<80x128xf32, #tpu.memory_space<vmem_shared>>)
    %barrier3A_74 = arith.constant 0 : index
    tpu.barrier barrier_id(%barrier3A_74)
    %mul3A_75 = arith.constant 640 : i32
    %mul3A_76 = arith.muli %arg1, %mul3A_75 : i32
    "tpu.region"() ({
      %run_scoped3A = tpu.sem_alloc : memref<!tpu.dma_semaphore, #tpu.memory_space<semaphore_mem>>
      %dma_start3A_77 = arith.constant 0 : i32
      %dma_start3A_78 = tpu.memref_slice %arg5[%arg0, %mul3A_76, %dma_start3A_77] : memref<2x10240x128xf32, #tpu.memory_space<hbm>> -> memref<1x640x128xf32, #tpu.memory_space<hbm>>
      %dma_start3A_79 = tpu.memref_squeeze %dma_start3A_78 : memref<1x640x128xf32, #tpu.memory_space<hbm>> -> memref<640x128xf32, #tpu.memory_space<hbm>>
      %dma_start3A_80 = arith.constant 0 : i32
      %dma_start3A_81 = tpu.memref_slice %arg6[%mul3A_76, %dma_start3A_80] : memref<10240x128xf32, #tpu.memory_space<vmem_shared>> -> memref<640x128xf32, #tpu.memory_space<vmem_shared>>
      tpu.enqueue_dma source(%dma_start3A_81 : memref<640x128xf32, #tpu.memory_space<vmem_shared>>) target(%dma_start3A_79 : memref<640x128xf32, #tpu.memory_space<hbm>>) target_semaphore(%run_scoped3A : memref<!tpu.dma_semaphore, #tpu.memory_space<semaphore_mem>>)
      %dma_wait3A_82 = arith.constant 0 : i32
      %dma_wait3A_83 = tpu.memref_slice %arg5[%arg0, %mul3A_76, %dma_wait3A_82] : memref<2x10240x128xf32, #tpu.memory_space<hbm>> -> memref<1x640x128xf32, #tpu.memory_space<hbm>>
      %dma_wait3A_84 = tpu.memref_squeeze %dma_wait3A_83 : memref<1x640x128xf32, #tpu.memory_space<hbm>> -> memref<640x128xf32, #tpu.memory_space<hbm>>
      %dma_wait3A_85 = arith.constant 0 : i32
      %dma_wait3A_86 = tpu.memref_slice %arg6[%mul3A_76, %dma_wait3A_85] : memref<10240x128xf32, #tpu.memory_space<vmem_shared>> -> memref<640x128xf32, #tpu.memory_space<vmem_shared>>
      tpu.wait_dma2 semaphore(%run_scoped3A : memref<!tpu.dma_semaphore, #tpu.memory_space<semaphore_mem>>) src(%dma_wait3A_86 : memref<640x128xf32, #tpu.memory_space<vmem_shared>>) dst(%dma_wait3A_84 : memref<640x128xf32, #tpu.memory_space<hbm>>)
      tpu.yield
    }) : () -> ()
    return
  }
}

module attributes {stable_mosaic.version = 14 : i64} {
  func.func @_prep_body(%arg0: memref<10000x128xf32, #tpu.memory_space<vmem>>, %arg1: memref<2x2x10240xf32, #tpu.memory_space<vmem>>, %arg2: memref<10000x128xf32, #tpu.memory_space<vmem>>) attributes {dimension_semantics = [], scalar_prefetch = 0 : i64, scratch_operands = 0 : i64, tpu.core_type = #tpu.core_type<tc>} {
    %get3A = arith.constant 0 : index
    %get3A_0 = arith.constant 0 : index
    %get3A_1 = arith.constant 0 : index
    %get3A_2 = vector.load %arg1[%get3A, %get3A_0, %get3A_1] : memref<2x2x10240xf32, #tpu.memory_space<vmem>>, vector<2x2x10240xf32>
    %slice3A = vector.extract_strided_slice %get3A_2 {offsets = [0, 0, 0], sizes = [1, 1, 10240], strides = [1, 1, 1]} : vector<2x2x10240xf32> to vector<1x1x10240xf32>
    %squeeze3A = vector.shape_cast %slice3A : vector<1x1x10240xf32> to vector<10240xf32>
    %slice3A_3 = vector.extract_strided_slice %get3A_2 {offsets = [1, 0, 0], sizes = [1, 1, 10240], strides = [1, 1, 1]} : vector<2x2x10240xf32> to vector<1x1x10240xf32>
    %squeeze3A_4 = vector.shape_cast %slice3A_3 : vector<1x1x10240xf32> to vector<10240xf32>
    %add3A = arith.addf %squeeze3A, %squeeze3A_4 : vector<10240xf32>
    %gt3A = arith.constant 0.000000e+00 : f32
    %gt3A_5 = vector.broadcast %gt3A : f32 to vector<10240xf32>
    %gt3A_6 = arith.cmpf ogt, %add3A, %gt3A_5 : vector<10240xf32>
    %rsqrt3A = math.rsqrt %add3A : vector<10240xf32>
    %jit3A = arith.constant 0.000000e+00 : f32
    %broadcast_in_dim3A = vector.broadcast %jit3A : f32 to vector<10240xf32>
    %select_n3A = arith.select %gt3A_6, %rsqrt3A, %broadcast_in_dim3A : vector<10240xi1>, vector<10240xf32>
    %broadcast_in_dim3A_7 = vector.shape_cast %select_n3A : vector<10240xf32> to vector<10240x1xf32>
    %get3A_8 = arith.constant 0 : index
    %get3A_9 = arith.constant 0 : index
    %get3A_10 = vector.load %arg0[%get3A_8, %get3A_9] : memref<10000x128xf32, #tpu.memory_space<vmem>>, vector<10000x128xf32>
    %slice3A_11 = vector.extract_strided_slice %broadcast_in_dim3A_7 {offsets = [0, 0], sizes = [10000, 1], strides = [1, 1]} : vector<10240x1xf32> to vector<10000x1xf32>
    %mul3A = vector.broadcast %slice3A_11 : vector<10000x1xf32> to vector<10000x128xf32>
    %mul3A_12 = arith.mulf %get3A_10, %mul3A : vector<10000x128xf32>
    %swap3A = arith.constant 0 : index
    %swap3A_13 = arith.constant 0 : index
    %swap3A_14 = vector.load %arg2[%swap3A, %swap3A_13] : memref<10000x128xf32, #tpu.memory_space<vmem>>, vector<10000x128xf32>
    tpu.vector_store %arg2[%swap3A, %swap3A_13], %mul3A_12 {strides = array<i32>} : memref<10000x128xf32, #tpu.memory_space<vmem>>, vector<10000x128xf32>,
    return
  }
}

module attributes {stable_mosaic.version = 14 : i64} {
  func.func @_fin_body(%arg0: memref<2x10240x128xf32, #tpu.memory_space<vmem>>, %arg1: memref<2x2x10240xf32, #tpu.memory_space<vmem>>, %arg2: memref<128x128xf32, #tpu.memory_space<vmem>>, %arg3: memref<128xf32, #tpu.memory_space<vmem>>, %arg4: memref<10000x128xf32, #tpu.memory_space<vmem>>) attributes {dimension_semantics = [], scalar_prefetch = 0 : i64, scratch_operands = 0 : i64, tpu.core_type = #tpu.core_type<tc>} {
    %get3A = arith.constant 0 : index
    %get3A_0 = arith.constant 0 : index
    %get3A_1 = arith.constant 0 : index
    %get3A_2 = vector.load %arg1[%get3A, %get3A_0, %get3A_1] : memref<2x2x10240xf32, #tpu.memory_space<vmem>>, vector<2x2x10240xf32>
    %slice3A = vector.extract_strided_slice %get3A_2 {offsets = [0, 1, 0], sizes = [1, 1, 10240], strides = [1, 1, 1]} : vector<2x2x10240xf32> to vector<1x1x10240xf32>
    %squeeze3A = vector.shape_cast %slice3A : vector<1x1x10240xf32> to vector<10240xf32>
    %slice3A_3 = vector.extract_strided_slice %get3A_2 {offsets = [1, 1, 0], sizes = [1, 1, 10240], strides = [1, 1, 1]} : vector<2x2x10240xf32> to vector<1x1x10240xf32>
    %squeeze3A_4 = vector.shape_cast %slice3A_3 : vector<1x1x10240xf32> to vector<10240xf32>
    %add3A = arith.addf %squeeze3A, %squeeze3A_4 : vector<10240xf32>
    %gt3A = arith.constant 0.000000e+00 : f32
    %gt3A_5 = vector.broadcast %gt3A : f32 to vector<10240xf32>
    %gt3A_6 = arith.cmpf ogt, %add3A, %gt3A_5 : vector<10240xf32>
    %rsqrt3A = math.rsqrt %add3A : vector<10240xf32>
    %jit3A = arith.constant 0.000000e+00 : f32
    %broadcast_in_dim3A = vector.broadcast %jit3A : f32 to vector<10240xf32>
    %select_n3A = arith.select %gt3A_6, %rsqrt3A, %broadcast_in_dim3A : vector<10240xi1>, vector<10240xf32>
    %broadcast_in_dim3A_7 = vector.shape_cast %select_n3A : vector<10240xf32> to vector<10240x1xf32>
    %get3A_8 = arith.constant 0 : index
    %get3A_9 = arith.constant 0 : index
    %get3A_10 = arith.constant 0 : index
    %get3A_11 = vector.load %arg0[%get3A_8, %get3A_9, %get3A_10] : memref<2x10240x128xf32, #tpu.memory_space<vmem>>, vector<1x10000x128xf32>
    %get3A_12 = vector.shape_cast %get3A_11 : vector<1x10000x128xf32> to vector<10000x128xf32>
    %get3A_13 = arith.constant 1 : index
    %get3A_14 = arith.constant 0 : index
    %get3A_15 = arith.constant 0 : index
    %get3A_16 = vector.load %arg0[%get3A_13, %get3A_14, %get3A_15] : memref<2x10240x128xf32, #tpu.memory_space<vmem>>, vector<1x10000x128xf32>
    %get3A_17 = vector.shape_cast %get3A_16 : vector<1x10000x128xf32> to vector<10000x128xf32>
    %add3A_18 = arith.addf %get3A_12, %get3A_17 : vector<10000x128xf32>
    %slice3A_19 = vector.extract_strided_slice %broadcast_in_dim3A_7 {offsets = [0, 0], sizes = [10000, 1], strides = [1, 1]} : vector<10240x1xf32> to vector<10000x1xf32>
    %mul3A = vector.broadcast %slice3A_19 : vector<10000x1xf32> to vector<10000x128xf32>
    %mul3A_20 = arith.mulf %add3A_18, %mul3A : vector<10000x128xf32>
    %get3A_21 = arith.constant 0 : index
    %get3A_22 = arith.constant 0 : index
    %get3A_23 = vector.load %arg2[%get3A_21, %get3A_22] : memref<128x128xf32, #tpu.memory_space<vmem>>, vector<128x128xf32>
    %dot_general3A = arith.constant dense<0.000000e+00> : vector<10000x128xf32>
    %dot_general3A_24 = tpu.matmul %mul3A_20, %get3A_23, %dot_general3A {dimension_numbers = #tpu.dot_dimension_numbers<[1], [0], [0], [1], [0, 0, 1, 1], [], []>, transpose_lhs_hint = false} : vector<10000x128xf32>, vector<128x128xf32>, vector<10000x128xf32> -> vector<10000x128xf32>
    %get3A_25 = arith.constant 0 : index
    %get3A_26 = vector.load %arg3[%get3A_25] : memref<128xf32, #tpu.memory_space<vmem>>, vector<128xf32>
    %broadcast_in_dim3A_27 = vector.shape_cast %get3A_26 : vector<128xf32> to vector<1x128xf32>
    %add3A_28 = vector.broadcast %broadcast_in_dim3A_27 : vector<1x128xf32> to vector<10000x128xf32>
    %add3A_29 = arith.addf %dot_general3A_24, %add3A_28 : vector<10000x128xf32>
    %swap3A = arith.constant 0 : index
    %swap3A_30 = arith.constant 0 : index
    %swap3A_31 = vector.load %arg4[%swap3A, %swap3A_30] : memref<10000x128xf32, #tpu.memory_space<vmem>>, vector<10000x128xf32>
    tpu.vector_store %arg4[%swap3A, %swap3A_30], %add3A_29 {strides = array<i32>} : memref<10000x128xf32, #tpu.memory_space<vmem>>, vector<10000x128xf32>,
    return
  }
}

module attributes {stable_mosaic.version = 14 : i64} {
  func.func @_mid_body(%arg0: memref<2x10240x128xf32, #tpu.memory_space<vmem>>, %arg1: memref<2x2x10240xf32, #tpu.memory_space<vmem>>, %arg2: memref<128x128xf32, #tpu.memory_space<vmem>>, %arg3: memref<128xf32, #tpu.memory_space<vmem>>, %arg4: memref<10000x128xf32, #tpu.memory_space<vmem>>) attributes {dimension_semantics = [], scalar_prefetch = 0 : i64, scratch_operands = 0 : i64, tpu.core_type = #tpu.core_type<tc>} {
    %get3A = arith.constant 0 : index
    %get3A_0 = arith.constant 0 : index
    %get3A_1 = arith.constant 0 : index
    %get3A_2 = vector.load %arg1[%get3A, %get3A_0, %get3A_1] : memref<2x2x10240xf32, #tpu.memory_space<vmem>>, vector<2x2x10240xf32>
    %slice3A = vector.extract_strided_slice %get3A_2 {offsets = [0, 1, 0], sizes = [1, 1, 10240], strides = [1, 1, 1]} : vector<2x2x10240xf32> to vector<1x1x10240xf32>
    %squeeze3A = vector.shape_cast %slice3A : vector<1x1x10240xf32> to vector<10240xf32>
    %slice3A_3 = vector.extract_strided_slice %get3A_2 {offsets = [1, 1, 0], sizes = [1, 1, 10240], strides = [1, 1, 1]} : vector<2x2x10240xf32> to vector<1x1x10240xf32>
    %squeeze3A_4 = vector.shape_cast %slice3A_3 : vector<1x1x10240xf32> to vector<10240xf32>
    %add3A = arith.addf %squeeze3A, %squeeze3A_4 : vector<10240xf32>
    %gt3A = arith.constant 0.000000e+00 : f32
    %gt3A_5 = vector.broadcast %gt3A : f32 to vector<10240xf32>
    %gt3A_6 = arith.cmpf ogt, %add3A, %gt3A_5 : vector<10240xf32>
    %rsqrt3A = math.rsqrt %add3A : vector<10240xf32>
    %jit3A = arith.constant 0.000000e+00 : f32
    %broadcast_in_dim3A = vector.broadcast %jit3A : f32 to vector<10240xf32>
    %select_n3A = arith.select %gt3A_6, %rsqrt3A, %broadcast_in_dim3A : vector<10240xi1>, vector<10240xf32>
    %broadcast_in_dim3A_7 = vector.shape_cast %select_n3A : vector<10240xf32> to vector<10240x1xf32>
    %slice3A_8 = vector.extract_strided_slice %get3A_2 {offsets = [0, 0, 0], sizes = [1, 1, 10240], strides = [1, 1, 1]} : vector<2x2x10240xf32> to vector<1x1x10240xf32>
    %squeeze3A_9 = vector.shape_cast %slice3A_8 : vector<1x1x10240xf32> to vector<10240xf32>
    %slice3A_10 = vector.extract_strided_slice %get3A_2 {offsets = [1, 0, 0], sizes = [1, 1, 10240], strides = [1, 1, 1]} : vector<2x2x10240xf32> to vector<1x1x10240xf32>
    %squeeze3A_11 = vector.shape_cast %slice3A_10 : vector<1x1x10240xf32> to vector<10240xf32>
    %add3A_12 = arith.addf %squeeze3A_9, %squeeze3A_11 : vector<10240xf32>
    %gt3A_13 = arith.constant 0.000000e+00 : f32
    %gt3A_14 = vector.broadcast %gt3A_13 : f32 to vector<10240xf32>
    %gt3A_15 = arith.cmpf ogt, %add3A_12, %gt3A_14 : vector<10240xf32>
    %rsqrt3A_16 = math.rsqrt %add3A_12 : vector<10240xf32>
    %jit3A_17 = arith.constant 0.000000e+00 : f32
    %broadcast_in_dim3A_18 = vector.broadcast %jit3A_17 : f32 to vector<10240xf32>
    %select_n3A_19 = arith.select %gt3A_15, %rsqrt3A_16, %broadcast_in_dim3A_18 : vector<10240xi1>, vector<10240xf32>
    %broadcast_in_dim3A_20 = vector.shape_cast %select_n3A_19 : vector<10240xf32> to vector<10240x1xf32>
    %get3A_21 = arith.constant 0 : index
    %get3A_22 = arith.constant 0 : index
    %get3A_23 = arith.constant 0 : index
    %get3A_24 = vector.load %arg0[%get3A_21, %get3A_22, %get3A_23] : memref<2x10240x128xf32, #tpu.memory_space<vmem>>, vector<1x10000x128xf32>
    %get3A_25 = vector.shape_cast %get3A_24 : vector<1x10000x128xf32> to vector<10000x128xf32>
    %get3A_26 = arith.constant 1 : index
    %get3A_27 = arith.constant 0 : index
    %get3A_28 = arith.constant 0 : index
    %get3A_29 = vector.load %arg0[%get3A_26, %get3A_27, %get3A_28] : memref<2x10240x128xf32, #tpu.memory_space<vmem>>, vector<1x10000x128xf32>
    %get3A_30 = vector.shape_cast %get3A_29 : vector<1x10000x128xf32> to vector<10000x128xf32>
    %add3A_31 = arith.addf %get3A_25, %get3A_30 : vector<10000x128xf32>
    %slice3A_32 = vector.extract_strided_slice %broadcast_in_dim3A_7 {offsets = [0, 0], sizes = [10000, 1], strides = [1, 1]} : vector<10240x1xf32> to vector<10000x1xf32>
    %mul3A = vector.broadcast %slice3A_32 : vector<10000x1xf32> to vector<10000x128xf32>
    %mul3A_33 = arith.mulf %add3A_31, %mul3A : vector<10000x128xf32>
    %get3A_34 = arith.constant 0 : index
    %get3A_35 = arith.constant 0 : index
    %get3A_36 = vector.load %arg2[%get3A_34, %get3A_35] : memref<128x128xf32, #tpu.memory_space<vmem>>, vector<128x128xf32>
    %dot_general3A = arith.constant dense<0.000000e+00> : vector<10000x128xf32>
    %dot_general3A_37 = tpu.matmul %mul3A_33, %get3A_36, %dot_general3A {dimension_numbers = #tpu.dot_dimension_numbers<[1], [0], [0], [1], [0, 0, 1, 1], [], []>, transpose_lhs_hint = false} : vector<10000x128xf32>, vector<128x128xf32>, vector<10000x128xf32> -> vector<10000x128xf32>
    %get3A_38 = arith.constant 0 : index
    %get3A_39 = vector.load %arg3[%get3A_38] : memref<128xf32, #tpu.memory_space<vmem>>, vector<128xf32>
    %broadcast_in_dim3A_40 = vector.shape_cast %get3A_39 : vector<128xf32> to vector<1x128xf32>
    %add3A_41 = vector.broadcast %broadcast_in_dim3A_40 : vector<1x128xf32> to vector<10000x128xf32>
    %add3A_42 = arith.addf %dot_general3A_37, %add3A_41 : vector<10000x128xf32>
    %max3A = arith.constant 0.000000e+00 : f32
    %max3A_43 = vector.broadcast %max3A : f32 to vector<10000x128xf32>
    %max3A_44 = arith.maximumf %add3A_42, %max3A_43 : vector<10000x128xf32>
    %slice3A_45 = vector.extract_strided_slice %broadcast_in_dim3A_20 {offsets = [0, 0], sizes = [10000, 1], strides = [1, 1]} : vector<10240x1xf32> to vector<10000x1xf32>
    %mul3A_46 = vector.broadcast %slice3A_45 : vector<10000x1xf32> to vector<10000x128xf32>
    %mul3A_47 = arith.mulf %max3A_44, %mul3A_46 : vector<10000x128xf32>
    %swap3A = arith.constant 0 : index
    %swap3A_48 = arith.constant 0 : index
    %swap3A_49 = vector.load %arg4[%swap3A, %swap3A_48] : memref<10000x128xf32, #tpu.memory_space<vmem>>, vector<10000x128xf32>
    tpu.vector_store %arg4[%swap3A, %swap3A_48], %mul3A_47 {strides = array<i32>} : memref<10000x128xf32, #tpu.memory_space<vmem>>, vector<10000x128xf32>,
    return
  }
}

</mosaic_0001>

<sc_bundles>
// kernel: kernel.11.cloned.1.call-start
scs
__scs_entry_jumppad:
0x0: {  	(pc) =	sbr.rel $0x88, $3  }
0x1: {  	(tag) =	ssettag $0x0;
	lr =	simm.s32 $0x1  }
0x2: {  	[smem:$0x3F9B] =	sst lr;
	_ =	strace $0xD0000000  }
0x3: {  	_ = 	snop  }
0x4: {  	_ = 	snop  }
0x5: {  	_ = 	snop  }
0x6: {  	_ = 	snop  }
0x7: {  	_ = 	snop  }
__scs_overlays_trampoline_lowered:
0x8: {  	[smem:$0x3FAA] =	sst s0  }
0x9: {  	[smem:$0x3FAB] =	sst s1  }
0xa: {  	[smem:$0x3FAC] =	sst s2  }
0xb: {  	[smem:$0x3FAD] =	sst s3  }
0xc: {  	[smem:$0x3FAE] =	sst s4  }
0xd: {  	[smem:$0x3FAF] =	sst s5  }
0xe: {  	[smem:$0x3FB0] =	sst s6  }
0xf: {  	[smem:$0x3FB1] =	sst s7  }
0x10: {  	[smem:$0x3FB2] =	sst s8  }
0x11: {  	[smem:$0x3FB3] =	sst s9;
	s0 =	simm.s32 @!p0 $0x0  }
0x12: {  	s1 =	sld [smem:$0x3F99];
	s0 =	simm.s32 @p0 $0x1  }
0x13: {  	[smem:$0x3FB4] =	sst s0;
	s0 =	simm.s32 @!p1 $0x0  }
0x14: {  	s2 =	sld [smem:$0x3F98];
	s0 =	simm.s32 @p1 $0x1  }
0x15: {  	[smem:$0x3FB5] =	sst s0;
	s0 =	simm.s32 @!p2 $0x0  }
0x16: {  	s3 =	sld [smem:$0x3FDB];
	s0 =	simm.s32 @p2 $0x1  }
0x17: {  	s4 =	simm.s32 $0x1BF5;
	[smem:$0x3FB7] =	sst s0  }
0x18: {  	s0 =	sld [smem:$0x3F9A];
	_ =	swait.ge [sflag:s4], $0x0  }
0x19: {  	s7 =	sld [smem:$0x3F9B]  }
0x1a: {  	s8 =	sadd.s32 $0xFFFFE003, lr  }
0x1b: {  	s9 =	sadd.s32 $0xFFFFFEF7, lr;
	s5 =	simm.s32 $0xFFFFFFFF;
	p2 =	slt.u32 s8, $0xFFFFF086  }
0x1c: {  	p1 =	slt.u32 s9, $0xF7A;
	s5 =	simm.s32 @!p2 $0x0  }
0x1d: {  	s5 =	simm.s32 @p1 $0x1;
	p0 =	seq.s32 s7, s2  }
0x1e: {  	s7 =	smul.u32 @!p0 $0xF7A, s2;
	p2 =	seq.s32 @!p0 s5, $0x0  }
0x1f: {  	s9 =	smul.u32 $0xF7A, s1;
	s8 =	simm.s32 @!p0 $0x1BF5;
	p2 =	por !p2, p0  }
0x20: {  	[sflag:s8] =	ssyncset.s32 @!p0 $0xFFFFF086;
	s6 =	sadd.s32 @!p0 s3, s7;
	s7 =	simm.s32 @!p0 $0x108  }
0x21: {  	s3 =	sadd.s32 s3, s9;
	s6 =	sadd.s32 @!p0 $0x88, s6;
	s7 =	simm.s32 @p2 $0x1082  }
0x22: {  	[simem:s7], [sflag:s8] =	dma.local @!p0 [hbm:s6], $0xF7A  }
0x23: {  	s9 =	sor.u32 $0xD0000000, s2;
	s6 =	simm.s32 $0x108;
	_ =	swait.ge @!p0 [sflag:s8], $0x0  }
0x24: {  	s3 =	sadd.s32 $0x88, s3;
	s6 =	simm.s32 @!p1 $0x1082;
	[sflag:s4] =	ssyncset.s32 $0xFFFFF086  }
0x25: {  	[simem:s6], [sflag:s4] =	dma.local [hbm:s3], $0xF7A  }
0x26: {  	[smem:$0x3F9B] =	sst s1;
	(tag) =	ssettag s2;
	_ =	strace s9  }
0x27: {  	s1 =	sld [smem:$0x3FAB]  }
0x28: {  	s2 =	sld [smem:$0x3FAC]  }
0x29: {  	s4 =	sld [smem:$0x3FAE]  }
0x2a: {  	p0 =	seq.s32 s5, $0x0;
	s5 =	sld [smem:$0x3FAF]  }
0x2b: {  	s6 =	sld [smem:$0x3FB0]  }
0x2c: {  	s7 =	sld [smem:$0x3FB1]  }
0x2d: {  	s3 =	simm.s32 $0x108;
	s8 =	sld [smem:$0x3FB2]  }
0x2e: {  	s3 =	simm.s32 @!p0 $0x1082;
	s9 =	sld [smem:$0x3FB3]  }
0x2f: {  	lr =	sadd.s32 s0, s3;
	s0 =	sld [smem:$0x3FAA]  }
0x30: {  	s3 =	sld [smem:$0x3FAD]  }
0x31: {  	[smem:$0x3FB6] =	sst s10  }
0x32: {  	s10 =	sld [smem:$0x3FB4];
	_ =	sdelay $0x3  }
0x33: {  	p0 =	seq.s32 s10, $0x1;
	s10 =	sld [smem:$0x3FB6];
	_ =	sdelay $0x3  }
0x34: {  	[smem:$0x3FB6] =	sst s10  }
0x35: {  	s10 =	sld [smem:$0x3FB5];
	_ =	sdelay $0x3  }
0x36: {  	p1 =	seq.s32 s10, $0x1;
	s10 =	sld [smem:$0x3FB6];
	_ =	sdelay $0x3  }
0x37: {  	[smem:$0x3FB6] =	sst s10  }
0x38: {  	s10 =	sld [smem:$0x3FB7]  }
0x39: {  	_ = 	snop;
	(pc) =	sbr.ind lr, $3  }
0x3a: {  	_ = 	snop  }
0x3b: {  	_ = 	snop  }
0x3c: {  	p2 =	seq.s32 s10, $0x1;
	s10 =	sld [smem:$0x3FB6]  }
0x3d: {  	_ =	shalt  }
0x3e: {  	_ =	shalt  }
0x3f: {  	_ =	shalt  }
0x40: {  	_ =	shalt  }
0x41: {  	_ =	shalt  }
0x42: {  	_ =	shalt  }
0x43: {  	_ =	shalt  }
0x44: {  	_ =	shalt  }
0x45: {  	_ =	shalt  }
0x46: {  	_ =	shalt  }
0x47: {  	_ =	shalt  }
0x48: {  	_ =	shalt  }
0x49: {  	_ =	shalt  }
0x4a: {  	_ =	shalt  }
0x4b: {  	_ =	shalt  }
0x4c: {  	_ =	shalt  }
0x4d: {  	_ =	shalt  }
0x4e: {  	_ =	shalt  }
0x4f: {  	_ =	shalt  }
0x50: {  	_ =	shalt  }
0x51: {  	_ =	shalt  }
0x52: {  	_ =	shalt  }
0x53: {  	_ =	shalt  }
0x54: {  	_ =	shalt  }
0x55: {  	_ =	shalt  }
0x56: {  	_ =	shalt  }
0x57: {  	_ =	shalt  }
0x58: {  	_ =	shalt  }
0x59: {  	_ =	shalt  }
0x5a: {  	_ =	shalt  }
0x5b: {  	_ =	shalt  }
0x5c: {  	_ =	shalt  }
0x5d: {  	_ =	shalt  }
0x5e: {  	_ =	shalt  }
0x5f: {  	_ =	shalt  }
0x60: {  	_ =	shalt  }
0x61: {  	_ =	shalt  }
0x62: {  	_ =	shalt  }
0x63: {  	_ =	shalt  }
0x64: {  	_ =	shalt  }
0x65: {  	_ =	shalt  }
0x66: {  	_ =	shalt  }
0x67: {  	_ =	shalt  }
0x68: {  	_ =	shalt  }
0x69: {  	_ =	shalt  }
0x6a: {  	_ =	shalt  }
0x6b: {  	_ =	shalt  }
0x6c: {  	_ =	shalt  }
0x6d: {  	_ =	shalt  }
0x6e: {  	_ =	shalt  }
0x6f: {  	_ =	shalt  }
0x70: {  	_ =	shalt  }
0x71: {  	_ =	shalt  }
0x72: {  	_ =	shalt  }
0x73: {  	_ =	shalt  }
0x74: {  	_ =	shalt  }
0x75: {  	_ =	shalt  }
0x76: {  	_ =	shalt  }
0x77: {  	_ =	shalt  }
0x78: {  	_ =	shalt  }
0x79: {  	_ =	shalt  }
0x7a: {  	_ =	shalt  }
0x7b: {  	_ =	shalt  }
0x7c: {  	_ =	shalt  }
0x7d: {  	_ =	shalt  }
0x7e: {  	_ =	shalt  }
0x7f: {  	_ =	shalt  }
0x80: {  	_ =	shalt  }
0x81: {  	_ =	shalt  }
0x82: {  	_ =	shalt  }
0x83: {  	_ =	shalt  }
0x84: {  	_ =	shalt  }
0x85: {  	_ =	shalt  }
0x86: {  	_ =	shalt  }
0x87: {  	_ =	shalt  }
.Lfunc_end0:
.L_simem_size_0:
called_computation.1_lowered:
.L_overlay_start_0:
0x88: {  	s2 =	sld [smem:$0x3FD9]  }
0x89: {  	s3 =	sld [smem:$0x3FFE];
	_ =	sdelay $0x1  }
0x8a: {  	s1 =	srdreg.scid  }
0x8b: {  	s0 =	sand.u32 $0x1, s1  }
0x8c: {  	s17 =	sshll.u32 s0, $0xA;
	s2 =	sadd.s32 s3, s2  }
0x8d: {  	s2 =	sadd.s32 s2, s17  }
0x8e: {  	[smem:$0x3FC2] =	sst s2  }
0x8f: {  	_ = 	snop  }
0x90: {  	s2 =	sld [smem:$0x3FD0];
	(tm) =	ssettm $0x1  }
0x91: {  	s18 =	sld [smem:$0x3FFB];
	_ =	sdelay $0x3  }
0x92: {  	_ =	strace s18  }
0x93: {  	s3 =	sld [smem:$0x3FFC];
	_ =	sdelay $0x3  }
0x94: {  	_ =	strace s3  }
0x95: {  	s3 =	sld [smem:$0x3FFD];
	_ =	sdelay $0x3  }
0x96: {  	_ =	strace s3  }
0x97: {  	_ =	strace $0x8FFFFFFF  }
0x98: {  	s19 =	sld [smem:$0x3FDB];
	_ =	sdelay $0x1  }
0x99: {  	s4 =	simm.s32 $_scs_section_size  }
0x9a: {  	s5 =	simm.s32 $_size__tile_overlayer_lowered;
	s6 =	simm.s32 $_tile_overlayer_lowered  }
0x9b: {  	s22 =	simm.s32 $0x1BFF;
	s21 =	sshll.u32 s6, $0x1;
	s3 =	sadd.s32 s4, s19  }
0x9c: {  	s7 =	simm.s32 $0x0;
	s20 =	sshll.u32 s5, $0x1;
	s5 =	sadd.s32 s21, s3  }
0x9d: {  	[timem:s7], [sflag:s22] =	dma.local [hbm:s5], s20  }
0x9e: {  	_ =	swait.ge [sflag:s22], s20  }
0x9f: {  	s4 =	ssub.s32 $0x0, s20;
	[sflag:s22] =	ssyncset.done $0x0  }
0xa0: {  	[sflag:s22] =	ssyncadd.s32 s4;
	_ =	sdelay $0x1  }
0xa1: {  	s23 =	simm.s32 $0x1B8B  }
0xa2: {  	_ =	swait.ge [sflag:s23], $0x1  }
0xa3: {  	[sflag:s23] =	ssyncset.done $0x0  }
0xa4: {  	s25 =	simm.s32 $0x1B8E;
	s24 =	sld [smem:$0x3FFE];
	[sflag:s23] =	ssyncadd.s32 $0xFFFFFFFF  }
0xa5: {  	s26 =	simm.s32 $execute0_lowered;
	[smem:$0x3FD2] =	sst s25  }
0xa6: {  	s5 =	sshll.u32 s26, $0x1;
	_ =	strace $0x80000049;
	[dreg:$0x1] =	wrdreg $0xFFFFFFFF  }
0xa7: {  	s28 =	simm.s32 $_size_execute0_lowered;
	s3 =	sadd.s32 s3, s5;
	[dreg:$0x0] =	wrdreg $0x0  }
0xa8: {  	s5 =	sshll.u32 s28, $0x1;
	[dreg:$0x2] =	wrdreg s3  }
0xa9: {  	[dreg:$0x3] =	wrdreg s5  }
0xaa: {  	[dreg:$0x4] =	wrdreg $0xC0  }
0xab: {  	_ =	task [dreg:s7], $0x5FFFF  }
0xac: {  	[dreg:$0x1] =	wrdreg $0xFFFFFFFF  }
0xad: {  	[dreg:$0x0] =	wrdreg $0x60  }
0xae: {  	[dreg:$0x2] =	wrdreg s2  }
0xaf: {  	[dreg:$0x3] =	wrdreg s24  }
0xb0: {  	[dreg:$0x4] =	wrdreg $0x0  }
0xb1: {  	[dreg:$0x5] =	wrdreg $0x9  }
0xb2: {  	_ =	task.clear_ibuf [dreg:s7], $0x6FFFF;
	_ =	strace $0x90000049  }
0xb3: {  	s29 =	simm.s32 $0x9;
	_ =	strace $0x8000004B  }
0xb4: {  	_ =	swait.ge [sflag:s29], $0x1  }
0xb5: {  	[sflag:s29] =	ssyncadd.s32 $0xFFFFFFFF  }
0xb6: {  	_ =	strace $0x9000004B  }
0xb7: {  	_ =	sfence  }
0xb8: {  	s30 =	sld [smem:$0x0];
	_ =	sdelay $0x2  }
0xb9: {  	s31 =	sshll.u32 s1, $0xD;
	s1 =	sshrl.u32 s1, $0x2  }
0xba: {  	s3 =	sand.u32 $0x4000, s31;
	s1 =	sadd.s32 s1, s30  }
0xbb: {  	s0 =	sor.u32 s3, s0;
	s1 =	sshll.u32 s1, $0x11  }
0xbc: {  	s0 =	sor.u32 s1, s0  }
0xbd: {  	s0 =	sadd.s32 $0x8F2B, s0  }
0xbe: {  	[sflag:s0] =	ssyncadd.remote.s32 $0x1  }
0xbf: {  	_ =	sfence.sel $0xFFFF  }
0xc0: {  	[dreg:$0x0] =	wrdreg $0xFFFFFFFF;
	(pc) =	sbr.abs _section_cstart, $3  }
0xc1: {  	[dreg:$0x1] =	wrdreg $0xFFFFFFFF  }
0xc2: {  	_ =	task.clear_ibuf [dreg:s7], $0x2FFFF;
	_ =	strace $0x9FFFFFFF  }
0xc3: {  	(tm) =	ssettm $0x7FFFFFFF  }
tec
execute0_lowered:
.L_overlay_start_1:
0x0: {  	(tag) =	ssettag $0x1  }
0x1: {  	s1 =	rddreg [dreg:$0x0]  }
0x2: {  	s0 =	rddreg [dreg:$0x1];
	s5 =	stileid.u32  }
0x3: {  	s2 =	rddreg [dreg:$0x2];
	s7 =	smul.u32 $0x14000, s5  }
0x4: {  	s3 =	srdreg.scid;
	s4 =	simm.s32 $0x0;
	s15 =	smul.u32 $0x50000, s5  }
0x5: {  	s3 =	sand.u32 $0x1, s3;
	[smem:$0x7FF] =	sst s4;
	s22 =	smul.u32 $0x2710, s5  }
0x6: {  	s12 =	sadd.s32 $0xBC00, s0;
	s6 =	smul.u32 $0x140000, s3;
	s8 =	sshll.u32 s3, $0x4  }
0x7: {  	s10 =	ssub.s32 $0x2, s3;
	s3 =	smul.u32 $0x27100, s3;
	s14 =	sor.u32 s5, s8  }
0x8: {  	_ =	strace $0x8000004A;
	s6 =	sadd.s32 s7, s6;
	s7 =	smul.u32 $0x2710, s14  }
0x9: {  	s16 =	sshrl.u32 s10, $0x1;
	s8 =	sshrl.u32 s15, $0x2;
	s3 =	sadd.s32 s22, s3  }
0xa: {  	s9 =	sshrl.u32 s6, $0x3;
	s17 =	sshrl.u32 s7, $0x3;
	s7 =	sadd.s32 s8, s2  }
0xb: {  	s6 =	sadd.s32 $0x1E00, s0;
	s18 =	sadd.s32 s12, s17;
	[dreg:$0x4] =	wrdreg s7  }
0xc: {  	s0 =	sadd.s32 s9, s0;
	s11 =	sadd.s32 s6, s17;
	[dreg:$0x5] =	wrdreg s18  }
0xd: {  	s9 =	ssub.s32 s10, s16;
	s0 =	sadd.s32 $0x15A00, s0;
	[dreg:$0x6] =	wrdreg s11  }
0xe: {  	s16 =	sadd.s32 $0x190, s3;
	s10 =	smax.u32 s9, $0x1;
	[dreg:$0xd] =	wrdreg s0  }
0xf: {  	s19 =	sadd.s32 $0xA, s17;
	s13 =	sadd.s32 $0x1000, s7;
	[dreg:$0xe] =	wrdreg s10  }
0x10: {  	s21 =	sadd.s32 $0x14, s17;
	s5 =	sadd.s32 $0x5000, s7;
	[dreg:$0xf] =	wrdreg s13  }
0x11: {  	s25 =	sadd.s32 $0x1E, s17;
	s9 =	sadd.s32 $0x8000, s7;
	[dreg:$0x16] =	wrdreg s5  }
0x12: {  	s17 =	sshrl.u32 s16, $0x3;
	s16 =	sadd.s32 $0xF000, s7;
	[dreg:$0x19] =	wrdreg s9  }
0x13: {  	s20 =	sadd.s32 s12, s19;
	[smem:$0x7F9] =	sst s16  }
0x14: {  	s28 =	simm.s32 $0x9;
	s8 =	sadd.s32 s6, s19;
	[dreg:$0x7] =	wrdreg s20  }
0x15: {  	s29 =	simm.s32 $0x1E000;
	s23 =	sadd.s32 s12, s21;
	[dreg:$0x8] =	wrdreg s8  }
0x16: {  	s30 =	simm.s32 $0x50;
	s24 =	sadd.s32 s6, s21;
	[dreg:$0x9] =	wrdreg s23  }
0x17: {  	s31 =	simm.s32 $0x14000;
	s26 =	sadd.s32 s12, s25;
	[dreg:$0xa] =	wrdreg s24  }
0x18: {  	s14 =	sadd.s32 $0x1E0, s3;
	s18 =	sadd.s32 $0x140, s3;
	[dreg:$0xb] =	wrdreg s26  }
0x19: {  	s11 =	sadd.s32 $0x230, s3;
	s3 =	sadd.s32 $0x4000, s7;
	[dreg:$0x12] =	wrdreg s18  }
0x1a: {  	s19 =	smov.u32 s12;
	s10 =	sadd.s32 $0x9000, s7;
	[dreg:$0x15] =	wrdreg s3  }
0x1b: {  	s13 =	sadd.s32 $0xC000, s7;
	s16 =	simm.s32 $0x4;
	[dreg:$0x1a] =	wrdreg s10  }
0x1c: {  	s5 =	simm.s32 $0x0;
	s8 =	sadd.s32 s6, s25;
	[dreg:$0x1d] =	wrdreg s13  }
0x1d: {  	s0 =	sshrl.u32 s11, $0x3;
	s25 =	sadd.s32 $0x2000, s7;
	[dreg:$0xc] =	wrdreg s8  }
0x1e: {  	s20 =	smov.u32 s6;
	s26 =	sadd.s32 $0x3000, s7;
	[dreg:$0x13] =	wrdreg s25  }
0x1f: {  	s23 =	sadd.s32 s17, s6;
	s11 =	sadd.s32 $0xA000, s7;
	[dreg:$0x14] =	wrdreg s26  }
0x20: {  	s24 =	sadd.s32 s17, s12;
	s17 =	sadd.s32 $0x10000, s7;
	[dreg:$0x1b] =	wrdreg s11  }
0x21: {  	s18 =	sadd.s32 $0x11000, s7;
	s10 =	simm.s32 $0x1E180;
	[smem:$0x7FA] =	sst s17  }
0x22: {  	s13 =	simm.s32 $0x1;
	s15 =	sadd.s32 s0, s6;
	[smem:$0x7FB] =	sst s18  }
0x23: {  	s8 =	sshrl.u32 s14, $0x3;
	s0 =	sadd.s32 s0, s12;
	[dreg:$0x10] =	wrdreg s15  }
0x24: {  	s14 =	sadd.s32 $0xD000, s7;
	s25 =	sadd.s32 $0x12000, s7;
	[dreg:$0x11] =	wrdreg s0  }
0x25: {  	s26 =	sadd.s32 $0x13000, s7;
	s11 =	simm.s32 $0x1E380;
	[dreg:$0x1e] =	wrdreg s14  }
0x26: {  	s21 =	sadd.s32 s8, s6;
	s22 =	sadd.s32 s8, s12;
	[smem:$0x7FC] =	sst s25  }
.Ltmp0:
0x27: {  	s6 =	sadd.s32 $0x6000, s7;
	[smem:$0x7FD] =	sst s26;
	(pc) =	sbr.rel .LBB2_1-.Ltmp0, $4  }
0x28: {  	s8 =	sadd.s32 $0x7000, s7;
	s12 =	sadd.s32 $0xB000, s7;
	[dreg:$0x17] =	wrdreg s6  }
0x29: {  	s15 =	sadd.s32 $0xE000, s7;
	s25 =	simm.s32 $0x1E200;
	[dreg:$0x18] =	wrdreg s8  }
0x2a: {  	s14 =	simm.s32 $0x5;
	s0 =	simm.s32 $0x8;
	[dreg:$0x1c] =	wrdreg s12  }
0x2b: {  	v0 =	vimm.f32 $0.0e+00;
	[dreg:$0x1f] =	wrdreg s15;
	s12 =	simm.s32 $0x1B800;
	s15 =	simm.s32 $0x2  }
.LBB2_6:
0x2c: {  	_ =	swait.ge [sflag:s13], $0x2800  }
0x2d: {  	[sflag:s13] =	ssyncset.done $0x0  }
0x2e: {  	[sflag:s13] =	ssyncadd.s32 $0xFFFFD800  }
0x2f: {  	[spmem:s2] =	stream.indirect.scatter.add.f32 [tilespmem:s31], [sflag:$0x5], $0x80, s25, s30, $0xb8;
	[tilespmem:$0x1F400] =	vst v63  }
0x30: {  	_ =	swait.ge [sflag:s14], $0x2800  }
0x31: {  	[sflag:s14] =	ssyncset.done $0x0  }
0x32: {  	s3 =	simm.s32 $0x6;
	[sflag:s14] =	ssyncadd.s32 $0xFFFFD800  }
0x33: {  	_ =	swait.ge [sflag:s3], $0x2800  }
0x34: {  	[sflag:s3] =	ssyncset.done $0x0  }
0x35: {  	s9 =	simm.s32 $0x7;
	[sflag:s3] =	ssyncadd.s32 $0xFFFFD800  }
0x36: {  	_ =	swait.ge [sflag:s9], $0x2800  }
0x37: {  	[sflag:s9] =	ssyncset.done $0x0  }
0x38: {  	[sflag:s9] =	ssyncadd.s32 $0xFFFFD800  }
0x39: {  	_ =	swait.ge [sflag:s0], $0x2800  }
0x3a: {  	[sflag:s0] =	ssyncset.done $0x0  }
0x3b: {  	[sflag:s0] =	ssyncadd.s32 $0xFFFFD800  }
0x3c: {  	s17 =	stileid.u32;
	[bflag:$0x0] =	sbarrier.arrive $0xFFFF  }
0x3d: {  	s3 =	sshll.u32 s17, $0x6;
	s7 =	rddreg [dreg:$0x4]  }
0x3e: {  	s3 =	sor.u32 $0x1C09, s3;
	s6 =	rddreg [dreg:$0xd];
	s5 =	sshrl.u32 s7, $0x3  }
0x3f: {  	[hbm:s6], [sflag:s3] =	dma.local [spmem:s5], $0x2800  }
0x40: {  	_ =	swait.ge [sflag:s28], $0x2800  }
0x41: {  	s18 =	sld [smem:$0x7F8];
	_ =	sdelay $0x2  }
0x42: {  	s26 =	rddreg [dreg:$0xe];
	s5 =	sadd.s32 $0x1, s18  }
0x43: {  	p0 =	sne.s32 s5, s26  }
.Ltmp1:
0x44: {  	_ = 	snop;
	(pc) =	sbr.rel @!p0 .LBB2_7-.Ltmp1, $3  }
0x45: {  	_ =	sdelay $0x1  }
0x46: {  	[sflag:s28] =	ssyncset.done $0x0  }
0x47: {  	[sflag:s28] =	ssyncadd.s32 $0xFFFFD800  }
.LBB2_1:
0x48: {  	[smem:$0x7F8] =	sst s5;
	s17 =	simm.s32 $0x0;
	s18 =	simm.s32 $0x200  }
.LBB2_2:
0x49: {  	p0 =	sne.s32 s18, $0x3E00;
	[tilespmem:s17+$0x1E470] =	vst v0  }
0x4a: {  	[tilespmem:s17+$0x1E400] =	vst v0  }
0x4b: {  	[tilespmem:s17+$0x1E410] =	vst v0  }
.Ltmp2:
0x4c: {  	[tilespmem:s17+$0x1E420] =	vst v0;
	(pc) =	sbr.rel @p0 .LBB2_2-.Ltmp2, $4  }
0x4d: {  	[tilespmem:s17+$0x1E430] =	vst v0  }
0x4e: {  	[tilespmem:s17+$0x1E440] =	vst v0  }
0x4f: {  	[tilespmem:s17+$0x1E450] =	vst v0  }
0x50: {  	[tilespmem:s17+$0x1E460] =	vst v0;
	s17 =	sshra.s32 s18, $0x2;
	s18 =	sadd.s32 $0x200, s18  }
0x51: {  	[tilespmem:s17+$0x1E470] =	vst v0  }
0x52: {  	[tilespmem:s17+$0x1E400] =	vst v0  }
0x53: {  	[tilespmem:s17+$0x1E410] =	vst v0  }
0x54: {  	[tilespmem:s17+$0x1E420] =	vst v0  }
0x55: {  	[tilespmem:s17+$0x1E430] =	vst v0  }
0x56: {  	[tilespmem:s17+$0x1E440] =	vst v0  }
0x57: {  	[tilespmem:s17+$0x1E450] =	vst v0  }
0x58: {  	[tilespmem:s17+$0x1E460] =	vst v0;
	s5 =	simm.s32 $0x1E400  }
0x59: {  	[spmem:s7] =	stream.linear.scatter [tilespmem:s5], [sflag:$0x9], $0x1000, $0x38;
	[tilespmem:$0x1F400] =	vst v63  }
0x5a: {  	_ =	swait.ge [sflag:s28], $0x1000  }
0x5b: {  	[sflag:s28] =	ssyncset.done $0x0  }
0x5c: {  	s3 =	rddreg [dreg:$0xf];
	[sflag:s28] =	ssyncadd.s32 $0xFFFFF000  }
0x5d: {  	[spmem:s3] =	stream.linear.scatter [tilespmem:s5], [sflag:$0x9], $0x1000, $0x38;
	[tilespmem:$0x1F400] =	vst v63  }
0x5e: {  	_ =	swait.ge [sflag:s28], $0x1000  }
0x5f: {  	[sflag:s28] =	ssyncset.done $0x0  }
0x60: {  	s8 =	rddreg [dreg:$0x13];
	[sflag:s28] =	ssyncadd.s32 $0xFFFFF000  }
0x61: {  	[spmem:s8] =	stream.linear.scatter [tilespmem:s5], [sflag:$0x9], $0x1000, $0x38;
	[tilespmem:$0x1F400] =	vst v63  }
0x62: {  	_ =	swait.ge [sflag:s28], $0x1000  }
0x63: {  	[sflag:s28] =	ssyncset.done $0x0  }
0x64: {  	s9 =	rddreg [dreg:$0x14];
	[sflag:s28] =	ssyncadd.s32 $0xFFFFF000  }
0x65: {  	[spmem:s9] =	stream.linear.scatter [tilespmem:s5], [sflag:$0x9], $0x1000, $0x38;
	[tilespmem:$0x1F400] =	vst v63  }
0x66: {  	_ =	swait.ge [sflag:s28], $0x1000  }
0x67: {  	[sflag:s28] =	ssyncset.done $0x0  }
0x68: {  	s17 =	rddreg [dreg:$0x15];
	[sflag:s28] =	ssyncadd.s32 $0xFFFFF000  }
0x69: {  	[spmem:s17] =	stream.linear.scatter [tilespmem:s5], [sflag:$0x9], $0x1000, $0x38;
	[tilespmem:$0x1F400] =	vst v63  }
0x6a: {  	_ =	swait.ge [sflag:s28], $0x1000  }
0x6b: {  	[sflag:s28] =	ssyncset.done $0x0  }
0x6c: {  	s18 =	rddreg [dreg:$0x16];
	[sflag:s28] =	ssyncadd.s32 $0xFFFFF000  }
0x6d: {  	[spmem:s18] =	stream.linear.scatter [tilespmem:s5], [sflag:$0x9], $0x1000, $0x38;
	[tilespmem:$0x1F400] =	vst v63  }
0x6e: {  	_ =	swait.ge [sflag:s28], $0x1000  }
0x6f: {  	[sflag:s28] =	ssyncset.done $0x0  }
0x70: {  	s26 =	rddreg [dreg:$0x17];
	[sflag:s28] =	ssyncadd.s32 $0xFFFFF000  }
0x71: {  	[spmem:s26] =	stream.linear.scatter [tilespmem:s5], [sflag:$0x9], $0x1000, $0x38;
	[tilespmem:$0x1F400] =	vst v63  }
0x72: {  	_ =	swait.ge [sflag:s28], $0x1000  }
0x73: {  	[sflag:s28] =	ssyncset.done $0x0  }
0x74: {  	s6 =	rddreg [dreg:$0x18];
	[sflag:s28] =	ssyncadd.s32 $0xFFFFF000  }
0x75: {  	[spmem:s6] =	stream.linear.scatter [tilespmem:s5], [sflag:$0x9], $0x1000, $0x38;
	[tilespmem:$0x1F400] =	vst v63  }
0x76: {  	_ =	swait.ge [sflag:s28], $0x1000  }
0x77: {  	[sflag:s28] =	ssyncset.done $0x0  }
0x78: {  	s7 =	rddreg [dreg:$0x19];
	[sflag:s28] =	ssyncadd.s32 $0xFFFFF000  }
0x79: {  	[spmem:s7] =	stream.linear.scatter [tilespmem:s5], [sflag:$0x9], $0x1000, $0x38;
	[tilespmem:$0x1F400] =	vst v63  }
0x7a: {  	_ =	swait.ge [sflag:s28], $0x1000  }
0x7b: {  	[sflag:s28] =	ssyncset.done $0x0  }
0x7c: {  	s8 =	rddreg [dreg:$0x1a];
	[sflag:s28] =	ssyncadd.s32 $0xFFFFF000  }
0x7d: {  	[spmem:s8] =	stream.linear.scatter [tilespmem:s5], [sflag:$0x9], $0x1000, $0x38;
	[tilespmem:$0x1F400] =	vst v63  }
0x7e: {  	_ =	swait.ge [sflag:s28], $0x1000  }
0x7f: {  	[sflag:s28] =	ssyncset.done $0x0  }
0x80: {  	s9 =	rddreg [dreg:$0x1b];
	[sflag:s28] =	ssyncadd.s32 $0xFFFFF000  }
0x81: {  	[spmem:s9] =	stream.linear.scatter [tilespmem:s5], [sflag:$0x9], $0x1000, $0x38;
	[tilespmem:$0x1F400] =	vst v63  }
0x82: {  	_ =	swait.ge [sflag:s28], $0x1000  }
0x83: {  	[sflag:s28] =	ssyncset.done $0x0  }
0x84: {  	s17 =	rddreg [dreg:$0x1c];
	[sflag:s28] =	ssyncadd.s32 $0xFFFFF000  }
0x85: {  	[spmem:s17] =	stream.linear.scatter [tilespmem:s5], [sflag:$0x9], $0x1000, $0x38;
	[tilespmem:$0x1F400] =	vst v63  }
0x86: {  	_ =	swait.ge [sflag:s28], $0x1000  }
0x87: {  	[sflag:s28] =	ssyncset.done $0x0  }
0x88: {  	s18 =	rddreg [dreg:$0x1d];
	[sflag:s28] =	ssyncadd.s32 $0xFFFFF000  }
0x89: {  	[spmem:s18] =	stream.linear.scatter [tilespmem:s5], [sflag:$0x9], $0x1000, $0x38;
	[tilespmem:$0x1F400] =	vst v63  }
0x8a: {  	_ =	swait.ge [sflag:s28], $0x1000  }
0x8b: {  	[sflag:s28] =	ssyncset.done $0x0  }
0x8c: {  	s26 =	rddreg [dreg:$0x1e];
	[sflag:s28] =	ssyncadd.s32 $0xFFFFF000  }
0x8d: {  	[spmem:s26] =	stream.linear.scatter [tilespmem:s5], [sflag:$0x9], $0x1000, $0x38;
	[tilespmem:$0x1F400] =	vst v63  }
0x8e: {  	_ =	swait.ge [sflag:s28], $0x1000  }
0x8f: {  	[sflag:s28] =	ssyncset.done $0x0  }
0x90: {  	s6 =	rddreg [dreg:$0x1f];
	[sflag:s28] =	ssyncadd.s32 $0xFFFFF000  }
0x91: {  	[spmem:s6] =	stream.linear.scatter [tilespmem:s5], [sflag:$0x9], $0x1000, $0x38;
	[tilespmem:$0x1F400] =	vst v63  }
0x92: {  	_ =	swait.ge [sflag:s28], $0x1000  }
0x93: {  	s7 =	sld [smem:$0x7F9]  }
0x94: {  	[sflag:s28] =	ssyncset.done $0x0  }
0x95: {  	[sflag:s28] =	ssyncadd.s32 $0xFFFFF000  }
0x96: {  	[spmem:s7] =	stream.linear.scatter [tilespmem:s5], [sflag:$0x9], $0x1000, $0x38;
	[tilespmem:$0x1F400] =	vst v63  }
0x97: {  	_ =	swait.ge [sflag:s28], $0x1000  }
0x98: {  	s8 =	sld [smem:$0x7FA]  }
0x99: {  	[sflag:s28] =	ssyncset.done $0x0  }
0x9a: {  	[sflag:s28] =	ssyncadd.s32 $0xFFFFF000  }
0x9b: {  	[spmem:s8] =	stream.linear.scatter [tilespmem:s5], [sflag:$0x9], $0x1000, $0x38;
	[tilespmem:$0x1F400] =	vst v63  }
0x9c: {  	_ =	swait.ge [sflag:s28], $0x1000  }
0x9d: {  	s9 =	sld [smem:$0x7FB]  }
0x9e: {  	[sflag:s28] =	ssyncset.done $0x0  }
0x9f: {  	[sflag:s28] =	ssyncadd.s32 $0xFFFFF000  }
0xa0: {  	[spmem:s9] =	stream.linear.scatter [tilespmem:s5], [sflag:$0x9], $0x1000, $0x38;
	[tilespmem:$0x1F400] =	vst v63  }
0xa1: {  	_ =	swait.ge [sflag:s28], $0x1000  }
0xa2: {  	s17 =	sld [smem:$0x7FC]  }
0xa3: {  	[sflag:s28] =	ssyncset.done $0x0  }
0xa4: {  	[sflag:s28] =	ssyncadd.s32 $0xFFFFF000  }
0xa5: {  	[spmem:s17] =	stream.linear.scatter [tilespmem:s5], [sflag:$0x9], $0x1000, $0x38;
	[tilespmem:$0x1F400] =	vst v63  }
0xa6: {  	_ =	swait.ge [sflag:s28], $0x1000  }
0xa7: {  	s18 =	sld [smem:$0x7FD]  }
0xa8: {  	[sflag:s28] =	ssyncset.done $0x0  }
0xa9: {  	[sflag:s28] =	ssyncadd.s32 $0xFFFFF000  }
0xaa: {  	[spmem:s18] =	stream.linear.scatter [tilespmem:s5], [sflag:$0x9], $0x1000, $0x38;
	[tilespmem:$0x1F400] =	vst v63  }
0xab: {  	_ =	swait.ge [sflag:s28], $0x1000  }
0xac: {  	[sflag:s28] =	ssyncset.done $0x0  }
0xad: {  	[sflag:s28] =	ssyncadd.s32 $0xFFFFF000  }
0xae: {  	[bflag:$0x0] =	sbarrier.arrive $0xFFFF  }
0xaf: {  	s17 =	simm.s32 $0x0;
	s26 =	rddreg [dreg:$0x5]  }
0xb0: {  	[tilespmem:s29], [sflag:$0x9] =	stream.linear.gather [hbm4b:s26+s17], $0x50, $0x38;
	[tilespmem:$0x1F400] =	vst v63  }
0xb1: {  	_ =	swait.ge [sflag:s28], $0x50  }
0xb2: {  	[sflag:s28] =	ssyncset.done $0x0  }
0xb3: {  	s5 =	rddreg [dreg:$0x6];
	[sflag:s28] =	ssyncadd.s32 $0xFFFFFFB0  }
0xb4: {  	[tilespmem:s25], [sflag:$0x9] =	stream.linear.gather [hbm4b:s5+s17], $0x50, $0x38;
	[tilespmem:$0x1F400] =	vst v63  }
0xb5: {  	_ =	swait.ge [sflag:s28], $0x50  }
0xb6: {  	[sflag:s28] =	ssyncset.done $0x0  }
0xb7: {  	[sflag:s28] =	ssyncadd.s32 $0xFFFFFFB0  }
0xb8: {  	[tilespmem:s31], [sflag:$0x1] =	stream.indirect.gather [hbm4b:s1+s30], $0x80, s29, s30, $0xb8;
	[tilespmem:$0x1F400] =	vst v63  }
0xb9: {  	s7 =	simm.s32 $0x1E080;
	s6 =	rddreg [dreg:$0x7]  }
0xba: {  	[tilespmem:s7], [sflag:$0x9] =	stream.linear.gather [hbm4b:s6+s17], $0x50, $0x38;
	[tilespmem:$0x1F400] =	vst v63  }
0xbb: {  	_ =	swait.ge [sflag:s28], $0x50  }
0xbc: {  	[sflag:s28] =	ssyncset.done $0x0  }
0xbd: {  	s6 =	simm.s32 $0x1E280;
	s8 =	rddreg [dreg:$0x8];
	[sflag:s28] =	ssyncadd.s32 $0xFFFFFFB0  }
0xbe: {  	[tilespmem:s6], [sflag:$0x9] =	stream.linear.gather [hbm4b:s8+s17], $0x50, $0x38;
	[tilespmem:$0x1F400] =	vst v63  }
0xbf: {  	_ =	swait.ge [sflag:s28], $0x50  }
0xc0: {  	[sflag:s28] =	ssyncset.done $0x0  }
0xc1: {  	s9 =	simm.s32 $0x16800;
	[sflag:s28] =	ssyncadd.s32 $0xFFFFFFB0  }
0xc2: {  	[tilespmem:s9], [sflag:$0x2] =	stream.indirect.gather [hbm4b:s1+s30], $0x80, s7, s30, $0xb8;
	[tilespmem:$0x1F400] =	vst v63  }
0xc3: {  	s26 =	simm.s32 $0x1E100;
	s18 =	rddreg [dreg:$0x9]  }
0xc4: {  	[tilespmem:s26], [sflag:$0x9] =	stream.linear.gather [hbm4b:s18+s17], $0x50, $0x38;
	[tilespmem:$0x1F400] =	vst v63  }
0xc5: {  	_ =	swait.ge [sflag:s28], $0x50  }
0xc6: {  	[sflag:s28] =	ssyncset.done $0x0  }
0xc7: {  	s8 =	simm.s32 $0x1E300;
	s7 =	rddreg [dreg:$0xa];
	[sflag:s28] =	ssyncadd.s32 $0xFFFFFFB0  }
0xc8: {  	[tilespmem:s8], [sflag:$0x9] =	stream.linear.gather [hbm4b:s7+s17], $0x50, $0x38;
	[tilespmem:$0x1F400] =	vst v63  }
0xc9: {  	_ =	swait.ge [sflag:s28], $0x50  }
0xca: {  	[sflag:s28] =	ssyncset.done $0x0  }
0xcb: {  	s9 =	simm.s32 $0x19000;
	[sflag:s28] =	ssyncadd.s32 $0xFFFFFFB0  }
0xcc: {  	[tilespmem:s9], [sflag:$0x3] =	stream.indirect.gather [hbm4b:s1+s30], $0x80, s26, s30, $0xb8;
	[tilespmem:$0x1F400] =	vst v63  }
0xcd: {  	s18 =	rddreg [dreg:$0xb]  }
0xce: {  	[tilespmem:s10], [sflag:$0x9] =	stream.linear.gather [hbm4b:s18+s17], $0x50, $0x38;
	[tilespmem:$0x1F400] =	vst v63  }
0xcf: {  	_ =	swait.ge [sflag:s28], $0x50  }
0xd0: {  	[sflag:s28] =	ssyncset.done $0x0  }
0xd1: {  	s26 =	rddreg [dreg:$0xc];
	[sflag:s28] =	ssyncadd.s32 $0xFFFFFFB0  }
0xd2: {  	[tilespmem:s11], [sflag:$0x9] =	stream.linear.gather [hbm4b:s26+s17], $0x50, $0x38;
	[tilespmem:$0x1F400] =	vst v63  }
0xd3: {  	_ =	swait.ge [sflag:s28], $0x50  }
0xd4: {  	[sflag:s28] =	ssyncset.done $0x0  }
0xd5: {  	s18 =	rddreg [dreg:$0x12];
	[sflag:s28] =	ssyncadd.s32 $0xFFFFFFB0  }
0xd6: {  	[tilespmem:s12], [sflag:$0x4] =	stream.indirect.gather [hbm4b:s1+s30], $0x80, s10, s30, $0xb8;
	[tilespmem:$0x1F400] =	vst v63  }
.LBB2_4:
0xd7: {  	_ =	swait.ge [sflag:s13], $0x2800  }
0xd8: {  	[sflag:s13] =	ssyncset.done $0x0  }
0xd9: {  	[sflag:s13] =	ssyncadd.s32 $0xFFFFD800  }
0xda: {  	[spmem:s2] =	stream.indirect.scatter.add.f32 [tilespmem:s31], [sflag:$0x5], $0x80, s25, s30, $0xb8;
	[tilespmem:$0x1F400] =	vst v63  }
0xdb: {  	_ =	swait.ge [sflag:s14], $0x2800  }
0xdc: {  	s7 =	sshrl.u32 s18, $0x3;
	[sflag:s14] =	ssyncset.done $0x0  }
0xdd: {  	s9 =	sadd.s32 s19, s7;
	[sflag:s14] =	ssyncadd.s32 $0xFFFFD800  }
0xde: {  	[tilespmem:s29], [sflag:$0x9] =	stream.linear.gather [hbm4b:s9+s4], $0x50, $0x38;
	[tilespmem:$0x1F400] =	vst v63  }
0xdf: {  	_ =	swait.ge [sflag:s28], $0x50  }
0xe0: {  	[sflag:s28] =	ssyncset.done $0x0  }
0xe1: {  	s7 =	sadd.s32 s20, s7;
	[sflag:s28] =	ssyncadd.s32 $0xFFFFFFB0  }
0xe2: {  	[tilespmem:s25], [sflag:$0x9] =	stream.linear.gather [hbm4b:s7+s4], $0x50, $0x38;
	[tilespmem:$0x1F400] =	vst v63  }
0xe3: {  	_ =	swait.ge [sflag:s28], $0x50  }
0xe4: {  	[sflag:s28] =	ssyncset.done $0x0  }
0xe5: {  	[sflag:s28] =	ssyncadd.s32 $0xFFFFFFB0  }
0xe6: {  	[tilespmem:s31], [sflag:$0x1] =	stream.indirect.gather [hbm4b:s1+s30], $0x80, s29, s30, $0xb8;
	[tilespmem:$0x1F400] =	vst v63  }
0xe7: {  	_ =	swait.ge [sflag:s15], $0x2800  }
0xe8: {  	s3 =	simm.s32 $0x1E280;
	p0 =	seq.s32 s17, $0x4B0;
	[sflag:s15] =	ssyncset.done $0x0  }
0xe9: {  	s5 =	simm.s32 $0x16800;
	s7 =	simm.s32 @p0 $0x3;
	[sflag:s15] =	ssyncadd.s32 $0xFFFFD800  }
0xea: {  	[spmem:s2] =	stream.indirect.scatter.add.f32 [tilespmem:s5], [sflag:$0x6], $0x80, s3, s30, $0xb8;
	[tilespmem:$0x1F400] =	vst v63  }
0xeb: {  	_ =	swait.ge @p0 [sflag:s7], $0x2800  }
0xec: {  	s26 =	simm.s32 @p0 $0x19000;
	[sflag:s7] =	ssyncset.done @p0 $0x0  }
0xed: {  	s9 =	simm.s32 @p0 $0x1E300;
	[sflag:s7] =	ssyncadd.s32 @p0 $0xFFFFD800;
	s7 =	simm.s32 @p0 $0x50  }
0xee: {  	[spmem:s2] =	stream.indirect.scatter.add.f32 @p0 [tilespmem:s26], [sflag:$0x7], $0x80, s9, s7, $0xb8;
	[tilespmem:$0x1F400] =	vst v63  }
0xef: {  	s7 =	simm.s32 @!p0 $0x6  }
0xf0: {  	_ =	swait.ge @!p0 [sflag:s7], $0x2800  }
0xf1: {  	s9 =	simm.s32 @!p0 $0x0;
	[sflag:s7] =	ssyncset.done @!p0 $0x0  }
0xf2: {  	s26 =	simm.s32 @!p0 $0x1E080;
	[sflag:s7] =	ssyncadd.s32 @!p0 $0xFFFFD800;
	s7 =	sadd.s32 @!p0 s17, s24  }
0xf3: {  	[tilespmem:s26], [sflag:$0x9] =	stream.linear.gather @!p0 [hbm4b:s7+s9], $0x50, $0x38;
	[tilespmem:$0x1F400] =	vst v63  }
0xf4: {  	s7 =	simm.s32 @!p0 $0x9  }
0xf5: {  	_ =	swait.ge @!p0 [sflag:s7], $0x50  }
0xf6: {  	[sflag:s7] =	ssyncset.done @!p0 $0x0  }
0xf7: {  	s8 =	simm.s32 @!p0 $0x1E280;
	s3 =	sadd.s32 @!p0 s17, s23;
	[sflag:s7] =	ssyncadd.s32 @!p0 $0xFFFFFFB0  }
0xf8: {  	[tilespmem:s8], [sflag:$0x9] =	stream.linear.gather @!p0 [hbm4b:s3+s9], $0x50, $0x38;
	[tilespmem:$0x1F400] =	vst v63  }
0xf9: {  	_ =	swait.ge @!p0 [sflag:s7], $0x50  }
0xfa: {  	[sflag:s7] =	ssyncset.done @!p0 $0x0  }
0xfb: {  	s3 =	simm.s32 @!p0 $0x50;
	s8 =	simm.s32 @!p0 $0x16800;
	[sflag:s7] =	ssyncadd.s32 @!p0 $0xFFFFFFB0  }
0xfc: {  	[tilespmem:s8], [sflag:$0x2] =	stream.indirect.gather @!p0 [hbm4b:s1+s3], $0x80, s26, s3, $0xb8;
	[tilespmem:$0x1F400] =	vst v63  }
0xfd: {  	s8 =	simm.s32 @!p0 $0x3  }
0xfe: {  	_ =	swait.ge @!p0 [sflag:s8], $0x2800  }
0xff: {  	s5 =	simm.s32 @!p0 $0x7;
	[sflag:s8] =	ssyncset.done @!p0 $0x0  }
0x100: {  	s26 =	simm.s32 @!p0 $0x19000;
	[sflag:s8] =	ssyncadd.s32 @!p0 $0xFFFFD800;
	s8 =	simm.s32 @!p0 $0x1E300  }
0x101: {  	[spmem:s2] =	stream.indirect.scatter.add.f32 @!p0 [tilespmem:s26], [sflag:$0x7], $0x80, s8, s3, $0xb8;
	[tilespmem:$0x1F400] =	vst v63  }
0x102: {  	_ =	swait.ge @!p0 [sflag:s5], $0x2800  }
0x103: {  	[sflag:s5] =	ssyncset.done @!p0 $0x0  }
0x104: {  	s6 =	simm.s32 @!p0 $0x1E100;
	[sflag:s5] =	ssyncadd.s32 @!p0 $0xFFFFD800;
	s5 =	sadd.s32 @!p0 s17, s22  }
0x105: {  	[tilespmem:s6], [sflag:$0x9] =	stream.linear.gather @!p0 [hbm4b:s5+s9], $0x50, $0x38;
	[tilespmem:$0x1F400] =	vst v63  }
0x106: {  	_ =	swait.ge @!p0 [sflag:s7], $0x50  }
0x107: {  	[sflag:s7] =	ssyncset.done @!p0 $0x0  }
0x108: {  	s5 =	sadd.s32 @!p0 s17, s21;
	[sflag:s7] =	ssyncadd.s32 @!p0 $0xFFFFFFB0  }
0x109: {  	[tilespmem:s8], [sflag:$0x9] =	stream.linear.gather @!p0 [hbm4b:s5+s9], $0x50, $0x38;
	[tilespmem:$0x1F400] =	vst v63  }
0x10a: {  	_ =	swait.ge @!p0 [sflag:s7], $0x50  }
0x10b: {  	[sflag:s7] =	ssyncset.done @!p0 $0x0  }
0x10c: {  	[sflag:s7] =	ssyncadd.s32 @!p0 $0xFFFFFFB0  }
0x10d: {  	[tilespmem:s26], [sflag:$0x3] =	stream.indirect.gather @!p0 [hbm4b:s1+s3], $0x80, s6, s3, $0xb8;
	[tilespmem:$0x1F400] =	vst v63  }
.Ltmp3:
0x10e: {  	_ = 	snop;
	(pc) =	sbr.rel @p0 .LBB2_6-.Ltmp3, $4  }
0x10f: {  	_ =	swait.ge [sflag:s16], $0x2800  }
0x110: {  	[sflag:s16] =	ssyncset.done $0x0  }
0x111: {  	[sflag:s16] =	ssyncadd.s32 $0xFFFFD800  }
0x112: {  	[spmem:s2] =	stream.indirect.scatter.add.f32 [tilespmem:s12], [sflag:$0x8], $0x80, s11, s30, $0xb8;
	[tilespmem:$0x1F400] =	vst v63  }
0x113: {  	_ =	swait.ge [sflag:s0], $0x2800  }
0x114: {  	[sflag:s0] =	ssyncset.done $0x0;
	s3 =	rddreg [dreg:$0x11]  }
0x115: {  	[sflag:s0] =	ssyncadd.s32 $0xFFFFD800;
	s3 =	sadd.s32 s17, s3  }
0x116: {  	[tilespmem:s10], [sflag:$0x9] =	stream.linear.gather [hbm4b:s3+s4], $0x50, $0x38;
	[tilespmem:$0x1F400] =	vst v63  }
0x117: {  	_ =	swait.ge [sflag:s28], $0x50  }
0x118: {  	[sflag:s28] =	ssyncset.done $0x0;
	s26 =	rddreg [dreg:$0x10]  }
0x119: {  	[sflag:s28] =	ssyncadd.s32 $0xFFFFFFB0;
	s3 =	sadd.s32 s17, s26  }
0x11a: {  	[tilespmem:s11], [sflag:$0x9] =	stream.linear.gather [hbm4b:s3+s4], $0x50, $0x38;
	[tilespmem:$0x1F400] =	vst v63  }
.Ltmp4:
0x11b: {  	_ = 	snop;
	(pc) =	sbr.rel .LBB2_4-.Ltmp4, $4  }
0x11c: {  	_ =	swait.ge [sflag:s28], $0x50  }
0x11d: {  	[sflag:s28] =	ssyncset.done $0x0  }
0x11e: {  	s18 =	sadd.s32 $0x140, s18;
	s17 =	sadd.s32 $0x28, s17;
	[sflag:s28] =	ssyncadd.s32 $0xFFFFFFB0  }
0x11f: {  	[tilespmem:s12], [sflag:$0x4] =	stream.indirect.gather [hbm4b:s1+s30], $0x80, s10, s30, $0xb8;
	[tilespmem:$0x1F400] =	vst v63  }
.LBB2_7:
0x120: {  	_ =	sfence.sel $0x180000  }
0x121: {  	[bflag:$0x0] =	sbarrier.arrive $0xFFFF  }
0x122: {  	_ =	strace $0x9000004A  }
0x123: {  	s0 =	stileid.u32;
	[bflag:$0x2] =	sbarrier.arrive $0xFFFF  }
0x124: {  	p0 =	sne.s32 s0, $0x0;
	s0 =	rddreg [dreg:$0x3]  }
0x125: {  	s0 =	sadd.s32 @!p0 $0x100000, s0  }
0x126: {  	[sflag:s0] =	ssyncadd.tile.s32 @!p0 $0x1;
	_ =	shalt  }
.Lfunc_end2:
_tile_overlayer_lowered:
.L_overlay_start_2:
0x127: {  	(tag) =	ssettag $0x2  }
0x128: {  	s0 =	rddreg [dreg:$0x0];
	s2 =	stileid.u32  }
0x129: {  	s1 =	rddreg [dreg:$0x1];
	p0 =	sne.s32 s2, $0x0  }
0x12a: {  	s3 =	rddreg [dreg:$0x2];
	[bflag:$0x3] =	sbarrier.arrive $0xFFFF;
	s2 =	simm.s32 @!p0 $0x1C09  }
0x12b: {  	[timem:s3], [sflag:s2] =	dma.local @!p0 [hbm:s0], s1  }
0x12c: {  	s0 =	simm.s32 @!p0 $0x9  }
0x12d: {  	_ =	swait.ge @!p0 [sflag:s0], s1  }
0x12e: {  	s1 =	ssub.s32 @!p0 $0x0, s1;
	[sflag:s0] =	ssyncset.done @!p0 $0x0  }
0x12f: {  	[sflag:s0] =	ssyncadd.s32 @!p0 s1  }
0x130: {  	[bflag:$0x3] =	sbarrier.arrive $0xFFFF  }
0x131: {  	_ =	shalt  }

// kernel: kernel.14.cloned.1.call-start
scs
__scs_entry_jumppad:
0x0: {  	(pc) =	sbr.rel $0x88, $3  }
0x1: {  	(tag) =	ssettag $0x0;
	lr =	simm.s32 $0x1  }
0x2: {  	[smem:$0x3F9B] =	sst lr;
	_ =	strace $0xD0000000  }
0x3: {  	_ = 	snop  }
0x4: {  	_ = 	snop  }
0x5: {  	_ = 	snop  }
0x6: {  	_ = 	snop  }
0x7: {  	_ = 	snop  }
__scs_overlays_trampoline_lowered:
0x8: {  	[smem:$0x3FAA] =	sst s0  }
0x9: {  	[smem:$0x3FAB] =	sst s1  }
0xa: {  	[smem:$0x3FAC] =	sst s2  }
0xb: {  	[smem:$0x3FAD] =	sst s3  }
0xc: {  	[smem:$0x3FAE] =	sst s4  }
0xd: {  	[smem:$0x3FAF] =	sst s5  }
0xe: {  	[smem:$0x3FB0] =	sst s6  }
0xf: {  	[smem:$0x3FB1] =	sst s7  }
0x10: {  	[smem:$0x3FB2] =	sst s8  }
0x11: {  	[smem:$0x3FB3] =	sst s9;
	s0 =	simm.s32 @!p0 $0x0  }
0x12: {  	s1 =	sld [smem:$0x3F99];
	s0 =	simm.s32 @p0 $0x1  }
0x13: {  	[smem:$0x3FB4] =	sst s0;
	s0 =	simm.s32 @!p1 $0x0  }
0x14: {  	s2 =	sld [smem:$0x3F98];
	s0 =	simm.s32 @p1 $0x1  }
0x15: {  	[smem:$0x3FB5] =	sst s0;
	s0 =	simm.s32 @!p2 $0x0  }
0x16: {  	s3 =	sld [smem:$0x3FDB];
	s0 =	simm.s32 @p2 $0x1  }
0x17: {  	s4 =	simm.s32 $0x1BF5;
	[smem:$0x3FB7] =	sst s0  }
0x18: {  	s0 =	sld [smem:$0x3F9A];
	_ =	swait.ge [sflag:s4], $0x0  }
0x19: {  	s7 =	sld [smem:$0x3F9B]  }
0x1a: {  	s8 =	sadd.s32 $0xFFFFE003, lr  }
0x1b: {  	s9 =	sadd.s32 $0xFFFFFEF7, lr;
	s5 =	simm.s32 $0xFFFFFFFF;
	p2 =	slt.u32 s8, $0xFFFFF086  }
0x1c: {  	p1 =	slt.u32 s9, $0xF7A;
	s5 =	simm.s32 @!p2 $0x0  }
0x1d: {  	s5 =	simm.s32 @p1 $0x1;
	p0 =	seq.s32 s7, s2  }
0x1e: {  	s7 =	smul.u32 @!p0 $0xF7A, s2;
	p2 =	seq.s32 @!p0 s5, $0x0  }
0x1f: {  	s9 =	smul.u32 $0xF7A, s1;
	s8 =	simm.s32 @!p0 $0x1BF5;
	p2 =	por !p2, p0  }
0x20: {  	[sflag:s8] =	ssyncset.s32 @!p0 $0xFFFFF086;
	s6 =	sadd.s32 @!p0 s3, s7;
	s7 =	simm.s32 @!p0 $0x108  }
0x21: {  	s3 =	sadd.s32 s3, s9;
	s6 =	sadd.s32 @!p0 $0x88, s6;
	s7 =	simm.s32 @p2 $0x1082  }
0x22: {  	[simem:s7], [sflag:s8] =	dma.local @!p0 [hbm:s6], $0xF7A  }
0x23: {  	s9 =	sor.u32 $0xD0000000, s2;
	s6 =	simm.s32 $0x108;
	_ =	swait.ge @!p0 [sflag:s8], $0x0  }
0x24: {  	s3 =	sadd.s32 $0x88, s3;
	s6 =	simm.s32 @!p1 $0x1082;
	[sflag:s4] =	ssyncset.s32 $0xFFFFF086  }
0x25: {  	[simem:s6], [sflag:s4] =	dma.local [hbm:s3], $0xF7A  }
0x26: {  	[smem:$0x3F9B] =	sst s1;
	(tag) =	ssettag s2;
	_ =	strace s9  }
0x27: {  	s1 =	sld [smem:$0x3FAB]  }
0x28: {  	s2 =	sld [smem:$0x3FAC]  }
0x29: {  	s4 =	sld [smem:$0x3FAE]  }
0x2a: {  	p0 =	seq.s32 s5, $0x0;
	s5 =	sld [smem:$0x3FAF]  }
0x2b: {  	s6 =	sld [smem:$0x3FB0]  }
0x2c: {  	s7 =	sld [smem:$0x3FB1]  }
0x2d: {  	s3 =	simm.s32 $0x108;
	s8 =	sld [smem:$0x3FB2]  }
0x2e: {  	s3 =	simm.s32 @!p0 $0x1082;
	s9 =	sld [smem:$0x3FB3]  }
0x2f: {  	lr =	sadd.s32 s0, s3;
	s0 =	sld [smem:$0x3FAA]  }
0x30: {  	s3 =	sld [smem:$0x3FAD]  }
0x31: {  	[smem:$0x3FB6] =	sst s10  }
0x32: {  	s10 =	sld [smem:$0x3FB4];
	_ =	sdelay $0x3  }
0x33: {  	p0 =	seq.s32 s10, $0x1;
	s10 =	sld [smem:$0x3FB6];
	_ =	sdelay $0x3  }
0x34: {  	[smem:$0x3FB6] =	sst s10  }
0x35: {  	s10 =	sld [smem:$0x3FB5];
	_ =	sdelay $0x3  }
0x36: {  	p1 =	seq.s32 s10, $0x1;
	s10 =	sld [smem:$0x3FB6];
	_ =	sdelay $0x3  }
0x37: {  	[smem:$0x3FB6] =	sst s10  }
0x38: {  	s10 =	sld [smem:$0x3FB7]  }
0x39: {  	_ = 	snop;
	(pc) =	sbr.ind lr, $3  }
0x3a: {  	_ = 	snop  }
0x3b: {  	_ = 	snop  }
0x3c: {  	p2 =	seq.s32 s10, $0x1;
	s10 =	sld [smem:$0x3FB6]  }
0x3d: {  	_ =	shalt  }
0x3e: {  	_ =	shalt  }
0x3f: {  	_ =	shalt  }
0x40: {  	_ =	shalt  }
0x41: {  	_ =	shalt  }
0x42: {  	_ =	shalt  }
0x43: {  	_ =	shalt  }
0x44: {  	_ =	shalt  }
0x45: {  	_ =	shalt  }
0x46: {  	_ =	shalt  }
0x47: {  	_ =	shalt  }
0x48: {  	_ =	shalt  }
0x49: {  	_ =	shalt  }
0x4a: {  	_ =	shalt  }
0x4b: {  	_ =	shalt  }
0x4c: {  	_ =	shalt  }
0x4d: {  	_ =	shalt  }
0x4e: {  	_ =	shalt  }
0x4f: {  	_ =	shalt  }
0x50: {  	_ =	shalt  }
0x51: {  	_ =	shalt  }
0x52: {  	_ =	shalt  }
0x53: {  	_ =	shalt  }
0x54: {  	_ =	shalt  }
0x55: {  	_ =	shalt  }
0x56: {  	_ =	shalt  }
0x57: {  	_ =	shalt  }
0x58: {  	_ =	shalt  }
0x59: {  	_ =	shalt  }
0x5a: {  	_ =	shalt  }
0x5b: {  	_ =	shalt  }
0x5c: {  	_ =	shalt  }
0x5d: {  	_ =	shalt  }
0x5e: {  	_ =	shalt  }
0x5f: {  	_ =	shalt  }
0x60: {  	_ =	shalt  }
0x61: {  	_ =	shalt  }
0x62: {  	_ =	shalt  }
0x63: {  	_ =	shalt  }
0x64: {  	_ =	shalt  }
0x65: {  	_ =	shalt  }
0x66: {  	_ =	shalt  }
0x67: {  	_ =	shalt  }
0x68: {  	_ =	shalt  }
0x69: {  	_ =	shalt  }
0x6a: {  	_ =	shalt  }
0x6b: {  	_ =	shalt  }
0x6c: {  	_ =	shalt  }
0x6d: {  	_ =	shalt  }
0x6e: {  	_ =	shalt  }
0x6f: {  	_ =	shalt  }
0x70: {  	_ =	shalt  }
0x71: {  	_ =	shalt  }
0x72: {  	_ =	shalt  }
0x73: {  	_ =	shalt  }
0x74: {  	_ =	shalt  }
0x75: {  	_ =	shalt  }
0x76: {  	_ =	shalt  }
0x77: {  	_ =	shalt  }
0x78: {  	_ =	shalt  }
0x79: {  	_ =	shalt  }
0x7a: {  	_ =	shalt  }
0x7b: {  	_ =	shalt  }
0x7c: {  	_ =	shalt  }
0x7d: {  	_ =	shalt  }
0x7e: {  	_ =	shalt  }
0x7f: {  	_ =	shalt  }
0x80: {  	_ =	shalt  }
0x81: {  	_ =	shalt  }
0x82: {  	_ =	shalt  }
0x83: {  	_ =	shalt  }
0x84: {  	_ =	shalt  }
0x85: {  	_ =	shalt  }
0x86: {  	_ =	shalt  }
0x87: {  	_ =	shalt  }
.Lfunc_end0:
.L_simem_size_0:
called_computation.2_lowered:
.L_overlay_start_0:
0x88: {  	s2 =	sld [smem:$0x3FD9]  }
0x89: {  	s3 =	sld [smem:$0x3FFE];
	_ =	sdelay $0x1  }
0x8a: {  	s1 =	srdreg.scid  }
0x8b: {  	s0 =	sand.u32 $0x1, s1  }
0x8c: {  	s17 =	sshll.u32 s0, $0xA;
	s2 =	sadd.s32 s3, s2  }
0x8d: {  	s2 =	sadd.s32 s2, s17  }
0x8e: {  	[smem:$0x3FC2] =	sst s2  }
0x8f: {  	_ = 	snop  }
0x90: {  	s2 =	sld [smem:$0x3FD0];
	(tm) =	ssettm $0x1  }
0x91: {  	s18 =	sld [smem:$0x3FFB];
	_ =	sdelay $0x3  }
0x92: {  	_ =	strace s18  }
0x93: {  	s3 =	sld [smem:$0x3FFC];
	_ =	sdelay $0x3  }
0x94: {  	_ =	strace s3  }
0x95: {  	s3 =	sld [smem:$0x3FFD];
	_ =	sdelay $0x3  }
0x96: {  	_ =	strace s3  }
0x97: {  	_ =	strace $0x8FFFFFFF  }
0x98: {  	s19 =	sld [smem:$0x3FDB];
	_ =	sdelay $0x1  }
0x99: {  	s4 =	simm.s32 $_scs_section_size  }
0x9a: {  	s5 =	simm.s32 $_size__tile_overlayer_lowered;
	s6 =	simm.s32 $_tile_overlayer_lowered  }
0x9b: {  	s22 =	simm.s32 $0x1BFF;
	s21 =	sshll.u32 s6, $0x1;
	s3 =	sadd.s32 s4, s19  }
0x9c: {  	s7 =	simm.s32 $0x0;
	s20 =	sshll.u32 s5, $0x1;
	s5 =	sadd.s32 s21, s3  }
0x9d: {  	[timem:s7], [sflag:s22] =	dma.local [hbm:s5], s20  }
0x9e: {  	_ =	swait.ge [sflag:s22], s20  }
0x9f: {  	s4 =	ssub.s32 $0x0, s20;
	[sflag:s22] =	ssyncset.done $0x0  }
0xa0: {  	[sflag:s22] =	ssyncadd.s32 s4;
	_ =	sdelay $0x1  }
0xa1: {  	s23 =	simm.s32 $0x1B8B  }
0xa2: {  	_ =	swait.ge [sflag:s23], $0x1  }
0xa3: {  	[sflag:s23] =	ssyncset.done $0x0  }
0xa4: {  	s25 =	simm.s32 $0x1B8E;
	s24 =	sld [smem:$0x3FFE];
	[sflag:s23] =	ssyncadd.s32 $0xFFFFFFFF  }
0xa5: {  	s26 =	simm.s32 $execute0_lowered;
	[smem:$0x3FD2] =	sst s25  }
0xa6: {  	s5 =	sshll.u32 s26, $0x1;
	_ =	strace $0x8000004C;
	[dreg:$0x1] =	wrdreg $0xFFFFFFFF  }
0xa7: {  	s28 =	simm.s32 $_size_execute0_lowered;
	s3 =	sadd.s32 s3, s5;
	[dreg:$0x0] =	wrdreg $0x0  }
0xa8: {  	s5 =	sshll.u32 s28, $0x1;
	[dreg:$0x2] =	wrdreg s3  }
0xa9: {  	[dreg:$0x3] =	wrdreg s5  }
0xaa: {  	[dreg:$0x4] =	wrdreg $0xC0  }
0xab: {  	_ =	task [dreg:s7], $0x5FFFF  }
0xac: {  	[dreg:$0x1] =	wrdreg $0xFFFFFFFF  }
0xad: {  	[dreg:$0x0] =	wrdreg $0x60  }
0xae: {  	[dreg:$0x2] =	wrdreg s2  }
0xaf: {  	[dreg:$0x3] =	wrdreg s24  }
0xb0: {  	[dreg:$0x4] =	wrdreg $0x0  }
0xb1: {  	[dreg:$0x5] =	wrdreg $0x9  }
0xb2: {  	_ =	task.clear_ibuf [dreg:s7], $0x6FFFF;
	_ =	strace $0x9000004C  }
0xb3: {  	s29 =	simm.s32 $0x9;
	_ =	strace $0x8000004E  }
0xb4: {  	_ =	swait.ge [sflag:s29], $0x1  }
0xb5: {  	[sflag:s29] =	ssyncadd.s32 $0xFFFFFFFF  }
0xb6: {  	_ =	strace $0x9000004E  }
0xb7: {  	_ =	sfence  }
0xb8: {  	s30 =	sld [smem:$0x0];
	_ =	sdelay $0x2  }
0xb9: {  	s31 =	sshll.u32 s1, $0xD;
	s1 =	sshrl.u32 s1, $0x2  }
0xba: {  	s3 =	sand.u32 $0x4000, s31;
	s1 =	sadd.s32 s1, s30  }
0xbb: {  	s0 =	sor.u32 s3, s0;
	s1 =	sshll.u32 s1, $0x11  }
0xbc: {  	s0 =	sor.u32 s1, s0  }
0xbd: {  	s0 =	sadd.s32 $0x8F2B, s0  }
0xbe: {  	[sflag:s0] =	ssyncadd.remote.s32 $0x1  }
0xbf: {  	_ =	sfence.sel $0xFFFF  }
0xc0: {  	[dreg:$0x0] =	wrdreg $0xFFFFFFFF;
	(pc) =	sbr.abs _section_cstart, $3  }
0xc1: {  	[dreg:$0x1] =	wrdreg $0xFFFFFFFF  }
0xc2: {  	_ =	task.clear_ibuf [dreg:s7], $0x2FFFF;
	_ =	strace $0x9FFFFFFF  }
0xc3: {  	(tm) =	ssettm $0x7FFFFFFF  }
tec
execute0_lowered:
.L_overlay_start_1:
0x0: {  	(tag) =	ssettag $0x1  }
0x1: {  	s1 =	rddreg [dreg:$0x0]  }
0x2: {  	s0 =	rddreg [dreg:$0x1];
	s5 =	stileid.u32  }
0x3: {  	s2 =	rddreg [dreg:$0x2];
	s7 =	smul.u32 $0x14000, s5  }
0x4: {  	s3 =	srdreg.scid;
	s4 =	simm.s32 $0x0;
	s15 =	smul.u32 $0x50000, s5  }
0x5: {  	s3 =	sand.u32 $0x1, s3;
	[smem:$0x7FF] =	sst s4;
	s22 =	smul.u32 $0x2710, s5  }
0x6: {  	s12 =	sadd.s32 $0xBC00, s0;
	s6 =	smul.u32 $0x140000, s3;
	s8 =	sshll.u32 s3, $0x4  }
0x7: {  	s10 =	ssub.s32 $0x2, s3;
	s3 =	smul.u32 $0x27100, s3;
	s14 =	sor.u32 s5, s8  }
0x8: {  	_ =	strace $0x8000004D;
	s6 =	sadd.s32 s7, s6;
	s7 =	smul.u32 $0x2710, s14  }
0x9: {  	s16 =	sshrl.u32 s10, $0x1;
	s8 =	sshrl.u32 s15, $0x2;
	s3 =	sadd.s32 s22, s3  }
0xa: {  	s9 =	sshrl.u32 s6, $0x3;
	s17 =	sshrl.u32 s7, $0x3;
	s7 =	sadd.s32 s8, s2  }
0xb: {  	s6 =	sadd.s32 $0x1E00, s0;
	s18 =	sadd.s32 s12, s17;
	[dreg:$0x4] =	wrdreg s7  }
0xc: {  	s0 =	sadd.s32 s9, s0;
	s11 =	sadd.s32 s6, s17;
	[dreg:$0x5] =	wrdreg s18  }
0xd: {  	s9 =	ssub.s32 s10, s16;
	s0 =	sadd.s32 $0x15A00, s0;
	[dreg:$0x6] =	wrdreg s11  }
0xe: {  	s16 =	sadd.s32 $0x190, s3;
	s10 =	smax.u32 s9, $0x1;
	[dreg:$0xd] =	wrdreg s0  }
0xf: {  	s19 =	sadd.s32 $0xA, s17;
	s13 =	sadd.s32 $0x1000, s7;
	[dreg:$0xe] =	wrdreg s10  }
0x10: {  	s21 =	sadd.s32 $0x14, s17;
	s5 =	sadd.s32 $0x5000, s7;
	[dreg:$0xf] =	wrdreg s13  }
0x11: {  	s25 =	sadd.s32 $0x1E, s17;
	s9 =	sadd.s32 $0x8000, s7;
	[dreg:$0x16] =	wrdreg s5  }
0x12: {  	s17 =	sshrl.u32 s16, $0x3;
	s16 =	sadd.s32 $0xF000, s7;
	[dreg:$0x19] =	wrdreg s9  }
0x13: {  	s20 =	sadd.s32 s12, s19;
	[smem:$0x7F9] =	sst s16  }
0x14: {  	s28 =	simm.s32 $0x9;
	s8 =	sadd.s32 s6, s19;
	[dreg:$0x7] =	wrdreg s20  }
0x15: {  	s29 =	simm.s32 $0x1E000;
	s23 =	sadd.s32 s12, s21;
	[dreg:$0x8] =	wrdreg s8  }
0x16: {  	s30 =	simm.s32 $0x50;
	s24 =	sadd.s32 s6, s21;
	[dreg:$0x9] =	wrdreg s23  }
0x17: {  	s31 =	simm.s32 $0x14000;
	s26 =	sadd.s32 s12, s25;
	[dreg:$0xa] =	wrdreg s24  }
0x18: {  	s14 =	sadd.s32 $0x1E0, s3;
	s18 =	sadd.s32 $0x140, s3;
	[dreg:$0xb] =	wrdreg s26  }
0x19: {  	s11 =	sadd.s32 $0x230, s3;
	s3 =	sadd.s32 $0x4000, s7;
	[dreg:$0x12] =	wrdreg s18  }
0x1a: {  	s19 =	smov.u32 s12;
	s10 =	sadd.s32 $0x9000, s7;
	[dreg:$0x15] =	wrdreg s3  }
0x1b: {  	s13 =	sadd.s32 $0xC000, s7;
	s16 =	simm.s32 $0x4;
	[dreg:$0x1a] =	wrdreg s10  }
0x1c: {  	s5 =	simm.s32 $0x0;
	s8 =	sadd.s32 s6, s25;
	[dreg:$0x1d] =	wrdreg s13  }
0x1d: {  	s0 =	sshrl.u32 s11, $0x3;
	s25 =	sadd.s32 $0x2000, s7;
	[dreg:$0xc] =	wrdreg s8  }
0x1e: {  	s20 =	smov.u32 s6;
	s26 =	sadd.s32 $0x3000, s7;
	[dreg:$0x13] =	wrdreg s25  }
0x1f: {  	s23 =	sadd.s32 s17, s6;
	s11 =	sadd.s32 $0xA000, s7;
	[dreg:$0x14] =	wrdreg s26  }
0x20: {  	s24 =	sadd.s32 s17, s12;
	s17 =	sadd.s32 $0x10000, s7;
	[dreg:$0x1b] =	wrdreg s11  }
0x21: {  	s18 =	sadd.s32 $0x11000, s7;
	s10 =	simm.s32 $0x1E180;
	[smem:$0x7FA] =	sst s17  }
0x22: {  	s13 =	simm.s32 $0x1;
	s15 =	sadd.s32 s0, s6;
	[smem:$0x7FB] =	sst s18  }
0x23: {  	s8 =	sshrl.u32 s14, $0x3;
	s0 =	sadd.s32 s0, s12;
	[dreg:$0x10] =	wrdreg s15  }
0x24: {  	s14 =	sadd.s32 $0xD000, s7;
	s25 =	sadd.s32 $0x12000, s7;
	[dreg:$0x11] =	wrdreg s0  }
0x25: {  	s26 =	sadd.s32 $0x13000, s7;
	s11 =	simm.s32 $0x1E380;
	[dreg:$0x1e] =	wrdreg s14  }
0x26: {  	s21 =	sadd.s32 s8, s6;
	s22 =	sadd.s32 s8, s12;
	[smem:$0x7FC] =	sst s25  }
.Ltmp0:
0x27: {  	s6 =	sadd.s32 $0x6000, s7;
	[smem:$0x7FD] =	sst s26;
	(pc) =	sbr.rel .LBB2_1-.Ltmp0, $4  }
0x28: {  	s8 =	sadd.s32 $0x7000, s7;
	s12 =	sadd.s32 $0xB000, s7;
	[dreg:$0x17] =	wrdreg s6  }
0x29: {  	s15 =	sadd.s32 $0xE000, s7;
	s25 =	simm.s32 $0x1E200;
	[dreg:$0x18] =	wrdreg s8  }
0x2a: {  	s14 =	simm.s32 $0x5;
	s0 =	simm.s32 $0x8;
	[dreg:$0x1c] =	wrdreg s12  }
0x2b: {  	v0 =	vimm.f32 $0.0e+00;
	[dreg:$0x1f] =	wrdreg s15;
	s12 =	simm.s32 $0x1B800;
	s15 =	simm.s32 $0x2  }
.LBB2_6:
0x2c: {  	_ =	swait.ge [sflag:s13], $0x2800  }
0x2d: {  	[sflag:s13] =	ssyncset.done $0x0  }
0x2e: {  	[sflag:s13] =	ssyncadd.s32 $0xFFFFD800  }
0x2f: {  	[spmem:s2] =	stream.indirect.scatter.add.f32 [tilespmem:s31], [sflag:$0x5], $0x80, s25, s30, $0xb8;
	[tilespmem:$0x1F400] =	vst v63  }
0x30: {  	_ =	swait.ge [sflag:s14], $0x2800  }
0x31: {  	[sflag:s14] =	ssyncset.done $0x0  }
0x32: {  	s3 =	simm.s32 $0x6;
	[sflag:s14] =	ssyncadd.s32 $0xFFFFD800  }
0x33: {  	_ =	swait.ge [sflag:s3], $0x2800  }
0x34: {  	[sflag:s3] =	ssyncset.done $0x0  }
0x35: {  	s9 =	simm.s32 $0x7;
	[sflag:s3] =	ssyncadd.s32 $0xFFFFD800  }
0x36: {  	_ =	swait.ge [sflag:s9], $0x2800  }
0x37: {  	[sflag:s9] =	ssyncset.done $0x0  }
0x38: {  	[sflag:s9] =	ssyncadd.s32 $0xFFFFD800  }
0x39: {  	_ =	swait.ge [sflag:s0], $0x2800  }
0x3a: {  	[sflag:s0] =	ssyncset.done $0x0  }
0x3b: {  	[sflag:s0] =	ssyncadd.s32 $0xFFFFD800  }
0x3c: {  	s17 =	stileid.u32;
	[bflag:$0x0] =	sbarrier.arrive $0xFFFF  }
0x3d: {  	s3 =	sshll.u32 s17, $0x6;
	s7 =	rddreg [dreg:$0x4]  }
0x3e: {  	s3 =	sor.u32 $0x1C09, s3;
	s6 =	rddreg [dreg:$0xd];
	s5 =	sshrl.u32 s7, $0x3  }
0x3f: {  	[hbm:s6], [sflag:s3] =	dma.local [spmem:s5], $0x2800  }
0x40: {  	_ =	swait.ge [sflag:s28], $0x2800  }
0x41: {  	s18 =	sld [smem:$0x7F8];
	_ =	sdelay $0x2  }
0x42: {  	s26 =	rddreg [dreg:$0xe];
	s5 =	sadd.s32 $0x1, s18  }
0x43: {  	p0 =	sne.s32 s5, s26  }
.Ltmp1:
0x44: {  	_ = 	snop;
	(pc) =	sbr.rel @!p0 .LBB2_7-.Ltmp1, $3  }
0x45: {  	_ =	sdelay $0x1  }
0x46: {  	[sflag:s28] =	ssyncset.done $0x0  }
0x47: {  	[sflag:s28] =	ssyncadd.s32 $0xFFFFD800  }
.LBB2_1:
0x48: {  	[smem:$0x7F8] =	sst s5;
	s17 =	simm.s32 $0x0;
	s18 =	simm.s32 $0x200  }
.LBB2_2:
0x49: {  	p0 =	sne.s32 s18, $0x3E00;
	[tilespmem:s17+$0x1E470] =	vst v0  }
0x4a: {  	[tilespmem:s17+$0x1E400] =	vst v0  }
0x4b: {  	[tilespmem:s17+$0x1E410] =	vst v0  }
.Ltmp2:
0x4c: {  	[tilespmem:s17+$0x1E420] =	vst v0;
	(pc) =	sbr.rel @p0 .LBB2_2-.Ltmp2, $4  }
0x4d: {  	[tilespmem:s17+$0x1E430] =	vst v0  }
0x4e: {  	[tilespmem:s17+$0x1E440] =	vst v0  }
0x4f: {  	[tilespmem:s17+$0x1E450] =	vst v0  }
0x50: {  	[tilespmem:s17+$0x1E460] =	vst v0;
	s17 =	sshra.s32 s18, $0x2;
	s18 =	sadd.s32 $0x200, s18  }
0x51: {  	[tilespmem:s17+$0x1E470] =	vst v0  }
0x52: {  	[tilespmem:s17+$0x1E400] =	vst v0  }
0x53: {  	[tilespmem:s17+$0x1E410] =	vst v0  }
0x54: {  	[tilespmem:s17+$0x1E420] =	vst v0  }
0x55: {  	[tilespmem:s17+$0x1E430] =	vst v0  }
0x56: {  	[tilespmem:s17+$0x1E440] =	vst v0  }
0x57: {  	[tilespmem:s17+$0x1E450] =	vst v0  }
0x58: {  	[tilespmem:s17+$0x1E460] =	vst v0;
	s5 =	simm.s32 $0x1E400  }
0x59: {  	[spmem:s7] =	stream.linear.scatter [tilespmem:s5], [sflag:$0x9], $0x1000, $0x38;
	[tilespmem:$0x1F400] =	vst v63  }
0x5a: {  	_ =	swait.ge [sflag:s28], $0x1000  }
0x5b: {  	[sflag:s28] =	ssyncset.done $0x0  }
0x5c: {  	s3 =	rddreg [dreg:$0xf];
	[sflag:s28] =	ssyncadd.s32 $0xFFFFF000  }
0x5d: {  	[spmem:s3] =	stream.linear.scatter [tilespmem:s5], [sflag:$0x9], $0x1000, $0x38;
	[tilespmem:$0x1F400] =	vst v63  }
0x5e: {  	_ =	swait.ge [sflag:s28], $0x1000  }
0x5f: {  	[sflag:s28] =	ssyncset.done $0x0  }
0x60: {  	s8 =	rddreg [dreg:$0x13];
	[sflag:s28] =	ssyncadd.s32 $0xFFFFF000  }
0x61: {  	[spmem:s8] =	stream.linear.scatter [tilespmem:s5], [sflag:$0x9], $0x1000, $0x38;
	[tilespmem:$0x1F400] =	vst v63  }
0x62: {  	_ =	swait.ge [sflag:s28], $0x1000  }
0x63: {  	[sflag:s28] =	ssyncset.done $0x0  }
0x64: {  	s9 =	rddreg [dreg:$0x14];
	[sflag:s28] =	ssyncadd.s32 $0xFFFFF000  }
0x65: {  	[spmem:s9] =	stream.linear.scatter [tilespmem:s5], [sflag:$0x9], $0x1000, $0x38;
	[tilespmem:$0x1F400] =	vst v63  }
0x66: {  	_ =	swait.ge [sflag:s28], $0x1000  }
0x67: {  	[sflag:s28] =	ssyncset.done $0x0  }
0x68: {  	s17 =	rddreg [dreg:$0x15];
	[sflag:s28] =	ssyncadd.s32 $0xFFFFF000  }
0x69: {  	[spmem:s17] =	stream.linear.scatter [tilespmem:s5], [sflag:$0x9], $0x1000, $0x38;
	[tilespmem:$0x1F400] =	vst v63  }
0x6a: {  	_ =	swait.ge [sflag:s28], $0x1000  }
0x6b: {  	[sflag:s28] =	ssyncset.done $0x0  }
0x6c: {  	s18 =	rddreg [dreg:$0x16];
	[sflag:s28] =	ssyncadd.s32 $0xFFFFF000  }
0x6d: {  	[spmem:s18] =	stream.linear.scatter [tilespmem:s5], [sflag:$0x9], $0x1000, $0x38;
	[tilespmem:$0x1F400] =	vst v63  }
0x6e: {  	_ =	swait.ge [sflag:s28], $0x1000  }
0x6f: {  	[sflag:s28] =	ssyncset.done $0x0  }
0x70: {  	s26 =	rddreg [dreg:$0x17];
	[sflag:s28] =	ssyncadd.s32 $0xFFFFF000  }
0x71: {  	[spmem:s26] =	stream.linear.scatter [tilespmem:s5], [sflag:$0x9], $0x1000, $0x38;
	[tilespmem:$0x1F400] =	vst v63  }
0x72: {  	_ =	swait.ge [sflag:s28], $0x1000  }
0x73: {  	[sflag:s28] =	ssyncset.done $0x0  }
0x74: {  	s6 =	rddreg [dreg:$0x18];
	[sflag:s28] =	ssyncadd.s32 $0xFFFFF000  }
0x75: {  	[spmem:s6] =	stream.linear.scatter [tilespmem:s5], [sflag:$0x9], $0x1000, $0x38;
	[tilespmem:$0x1F400] =	vst v63  }
0x76: {  	_ =	swait.ge [sflag:s28], $0x1000  }
0x77: {  	[sflag:s28] =	ssyncset.done $0x0  }
0x78: {  	s7 =	rddreg [dreg:$0x19];
	[sflag:s28] =	ssyncadd.s32 $0xFFFFF000  }
0x79: {  	[spmem:s7] =	stream.linear.scatter [tilespmem:s5], [sflag:$0x9], $0x1000, $0x38;
	[tilespmem:$0x1F400] =	vst v63  }
0x7a: {  	_ =	swait.ge [sflag:s28], $0x1000  }
0x7b: {  	[sflag:s28] =	ssyncset.done $0x0  }
0x7c: {  	s8 =	rddreg [dreg:$0x1a];
	[sflag:s28] =	ssyncadd.s32 $0xFFFFF000  }
0x7d: {  	[spmem:s8] =	stream.linear.scatter [tilespmem:s5], [sflag:$0x9], $0x1000, $0x38;
	[tilespmem:$0x1F400] =	vst v63  }
0x7e: {  	_ =	swait.ge [sflag:s28], $0x1000  }
0x7f: {  	[sflag:s28] =	ssyncset.done $0x0  }
0x80: {  	s9 =	rddreg [dreg:$0x1b];
	[sflag:s28] =	ssyncadd.s32 $0xFFFFF000  }
0x81: {  	[spmem:s9] =	stream.linear.scatter [tilespmem:s5], [sflag:$0x9], $0x1000, $0x38;
	[tilespmem:$0x1F400] =	vst v63  }
0x82: {  	_ =	swait.ge [sflag:s28], $0x1000  }
0x83: {  	[sflag:s28] =	ssyncset.done $0x0  }
0x84: {  	s17 =	rddreg [dreg:$0x1c];
	[sflag:s28] =	ssyncadd.s32 $0xFFFFF000  }
0x85: {  	[spmem:s17] =	stream.linear.scatter [tilespmem:s5], [sflag:$0x9], $0x1000, $0x38;
	[tilespmem:$0x1F400] =	vst v63  }
0x86: {  	_ =	swait.ge [sflag:s28], $0x1000  }
0x87: {  	[sflag:s28] =	ssyncset.done $0x0  }
0x88: {  	s18 =	rddreg [dreg:$0x1d];
	[sflag:s28] =	ssyncadd.s32 $0xFFFFF000  }
0x89: {  	[spmem:s18] =	stream.linear.scatter [tilespmem:s5], [sflag:$0x9], $0x1000, $0x38;
	[tilespmem:$0x1F400] =	vst v63  }
0x8a: {  	_ =	swait.ge [sflag:s28], $0x1000  }
0x8b: {  	[sflag:s28] =	ssyncset.done $0x0  }
0x8c: {  	s26 =	rddreg [dreg:$0x1e];
	[sflag:s28] =	ssyncadd.s32 $0xFFFFF000  }
0x8d: {  	[spmem:s26] =	stream.linear.scatter [tilespmem:s5], [sflag:$0x9], $0x1000, $0x38;
	[tilespmem:$0x1F400] =	vst v63  }
0x8e: {  	_ =	swait.ge [sflag:s28], $0x1000  }
0x8f: {  	[sflag:s28] =	ssyncset.done $0x0  }
0x90: {  	s6 =	rddreg [dreg:$0x1f];
	[sflag:s28] =	ssyncadd.s32 $0xFFFFF000  }
0x91: {  	[spmem:s6] =	stream.linear.scatter [tilespmem:s5], [sflag:$0x9], $0x1000, $0x38;
	[tilespmem:$0x1F400] =	vst v63  }
0x92: {  	_ =	swait.ge [sflag:s28], $0x1000  }
0x93: {  	s7 =	sld [smem:$0x7F9]  }
0x94: {  	[sflag:s28] =	ssyncset.done $0x0  }
0x95: {  	[sflag:s28] =	ssyncadd.s32 $0xFFFFF000  }
0x96: {  	[spmem:s7] =	stream.linear.scatter [tilespmem:s5], [sflag:$0x9], $0x1000, $0x38;
	[tilespmem:$0x1F400] =	vst v63  }
0x97: {  	_ =	swait.ge [sflag:s28], $0x1000  }
0x98: {  	s8 =	sld [smem:$0x7FA]  }
0x99: {  	[sflag:s28] =	ssyncset.done $0x0  }
0x9a: {  	[sflag:s28] =	ssyncadd.s32 $0xFFFFF000  }
0x9b: {  	[spmem:s8] =	stream.linear.scatter [tilespmem:s5], [sflag:$0x9], $0x1000, $0x38;
	[tilespmem:$0x1F400] =	vst v63  }
0x9c: {  	_ =	swait.ge [sflag:s28], $0x1000  }
0x9d: {  	s9 =	sld [smem:$0x7FB]  }
0x9e: {  	[sflag:s28] =	ssyncset.done $0x0  }
0x9f: {  	[sflag:s28] =	ssyncadd.s32 $0xFFFFF000  }
0xa0: {  	[spmem:s9] =	stream.linear.scatter [tilespmem:s5], [sflag:$0x9], $0x1000, $0x38;
	[tilespmem:$0x1F400] =	vst v63  }
0xa1: {  	_ =	swait.ge [sflag:s28], $0x1000  }
0xa2: {  	s17 =	sld [smem:$0x7FC]  }
0xa3: {  	[sflag:s28] =	ssyncset.done $0x0  }
0xa4: {  	[sflag:s28] =	ssyncadd.s32 $0xFFFFF000  }
0xa5: {  	[spmem:s17] =	stream.linear.scatter [tilespmem:s5], [sflag:$0x9], $0x1000, $0x38;
	[tilespmem:$0x1F400] =	vst v63  }
0xa6: {  	_ =	swait.ge [sflag:s28], $0x1000  }
0xa7: {  	s18 =	sld [smem:$0x7FD]  }
0xa8: {  	[sflag:s28] =	ssyncset.done $0x0  }
0xa9: {  	[sflag:s28] =	ssyncadd.s32 $0xFFFFF000  }
0xaa: {  	[spmem:s18] =	stream.linear.scatter [tilespmem:s5], [sflag:$0x9], $0x1000, $0x38;
	[tilespmem:$0x1F400] =	vst v63  }
0xab: {  	_ =	swait.ge [sflag:s28], $0x1000  }
0xac: {  	[sflag:s28] =	ssyncset.done $0x0  }
0xad: {  	[sflag:s28] =	ssyncadd.s32 $0xFFFFF000  }
0xae: {  	[bflag:$0x0] =	sbarrier.arrive $0xFFFF  }
0xaf: {  	s17 =	simm.s32 $0x0;
	s26 =	rddreg [dreg:$0x5]  }
0xb0: {  	[tilespmem:s29], [sflag:$0x9] =	stream.linear.gather [hbm4b:s26+s17], $0x50, $0x38;
	[tilespmem:$0x1F400] =	vst v63  }
0xb1: {  	_ =	swait.ge [sflag:s28], $0x50  }
0xb2: {  	[sflag:s28] =	ssyncset.done $0x0  }
0xb3: {  	s5 =	rddreg [dreg:$0x6];
	[sflag:s28] =	ssyncadd.s32 $0xFFFFFFB0  }
0xb4: {  	[tilespmem:s25], [sflag:$0x9] =	stream.linear.gather [hbm4b:s5+s17], $0x50, $0x38;
	[tilespmem:$0x1F400] =	vst v63  }
0xb5: {  	_ =	swait.ge [sflag:s28], $0x50  }
0xb6: {  	[sflag:s28] =	ssyncset.done $0x0  }
0xb7: {  	[sflag:s28] =	ssyncadd.s32 $0xFFFFFFB0  }
0xb8: {  	[tilespmem:s31], [sflag:$0x1] =	stream.indirect.gather [hbm4b:s1+s30], $0x80, s29, s30, $0xb8;
	[tilespmem:$0x1F400] =	vst v63  }
0xb9: {  	s7 =	simm.s32 $0x1E080;
	s6 =	rddreg [dreg:$0x7]  }
0xba: {  	[tilespmem:s7], [sflag:$0x9] =	stream.linear.gather [hbm4b:s6+s17], $0x50, $0x38;
	[tilespmem:$0x1F400] =	vst v63  }
0xbb: {  	_ =	swait.ge [sflag:s28], $0x50  }
0xbc: {  	[sflag:s28] =	ssyncset.done $0x0  }
0xbd: {  	s6 =	simm.s32 $0x1E280;
	s8 =	rddreg [dreg:$0x8];
	[sflag:s28] =	ssyncadd.s32 $0xFFFFFFB0  }
0xbe: {  	[tilespmem:s6], [sflag:$0x9] =	stream.linear.gather [hbm4b:s8+s17], $0x50, $0x38;
	[tilespmem:$0x1F400] =	vst v63  }
0xbf: {  	_ =	swait.ge [sflag:s28], $0x50  }
0xc0: {  	[sflag:s28] =	ssyncset.done $0x0  }
0xc1: {  	s9 =	simm.s32 $0x16800;
	[sflag:s28] =	ssyncadd.s32 $0xFFFFFFB0  }
0xc2: {  	[tilespmem:s9], [sflag:$0x2] =	stream.indirect.gather [hbm4b:s1+s30], $0x80, s7, s30, $0xb8;
	[tilespmem:$0x1F400] =	vst v63  }
0xc3: {  	s26 =	simm.s32 $0x1E100;
	s18 =	rddreg [dreg:$0x9]  }
0xc4: {  	[tilespmem:s26], [sflag:$0x9] =	stream.linear.gather [hbm4b:s18+s17], $0x50, $0x38;
	[tilespmem:$0x1F400] =	vst v63  }
0xc5: {  	_ =	swait.ge [sflag:s28], $0x50  }
0xc6: {  	[sflag:s28] =	ssyncset.done $0x0  }
0xc7: {  	s8 =	simm.s32 $0x1E300;
	s7 =	rddreg [dreg:$0xa];
	[sflag:s28] =	ssyncadd.s32 $0xFFFFFFB0  }
0xc8: {  	[tilespmem:s8], [sflag:$0x9] =	stream.linear.gather [hbm4b:s7+s17], $0x50, $0x38;
	[tilespmem:$0x1F400] =	vst v63  }
0xc9: {  	_ =	swait.ge [sflag:s28], $0x50  }
0xca: {  	[sflag:s28] =	ssyncset.done $0x0  }
0xcb: {  	s9 =	simm.s32 $0x19000;
	[sflag:s28] =	ssyncadd.s32 $0xFFFFFFB0  }
0xcc: {  	[tilespmem:s9], [sflag:$0x3] =	stream.indirect.gather [hbm4b:s1+s30], $0x80, s26, s30, $0xb8;
	[tilespmem:$0x1F400] =	vst v63  }
0xcd: {  	s18 =	rddreg [dreg:$0xb]  }
0xce: {  	[tilespmem:s10], [sflag:$0x9] =	stream.linear.gather [hbm4b:s18+s17], $0x50, $0x38;
	[tilespmem:$0x1F400] =	vst v63  }
0xcf: {  	_ =	swait.ge [sflag:s28], $0x50  }
0xd0: {  	[sflag:s28] =	ssyncset.done $0x0  }
0xd1: {  	s26 =	rddreg [dreg:$0xc];
	[sflag:s28] =	ssyncadd.s32 $0xFFFFFFB0  }
0xd2: {  	[tilespmem:s11], [sflag:$0x9] =	stream.linear.gather [hbm4b:s26+s17], $0x50, $0x38;
	[tilespmem:$0x1F400] =	vst v63  }
0xd3: {  	_ =	swait.ge [sflag:s28], $0x50  }
0xd4: {  	[sflag:s28] =	ssyncset.done $0x0  }
0xd5: {  	s18 =	rddreg [dreg:$0x12];
	[sflag:s28] =	ssyncadd.s32 $0xFFFFFFB0  }
0xd6: {  	[tilespmem:s12], [sflag:$0x4] =	stream.indirect.gather [hbm4b:s1+s30], $0x80, s10, s30, $0xb8;
	[tilespmem:$0x1F400] =	vst v63  }
.LBB2_4:
0xd7: {  	_ =	swait.ge [sflag:s13], $0x2800  }
0xd8: {  	[sflag:s13] =	ssyncset.done $0x0  }
0xd9: {  	[sflag:s13] =	ssyncadd.s32 $0xFFFFD800  }
0xda: {  	[spmem:s2] =	stream.indirect.scatter.add.f32 [tilespmem:s31], [sflag:$0x5], $0x80, s25, s30, $0xb8;
	[tilespmem:$0x1F400] =	vst v63  }
0xdb: {  	_ =	swait.ge [sflag:s14], $0x2800  }
0xdc: {  	s7 =	sshrl.u32 s18, $0x3;
	[sflag:s14] =	ssyncset.done $0x0  }
0xdd: {  	s9 =	sadd.s32 s19, s7;
	[sflag:s14] =	ssyncadd.s32 $0xFFFFD800  }
0xde: {  	[tilespmem:s29], [sflag:$0x9] =	stream.linear.gather [hbm4b:s9+s4], $0x50, $0x38;
	[tilespmem:$0x1F400] =	vst v63  }
0xdf: {  	_ =	swait.ge [sflag:s28], $0x50  }
0xe0: {  	[sflag:s28] =	ssyncset.done $0x0  }
0xe1: {  	s7 =	sadd.s32 s20, s7;
	[sflag:s28] =	ssyncadd.s32 $0xFFFFFFB0  }
0xe2: {  	[tilespmem:s25], [sflag:$0x9] =	stream.linear.gather [hbm4b:s7+s4], $0x50, $0x38;
	[tilespmem:$0x1F400] =	vst v63  }
0xe3: {  	_ =	swait.ge [sflag:s28], $0x50  }
0xe4: {  	[sflag:s28] =	ssyncset.done $0x0  }
0xe5: {  	[sflag:s28] =	ssyncadd.s32 $0xFFFFFFB0  }
0xe6: {  	[tilespmem:s31], [sflag:$0x1] =	stream.indirect.gather [hbm4b:s1+s30], $0x80, s29, s30, $0xb8;
	[tilespmem:$0x1F400] =	vst v63  }
0xe7: {  	_ =	swait.ge [sflag:s15], $0x2800  }
0xe8: {  	s3 =	simm.s32 $0x1E280;
	p0 =	seq.s32 s17, $0x4B0;
	[sflag:s15] =	ssyncset.done $0x0  }
0xe9: {  	s5 =	simm.s32 $0x16800;
	s7 =	simm.s32 @p0 $0x3;
	[sflag:s15] =	ssyncadd.s32 $0xFFFFD800  }
0xea: {  	[spmem:s2] =	stream.indirect.scatter.add.f32 [tilespmem:s5], [sflag:$0x6], $0x80, s3, s30, $0xb8;
	[tilespmem:$0x1F400] =	vst v63  }
0xeb: {  	_ =	swait.ge @p0 [sflag:s7], $0x2800  }
0xec: {  	s26 =	simm.s32 @p0 $0x19000;
	[sflag:s7] =	ssyncset.done @p0 $0x0  }
0xed: {  	s9 =	simm.s32 @p0 $0x1E300;
	[sflag:s7] =	ssyncadd.s32 @p0 $0xFFFFD800;
	s7 =	simm.s32 @p0 $0x50  }
0xee: {  	[spmem:s2] =	stream.indirect.scatter.add.f32 @p0 [tilespmem:s26], [sflag:$0x7], $0x80, s9, s7, $0xb8;
	[tilespmem:$0x1F400] =	vst v63  }
0xef: {  	s7 =	simm.s32 @!p0 $0x6  }
0xf0: {  	_ =	swait.ge @!p0 [sflag:s7], $0x2800  }
0xf1: {  	s9 =	simm.s32 @!p0 $0x0;
	[sflag:s7] =	ssyncset.done @!p0 $0x0  }
0xf2: {  	s26 =	simm.s32 @!p0 $0x1E080;
	[sflag:s7] =	ssyncadd.s32 @!p0 $0xFFFFD800;
	s7 =	sadd.s32 @!p0 s17, s24  }
0xf3: {  	[tilespmem:s26], [sflag:$0x9] =	stream.linear.gather @!p0 [hbm4b:s7+s9], $0x50, $0x38;
	[tilespmem:$0x1F400] =	vst v63  }
0xf4: {  	s7 =	simm.s32 @!p0 $0x9  }
0xf5: {  	_ =	swait.ge @!p0 [sflag:s7], $0x50  }
0xf6: {  	[sflag:s7] =	ssyncset.done @!p0 $0x0  }
0xf7: {  	s8 =	simm.s32 @!p0 $0x1E280;
	s3 =	sadd.s32 @!p0 s17, s23;
	[sflag:s7] =	ssyncadd.s32 @!p0 $0xFFFFFFB0  }
0xf8: {  	[tilespmem:s8], [sflag:$0x9] =	stream.linear.gather @!p0 [hbm4b:s3+s9], $0x50, $0x38;
	[tilespmem:$0x1F400] =	vst v63  }
0xf9: {  	_ =	swait.ge @!p0 [sflag:s7], $0x50  }
0xfa: {  	[sflag:s7] =	ssyncset.done @!p0 $0x0  }
0xfb: {  	s3 =	simm.s32 @!p0 $0x50;
	s8 =	simm.s32 @!p0 $0x16800;
	[sflag:s7] =	ssyncadd.s32 @!p0 $0xFFFFFFB0  }
0xfc: {  	[tilespmem:s8], [sflag:$0x2] =	stream.indirect.gather @!p0 [hbm4b:s1+s3], $0x80, s26, s3, $0xb8;
	[tilespmem:$0x1F400] =	vst v63  }
0xfd: {  	s8 =	simm.s32 @!p0 $0x3  }
0xfe: {  	_ =	swait.ge @!p0 [sflag:s8], $0x2800  }
0xff: {  	s5 =	simm.s32 @!p0 $0x7;
	[sflag:s8] =	ssyncset.done @!p0 $0x0  }
0x100: {  	s26 =	simm.s32 @!p0 $0x19000;
	[sflag:s8] =	ssyncadd.s32 @!p0 $0xFFFFD800;
	s8 =	simm.s32 @!p0 $0x1E300  }
0x101: {  	[spmem:s2] =	stream.indirect.scatter.add.f32 @!p0 [tilespmem:s26], [sflag:$0x7], $0x80, s8, s3, $0xb8;
	[tilespmem:$0x1F400] =	vst v63  }
0x102: {  	_ =	swait.ge @!p0 [sflag:s5], $0x2800  }
0x103: {  	[sflag:s5] =	ssyncset.done @!p0 $0x0  }
0x104: {  	s6 =	simm.s32 @!p0 $0x1E100;
	[sflag:s5] =	ssyncadd.s32 @!p0 $0xFFFFD800;
	s5 =	sadd.s32 @!p0 s17, s22  }
0x105: {  	[tilespmem:s6], [sflag:$0x9] =	stream.linear.gather @!p0 [hbm4b:s5+s9], $0x50, $0x38;
	[tilespmem:$0x1F400] =	vst v63  }
0x106: {  	_ =	swait.ge @!p0 [sflag:s7], $0x50  }
0x107: {  	[sflag:s7] =	ssyncset.done @!p0 $0x0  }
0x108: {  	s5 =	sadd.s32 @!p0 s17, s21;
	[sflag:s7] =	ssyncadd.s32 @!p0 $0xFFFFFFB0  }
0x109: {  	[tilespmem:s8], [sflag:$0x9] =	stream.linear.gather @!p0 [hbm4b:s5+s9], $0x50, $0x38;
	[tilespmem:$0x1F400] =	vst v63  }
0x10a: {  	_ =	swait.ge @!p0 [sflag:s7], $0x50  }
0x10b: {  	[sflag:s7] =	ssyncset.done @!p0 $0x0  }
0x10c: {  	[sflag:s7] =	ssyncadd.s32 @!p0 $0xFFFFFFB0  }
0x10d: {  	[tilespmem:s26], [sflag:$0x3] =	stream.indirect.gather @!p0 [hbm4b:s1+s3], $0x80, s6, s3, $0xb8;
	[tilespmem:$0x1F400] =	vst v63  }
.Ltmp3:
0x10e: {  	_ = 	snop;
	(pc) =	sbr.rel @p0 .LBB2_6-.Ltmp3, $4  }
0x10f: {  	_ =	swait.ge [sflag:s16], $0x2800  }
0x110: {  	[sflag:s16] =	ssyncset.done $0x0  }
0x111: {  	[sflag:s16] =	ssyncadd.s32 $0xFFFFD800  }
0x112: {  	[spmem:s2] =	stream.indirect.scatter.add.f32 [tilespmem:s12], [sflag:$0x8], $0x80, s11, s30, $0xb8;
	[tilespmem:$0x1F400] =	vst v63  }
0x113: {  	_ =	swait.ge [sflag:s0], $0x2800  }
0x114: {  	[sflag:s0] =	ssyncset.done $0x0;
	s3 =	rddreg [dreg:$0x11]  }
0x115: {  	[sflag:s0] =	ssyncadd.s32 $0xFFFFD800;
	s3 =	sadd.s32 s17, s3  }
0x116: {  	[tilespmem:s10], [sflag:$0x9] =	stream.linear.gather [hbm4b:s3+s4], $0x50, $0x38;
	[tilespmem:$0x1F400] =	vst v63  }
0x117: {  	_ =	swait.ge [sflag:s28], $0x50  }
0x118: {  	[sflag:s28] =	ssyncset.done $0x0;
	s26 =	rddreg [dreg:$0x10]  }
0x119: {  	[sflag:s28] =	ssyncadd.s32 $0xFFFFFFB0;
	s3 =	sadd.s32 s17, s26  }
0x11a: {  	[tilespmem:s11], [sflag:$0x9] =	stream.linear.gather [hbm4b:s3+s4], $0x50, $0x38;
	[tilespmem:$0x1F400] =	vst v63  }
.Ltmp4:
0x11b: {  	_ = 	snop;
	(pc) =	sbr.rel .LBB2_4-.Ltmp4, $4  }
0x11c: {  	_ =	swait.ge [sflag:s28], $0x50  }
0x11d: {  	[sflag:s28] =	ssyncset.done $0x0  }
0x11e: {  	s18 =	sadd.s32 $0x140, s18;
	s17 =	sadd.s32 $0x28, s17;
	[sflag:s28] =	ssyncadd.s32 $0xFFFFFFB0  }
0x11f: {  	[tilespmem:s12], [sflag:$0x4] =	stream.indirect.gather [hbm4b:s1+s30], $0x80, s10, s30, $0xb8;
	[tilespmem:$0x1F400] =	vst v63  }
.LBB2_7:
0x120: {  	_ =	sfence.sel $0x180000  }
0x121: {  	[bflag:$0x0] =	sbarrier.arrive $0xFFFF  }
0x122: {  	_ =	strace $0x9000004D  }
0x123: {  	s0 =	stileid.u32;
	[bflag:$0x2] =	sbarrier.arrive $0xFFFF  }
0x124: {  	p0 =	sne.s32 s0, $0x0;
	s0 =	rddreg [dreg:$0x3]  }
0x125: {  	s0 =	sadd.s32 @!p0 $0x100000, s0  }
0x126: {  	[sflag:s0] =	ssyncadd.tile.s32 @!p0 $0x1;
	_ =	shalt  }
.Lfunc_end2:
_tile_overlayer_lowered:
.L_overlay_start_2:
0x127: {  	(tag) =	ssettag $0x2  }
0x128: {  	s0 =	rddreg [dreg:$0x0];
	s2 =	stileid.u32  }
0x129: {  	s1 =	rddreg [dreg:$0x1];
	p0 =	sne.s32 s2, $0x0  }
0x12a: {  	s3 =	rddreg [dreg:$0x2];
	[bflag:$0x3] =	sbarrier.arrive $0xFFFF;
	s2 =	simm.s32 @!p0 $0x1C09  }
0x12b: {  	[timem:s3], [sflag:s2] =	dma.local @!p0 [hbm:s0], s1  }
0x12c: {  	s0 =	simm.s32 @!p0 $0x9  }
0x12d: {  	_ =	swait.ge @!p0 [sflag:s0], s1  }
0x12e: {  	s1 =	ssub.s32 @!p0 $0x0, s1;
	[sflag:s0] =	ssyncset.done @!p0 $0x0  }
0x12f: {  	[sflag:s0] =	ssyncadd.s32 @!p0 s1  }
0x130: {  	[bflag:$0x3] =	sbarrier.arrive $0xFFFF  }
0x131: {  	_ =	shalt  }

// kernel: kernel.8.cloned.1.call-start
scs
__scs_entry_jumppad:
0x0: {  	(pc) =	sbr.rel $0x88, $3  }
0x1: {  	(tag) =	ssettag $0x0;
	lr =	simm.s32 $0x1  }
0x2: {  	[smem:$0x3F9B] =	sst lr;
	_ =	strace $0xD0000000  }
0x3: {  	_ = 	snop  }
0x4: {  	_ = 	snop  }
0x5: {  	_ = 	snop  }
0x6: {  	_ = 	snop  }
0x7: {  	_ = 	snop  }
__scs_overlays_trampoline_lowered:
0x8: {  	[smem:$0x3FAA] =	sst s0  }
0x9: {  	[smem:$0x3FAB] =	sst s1  }
0xa: {  	[smem:$0x3FAC] =	sst s2  }
0xb: {  	[smem:$0x3FAD] =	sst s3  }
0xc: {  	[smem:$0x3FAE] =	sst s4  }
0xd: {  	[smem:$0x3FAF] =	sst s5  }
0xe: {  	[smem:$0x3FB0] =	sst s6  }
0xf: {  	[smem:$0x3FB1] =	sst s7  }
0x10: {  	[smem:$0x3FB2] =	sst s8  }
0x11: {  	[smem:$0x3FB3] =	sst s9;
	s0 =	simm.s32 @!p0 $0x0  }
0x12: {  	s1 =	sld [smem:$0x3F99];
	s0 =	simm.s32 @p0 $0x1  }
0x13: {  	[smem:$0x3FB4] =	sst s0;
	s0 =	simm.s32 @!p1 $0x0  }
0x14: {  	s2 =	sld [smem:$0x3F98];
	s0 =	simm.s32 @p1 $0x1  }
0x15: {  	[smem:$0x3FB5] =	sst s0;
	s0 =	simm.s32 @!p2 $0x0  }
0x16: {  	s3 =	sld [smem:$0x3FDB];
	s0 =	simm.s32 @p2 $0x1  }
0x17: {  	s4 =	simm.s32 $0x1BF5;
	[smem:$0x3FB7] =	sst s0  }
0x18: {  	s0 =	sld [smem:$0x3F9A];
	_ =	swait.ge [sflag:s4], $0x0  }
0x19: {  	s7 =	sld [smem:$0x3F9B]  }
0x1a: {  	s8 =	sadd.s32 $0xFFFFE003, lr  }
0x1b: {  	s9 =	sadd.s32 $0xFFFFFEF7, lr;
	s5 =	simm.s32 $0xFFFFFFFF;
	p2 =	slt.u32 s8, $0xFFFFF086  }
0x1c: {  	p1 =	slt.u32 s9, $0xF7A;
	s5 =	simm.s32 @!p2 $0x0  }
0x1d: {  	s5 =	simm.s32 @p1 $0x1;
	p0 =	seq.s32 s7, s2  }
0x1e: {  	s7 =	smul.u32 @!p0 $0xF7A, s2;
	p2 =	seq.s32 @!p0 s5, $0x0  }
0x1f: {  	s9 =	smul.u32 $0xF7A, s1;
	s8 =	simm.s32 @!p0 $0x1BF5;
	p2 =	por !p2, p0  }
0x20: {  	[sflag:s8] =	ssyncset.s32 @!p0 $0xFFFFF086;
	s6 =	sadd.s32 @!p0 s3, s7;
	s7 =	simm.s32 @!p0 $0x108  }
0x21: {  	s3 =	sadd.s32 s3, s9;
	s6 =	sadd.s32 @!p0 $0x88, s6;
	s7 =	simm.s32 @p2 $0x1082  }
0x22: {  	[simem:s7], [sflag:s8] =	dma.local @!p0 [hbm:s6], $0xF7A  }
0x23: {  	s9 =	sor.u32 $0xD0000000, s2;
	s6 =	simm.s32 $0x108;
	_ =	swait.ge @!p0 [sflag:s8], $0x0  }
0x24: {  	s3 =	sadd.s32 $0x88, s3;
	s6 =	simm.s32 @!p1 $0x1082;
	[sflag:s4] =	ssyncset.s32 $0xFFFFF086  }
0x25: {  	[simem:s6], [sflag:s4] =	dma.local [hbm:s3], $0xF7A  }
0x26: {  	[smem:$0x3F9B] =	sst s1;
	(tag) =	ssettag s2;
	_ =	strace s9  }
0x27: {  	s1 =	sld [smem:$0x3FAB]  }
0x28: {  	s2 =	sld [smem:$0x3FAC]  }
0x29: {  	s4 =	sld [smem:$0x3FAE]  }
0x2a: {  	p0 =	seq.s32 s5, $0x0;
	s5 =	sld [smem:$0x3FAF]  }
0x2b: {  	s6 =	sld [smem:$0x3FB0]  }
0x2c: {  	s7 =	sld [smem:$0x3FB1]  }
0x2d: {  	s3 =	simm.s32 $0x108;
	s8 =	sld [smem:$0x3FB2]  }
0x2e: {  	s3 =	simm.s32 @!p0 $0x1082;
	s9 =	sld [smem:$0x3FB3]  }
0x2f: {  	lr =	sadd.s32 s0, s3;
	s0 =	sld [smem:$0x3FAA]  }
0x30: {  	s3 =	sld [smem:$0x3FAD]  }
0x31: {  	[smem:$0x3FB6] =	sst s10  }
0x32: {  	s10 =	sld [smem:$0x3FB4];
	_ =	sdelay $0x3  }
0x33: {  	p0 =	seq.s32 s10, $0x1;
	s10 =	sld [smem:$0x3FB6];
	_ =	sdelay $0x3  }
0x34: {  	[smem:$0x3FB6] =	sst s10  }
0x35: {  	s10 =	sld [smem:$0x3FB5];
	_ =	sdelay $0x3  }
0x36: {  	p1 =	seq.s32 s10, $0x1;
	s10 =	sld [smem:$0x3FB6];
	_ =	sdelay $0x3  }
0x37: {  	[smem:$0x3FB6] =	sst s10  }
0x38: {  	s10 =	sld [smem:$0x3FB7]  }
0x39: {  	_ = 	snop;
	(pc) =	sbr.ind lr, $3  }
0x3a: {  	_ = 	snop  }
0x3b: {  	_ = 	snop  }
0x3c: {  	p2 =	seq.s32 s10, $0x1;
	s10 =	sld [smem:$0x3FB6]  }
0x3d: {  	_ =	shalt  }
0x3e: {  	_ =	shalt  }
0x3f: {  	_ =	shalt  }
0x40: {  	_ =	shalt  }
0x41: {  	_ =	shalt  }
0x42: {  	_ =	shalt  }
0x43: {  	_ =	shalt  }
0x44: {  	_ =	shalt  }
0x45: {  	_ =	shalt  }
0x46: {  	_ =	shalt  }
0x47: {  	_ =	shalt  }
0x48: {  	_ =	shalt  }
0x49: {  	_ =	shalt  }
0x4a: {  	_ =	shalt  }
0x4b: {  	_ =	shalt  }
0x4c: {  	_ =	shalt  }
0x4d: {  	_ =	shalt  }
0x4e: {  	_ =	shalt  }
0x4f: {  	_ =	shalt  }
0x50: {  	_ =	shalt  }
0x51: {  	_ =	shalt  }
0x52: {  	_ =	shalt  }
0x53: {  	_ =	shalt  }
0x54: {  	_ =	shalt  }
0x55: {  	_ =	shalt  }
0x56: {  	_ =	shalt  }
0x57: {  	_ =	shalt  }
0x58: {  	_ =	shalt  }
0x59: {  	_ =	shalt  }
0x5a: {  	_ =	shalt  }
0x5b: {  	_ =	shalt  }
0x5c: {  	_ =	shalt  }
0x5d: {  	_ =	shalt  }
0x5e: {  	_ =	shalt  }
0x5f: {  	_ =	shalt  }
0x60: {  	_ =	shalt  }
0x61: {  	_ =	shalt  }
0x62: {  	_ =	shalt  }
0x63: {  	_ =	shalt  }
0x64: {  	_ =	shalt  }
0x65: {  	_ =	shalt  }
0x66: {  	_ =	shalt  }
0x67: {  	_ =	shalt  }
0x68: {  	_ =	shalt  }
0x69: {  	_ =	shalt  }
0x6a: {  	_ =	shalt  }
0x6b: {  	_ =	shalt  }
0x6c: {  	_ =	shalt  }
0x6d: {  	_ =	shalt  }
0x6e: {  	_ =	shalt  }
0x6f: {  	_ =	shalt  }
0x70: {  	_ =	shalt  }
0x71: {  	_ =	shalt  }
0x72: {  	_ =	shalt  }
0x73: {  	_ =	shalt  }
0x74: {  	_ =	shalt  }
0x75: {  	_ =	shalt  }
0x76: {  	_ =	shalt  }
0x77: {  	_ =	shalt  }
0x78: {  	_ =	shalt  }
0x79: {  	_ =	shalt  }
0x7a: {  	_ =	shalt  }
0x7b: {  	_ =	shalt  }
0x7c: {  	_ =	shalt  }
0x7d: {  	_ =	shalt  }
0x7e: {  	_ =	shalt  }
0x7f: {  	_ =	shalt  }
0x80: {  	_ =	shalt  }
0x81: {  	_ =	shalt  }
0x82: {  	_ =	shalt  }
0x83: {  	_ =	shalt  }
0x84: {  	_ =	shalt  }
0x85: {  	_ =	shalt  }
0x86: {  	_ =	shalt  }
0x87: {  	_ =	shalt  }
.Lfunc_end0:
.L_simem_size_0:
called_computation_lowered:
.L_overlay_start_0:
0x88: {  	s2 =	sld [smem:$0x3FD9]  }
0x89: {  	s3 =	sld [smem:$0x3FFE];
	_ =	sdelay $0x1  }
0x8a: {  	s1 =	srdreg.scid  }
0x8b: {  	s0 =	sand.u32 $0x1, s1  }
0x8c: {  	s17 =	sshll.u32 s0, $0xA;
	s2 =	sadd.s32 s3, s2  }
0x8d: {  	s2 =	sadd.s32 s2, s17  }
0x8e: {  	[smem:$0x3FC2] =	sst s2  }
0x8f: {  	_ = 	snop  }
0x90: {  	s2 =	sld [smem:$0x3FD0];
	(tm) =	ssettm $0x1  }
0x91: {  	s18 =	sld [smem:$0x3FFB];
	_ =	sdelay $0x3  }
0x92: {  	_ =	strace s18  }
0x93: {  	s3 =	sld [smem:$0x3FFC];
	_ =	sdelay $0x3  }
0x94: {  	_ =	strace s3  }
0x95: {  	s3 =	sld [smem:$0x3FFD];
	_ =	sdelay $0x3  }
0x96: {  	_ =	strace s3  }
0x97: {  	_ =	strace $0x8FFFFFFF  }
0x98: {  	s19 =	sld [smem:$0x3FDB];
	_ =	sdelay $0x1  }
0x99: {  	s4 =	simm.s32 $_scs_section_size  }
0x9a: {  	s5 =	simm.s32 $_size__tile_overlayer_lowered;
	s6 =	simm.s32 $_tile_overlayer_lowered  }
0x9b: {  	s22 =	simm.s32 $0x1BFF;
	s21 =	sshll.u32 s6, $0x1;
	s3 =	sadd.s32 s4, s19  }
0x9c: {  	s7 =	simm.s32 $0x0;
	s20 =	sshll.u32 s5, $0x1;
	s5 =	sadd.s32 s21, s3  }
0x9d: {  	[timem:s7], [sflag:s22] =	dma.local [hbm:s5], s20  }
0x9e: {  	_ =	swait.ge [sflag:s22], s20  }
0x9f: {  	s4 =	ssub.s32 $0x0, s20;
	[sflag:s22] =	ssyncset.done $0x0  }
0xa0: {  	[sflag:s22] =	ssyncadd.s32 s4;
	_ =	sdelay $0x1  }
0xa1: {  	s23 =	simm.s32 $0x1B8B  }
0xa2: {  	_ =	swait.ge [sflag:s23], $0x1  }
0xa3: {  	[sflag:s23] =	ssyncset.done $0x0  }
0xa4: {  	s25 =	simm.s32 $0x1B8E;
	s24 =	sld [smem:$0x3FFE];
	[sflag:s23] =	ssyncadd.s32 $0xFFFFFFFF  }
0xa5: {  	s26 =	simm.s32 $execute0_lowered;
	[smem:$0x3FD2] =	sst s25  }
0xa6: {  	s5 =	sshll.u32 s26, $0x1;
	_ =	strace $0x80000046;
	[dreg:$0x1] =	wrdreg $0xFFFFFFFF  }
0xa7: {  	s28 =	simm.s32 $_size_execute0_lowered;
	s3 =	sadd.s32 s3, s5;
	[dreg:$0x0] =	wrdreg $0x0  }
0xa8: {  	s5 =	sshll.u32 s28, $0x1;
	[dreg:$0x2] =	wrdreg s3  }
0xa9: {  	[dreg:$0x3] =	wrdreg s5  }
0xaa: {  	[dreg:$0x4] =	wrdreg $0xC0  }
0xab: {  	_ =	task [dreg:s7], $0x5FFFF  }
0xac: {  	[dreg:$0x1] =	wrdreg $0xFFFFFFFF  }
0xad: {  	[dreg:$0x0] =	wrdreg $0x60  }
0xae: {  	[dreg:$0x2] =	wrdreg s24  }
0xaf: {  	[dreg:$0x3] =	wrdreg s2  }
0xb0: {  	[dreg:$0x4] =	wrdreg $0x0  }
0xb1: {  	[dreg:$0x5] =	wrdreg $0x2800  }
0xb2: {  	[dreg:$0x6] =	wrdreg $0x9  }
0xb3: {  	_ =	task.clear_ibuf [dreg:s7], $0x7FFFF;
	_ =	strace $0x90000046  }
0xb4: {  	s29 =	simm.s32 $0x9;
	_ =	strace $0x80000048  }
0xb5: {  	_ =	swait.ge [sflag:s29], $0x1  }
0xb6: {  	[sflag:s29] =	ssyncadd.s32 $0xFFFFFFFF  }
0xb7: {  	_ =	strace $0x90000048  }
0xb8: {  	_ =	sfence  }
0xb9: {  	s30 =	sld [smem:$0x0];
	_ =	sdelay $0x2  }
0xba: {  	s31 =	sshll.u32 s1, $0xD;
	s1 =	sshrl.u32 s1, $0x2  }
0xbb: {  	s3 =	sand.u32 $0x4000, s31;
	s1 =	sadd.s32 s1, s30  }
0xbc: {  	s0 =	sor.u32 s3, s0;
	s1 =	sshll.u32 s1, $0x11  }
0xbd: {  	s0 =	sor.u32 s1, s0  }
0xbe: {  	s0 =	sadd.s32 $0x8F2B, s0  }
0xbf: {  	[sflag:s0] =	ssyncadd.remote.s32 $0x1  }
0xc0: {  	_ =	sfence.sel $0xFFFF  }
0xc1: {  	[dreg:$0x0] =	wrdreg $0xFFFFFFFF;
	(pc) =	sbr.abs _section_cstart, $3  }
0xc2: {  	[dreg:$0x1] =	wrdreg $0xFFFFFFFF  }
0xc3: {  	_ =	task.clear_ibuf [dreg:s7], $0x2FFFF;
	_ =	strace $0x9FFFFFFF  }
0xc4: {  	(tm) =	ssettm $0x7FFFFFFF  }
0xc5: {  	_ =	shalt  }
tec
execute0_lowered:
.L_overlay_start_1:
0x0: {  	(tag) =	ssettag $0x1  }
0x1: {  	s5 =	rddreg [dreg:$0x0]  }
0x2: {  	s8 =	rddreg [dreg:$0x1]  }
0x3: {  	s2 =	rddreg [dreg:$0x2]  }
0x4: {  	s0 =	srdreg.scid;
	s3 =	rddreg [dreg:$0x3];
	s4 =	simm.s32 $0x0  }
0x5: {  	s14 =	simm.s32 $0x2C80;
	s15 =	simm.s32 $0x2710;
	s16 =	simm.s32 $0x500  }
0x6: {  	s19 =	simm.s32 $0x20;
	s20 =	simm.s32 $0x10;
	s6 =	sand.u32 $0x1, s0  }
0x7: {  	s22 =	simm.s32 $0x0;
	s0 =	stileid.u32;
	s9 =	smul.u32 $0x5000, s6  }
0x8: {  	[smem:$0x7FF] =	sst s4;
	s1 =	sshll.u32 s6, $0x4;
	s10 =	smul.u32 $0x500, s0  }
0x9: {  	s6 =	ssub.s32 $0x2, s6;
	s11 =	smul.u32 $0x280, s0;
	s17 =	sshll.u32 s0, $0x6  }
0xa: {  	s1 =	sor.u32 s0, s1;
	s30 =	sshrl.u32 s6, $0x1;
	s17 =	sor.u32 $0x1C01, s17  }
0xb: {  	s7 =	smul.u32 $0x4E2, s1;
	s1 =	rddreg [dreg:$0x4];
	_ =	strace $0x80000047  }
0xc: {  	s31 =	sadd.s32 s10, s9;
	s13 =	ssub.s32 s6, s30;
	s6 =	sadd.s32 s11, s3  }
0xd: {  	s9 =	sshrl.u32 s31, $0x3;
	s21 =	sshrl.u32 s6, $0x3;
	s12 =	sadd.s32 s7, s5  }
0xe: {  	s5 =	sadd.s32 s11, s2;
	s8 =	sadd.s32 s8, s9;
	s11 =	smax.u32 s13, $0x1  }
0xf: {  	s13 =	simm.s32 $0x1;
	s7 =	sadd.s32 $0xBC00, s12;
	s9 =	sadd.s32 $0x1E00, s12  }
0x10: {  	v0 =	vimm.f32 $0.0e+00;
	v1 =	vimm.f32 $1.000000000e+00;
	s10 =	sadd.s32 $0x10, s8;
	s12 =	simm.s32 $0x5400;
	s18 =	sshrl.u32 s5, $0x3  }
.LBB2_1:
0x11: {  	[tilespmem:$0x5400] =	vst v0  }
0x12: {  	[tilespmem:$0x5410] =	vst v0  }
0x13: {  	[tilespmem:$0x5420] =	vst v0  }
0x14: {  	[tilespmem:$0x5430] =	vst v0  }
0x15: {  	[tilespmem:$0x5440] =	vst v0  }
0x16: {  	[tilespmem:$0x5450] =	vst v0  }
0x17: {  	[tilespmem:$0x5460] =	vst v0  }
0x18: {  	[tilespmem:$0x5470] =	vst v0  }
0x19: {  	[tilespmem:$0x5480] =	vst v0  }
0x1a: {  	[tilespmem:$0x5490] =	vst v0  }
0x1b: {  	[tilespmem:$0x54A0] =	vst v0  }
0x1c: {  	[tilespmem:$0x54B0] =	vst v0  }
0x1d: {  	[tilespmem:$0x54C0] =	vst v0  }
0x1e: {  	[tilespmem:$0x54D0] =	vst v0  }
0x1f: {  	[tilespmem:$0x54E0] =	vst v0  }
0x20: {  	[tilespmem:$0x54F0] =	vst v0  }
0x21: {  	[tilespmem:$0x5500] =	vst v0  }
0x22: {  	[tilespmem:$0x5510] =	vst v0  }
0x23: {  	[tilespmem:$0x5520] =	vst v0  }
0x24: {  	[tilespmem:$0x5530] =	vst v0  }
0x25: {  	[tilespmem:$0x5540] =	vst v0  }
0x26: {  	[tilespmem:$0x5550] =	vst v0  }
0x27: {  	[tilespmem:$0x5560] =	vst v0  }
0x28: {  	[tilespmem:$0x5570] =	vst v0  }
0x29: {  	[tilespmem:$0x5580] =	vst v0  }
0x2a: {  	[tilespmem:$0x5590] =	vst v0  }
0x2b: {  	[tilespmem:$0x55A0] =	vst v0  }
0x2c: {  	[tilespmem:$0x55B0] =	vst v0  }
0x2d: {  	[tilespmem:$0x55C0] =	vst v0  }
0x2e: {  	[tilespmem:$0x55D0] =	vst v0  }
0x2f: {  	[tilespmem:$0x55E0] =	vst v0  }
0x30: {  	[tilespmem:$0x55F0] =	vst v0  }
0x31: {  	[tilespmem:$0x5600] =	vst v0  }
0x32: {  	[tilespmem:$0x5610] =	vst v0  }
0x33: {  	[tilespmem:$0x5620] =	vst v0  }
0x34: {  	[tilespmem:$0x5630] =	vst v0  }
0x35: {  	[tilespmem:$0x5640] =	vst v0  }
0x36: {  	[tilespmem:$0x5650] =	vst v0  }
0x37: {  	[tilespmem:$0x5660] =	vst v0  }
0x38: {  	[tilespmem:$0x5670] =	vst v0;
	s23 =	simm.s32 $0x40;
	s24 =	simm.s32 $0x0  }
.LBB2_2:
0x39: {  	p0 =	sne.s32 s23, $0x9C00;
	[tilespmem:s24+$0x500] =	vst v1;
	s24 =	smov.u32 s23;
	s23 =	sadd.s32 $0x40, s23  }
.Ltmp0:
0x3a: {  	(pc) =	sbr.rel @p0 .LBB2_2-.Ltmp0, $2  }
0x3b: {  	_ =	sdelay $0x2  }
0x3c: {  	s24 =	sshra.s32 s24, $0x2  }
0x3d: {  	[tilespmem:s24+$0x500] =	vst v1  }
0x3e: {  	[spmem:s5] =	stream.linear.scatter [tilespmem:s12], [sflag:$0x1], $0x280, $0x38;
	[tilespmem:$0x5680] =	vst v63  }
0x3f: {  	_ =	swait.ge [sflag:s13], $0x280  }
0x40: {  	[sflag:s13] =	ssyncset.done $0x0  }
0x41: {  	[sflag:s13] =	ssyncadd.s32 $0xFFFFFD80  }
0x42: {  	[spmem:s6] =	stream.linear.scatter [tilespmem:s12], [sflag:$0x1], $0x280, $0x38;
	[tilespmem:$0x5680] =	vst v63  }
0x43: {  	_ =	swait.ge [sflag:s13], $0x280  }
0x44: {  	[sflag:s13] =	ssyncset.done $0x0  }
0x45: {  	[sflag:s13] =	ssyncadd.s32 $0xFFFFFD80  }
0x46: {  	[bflag:$0x0] =	sbarrier.arrive $0xFFFF  }
0x47: {  	[tilespmem:s14], [sflag:$0x1] =	stream.linear.gather [hbm4b:s7+s4], $0x2710, $0x38;
	[tilespmem:$0x5680] =	vst v63  }
0x48: {  	_ =	swait.ge [sflag:s13], $0x2710  }
0x49: {  	[sflag:s13] =	ssyncset.done $0x0  }
0x4a: {  	[sflag:s13] =	ssyncadd.s32 $0xFFFFD8F0  }
0x4b: {  	[spmem:s2] =	stream.indirect.scatter.add.f32 [tilespmem:s16], [sflag:$0x1], $0x1, s14, s15, $0xb8;
	[tilespmem:$0x5680] =	vst v63  }
0x4c: {  	_ =	swait.ge [sflag:s13], $0x2710  }
0x4d: {  	[sflag:s13] =	ssyncset.done $0x0  }
0x4e: {  	[sflag:s13] =	ssyncadd.s32 $0xFFFFD8F0  }
0x4f: {  	[tilespmem:s14], [sflag:$0x1] =	stream.linear.gather [hbm4b:s9+s4], $0x2710, $0x38;
	[tilespmem:$0x5680] =	vst v63  }
0x50: {  	_ =	swait.ge [sflag:s13], $0x2710  }
0x51: {  	[sflag:s13] =	ssyncset.done $0x0  }
0x52: {  	[sflag:s13] =	ssyncadd.s32 $0xFFFFD8F0  }
0x53: {  	[spmem:s3] =	stream.indirect.scatter.add.f32 [tilespmem:s16], [sflag:$0x1], $0x1, s14, s15, $0xb8;
	[tilespmem:$0x5680] =	vst v63  }
0x54: {  	_ =	swait.ge [sflag:s13], $0x2710  }
0x55: {  	[sflag:s13] =	ssyncset.done $0x0  }
0x56: {  	[sflag:s13] =	ssyncadd.s32 $0xFFFFD8F0  }
0x57: {  	[bflag:$0x0] =	sbarrier.arrive $0xFFFF  }
0x58: {  	[hbm:s8@s19], [sflag:s17] =	dma.strided [spmem:s18@s20], $0x50, s13, $0x10   }
0x59: {  	s22 =	sadd.s32 $0x1, s22;
	_ =	swait.ge [sflag:s13], $0x50  }
0x5a: {  	p0 =	sne.s32 s22, s11;
	[sflag:s13] =	ssyncset.done $0x0  }
.Ltmp1:
0x5b: {  	[sflag:s13] =	ssyncadd.s32 $0xFFFFFFB0;
	(pc) =	sbr.rel @p0 .LBB2_1-.Ltmp1, $4  }
0x5c: {  	[hbm:s10@s19], [sflag:s17] =	dma.strided [spmem:s21@s20], $0x50, s13, $0x10   }
0x5d: {  	_ =	swait.ge [sflag:s13], $0x50  }
0x5e: {  	[sflag:s13] =	ssyncset.done $0x0  }
0x5f: {  	[sflag:s13] =	ssyncadd.s32 $0xFFFFFFB0  }
0x60: {  	_ =	sfence.sel $0x180000  }
0x61: {  	[bflag:$0x0] =	sbarrier.arrive $0xFFFF  }
0x62: {  	p0 =	sne.s32 s0, $0x0;
	_ =	strace $0x90000047  }
0x63: {  	s0 =	sadd.s32 @!p0 $0x100000, s1;
	[bflag:$0x2] =	sbarrier.arrive $0xFFFF  }
0x64: {  	[sflag:s0] =	ssyncadd.tile.s32 @!p0 $0x1;
	_ =	shalt  }
.Lfunc_end2:
_tile_overlayer_lowered:
.L_overlay_start_2:
0x65: {  	(tag) =	ssettag $0x2  }
0x66: {  	s0 =	rddreg [dreg:$0x0];
	s2 =	stileid.u32  }
0x67: {  	s1 =	rddreg [dreg:$0x1];
	p0 =	sne.s32 s2, $0x0  }
0x68: {  	s3 =	rddreg [dreg:$0x2];
	[bflag:$0x3] =	sbarrier.arrive $0xFFFF;
	s2 =	simm.s32 @!p0 $0x1C01  }
0x69: {  	[timem:s3], [sflag:s2] =	dma.local @!p0 [hbm:s0], s1  }
0x6a: {  	s0 =	simm.s32 @!p0 $0x1  }
0x6b: {  	_ =	swait.ge @!p0 [sflag:s0], s1  }
0x6c: {  	s1 =	ssub.s32 @!p0 $0x0, s1;
	[sflag:s0] =	ssyncset.done @!p0 $0x0  }
0x6d: {  	[sflag:s0] =	ssyncadd.s32 @!p0 s1  }
0x6e: {  	[bflag:$0x3] =	sbarrier.arrive $0xFFFF  }
0x6f: {  	_ =	shalt  }

</sc_bundles>
